<compile_context>
chip_gen: v7x
topology: tpu7x:2x2x1
jax: 0.10.2.dev20260603
libtpu: 0.0.44.dev20260713+nightly
codegen_flags: <defaults>
</compile_context>

<pallas_src>
import functools

import jax
import jax.numpy as jnp
from jax import lax
from jax.experimental import pallas as pl
from jax.experimental.pallas import tpu as pltpu
from jax.experimental.pallas import tpu_sc as plsc


def _deg_kernel(E, N):
    EPT = E // 32
    HALF = N // 2
    HPAD = HALF + 8
    NV = EPT // 16

    mesh = plsc.VectorSubcoreMesh(core_axis_name="c", subcore_axis_name="s")

    @functools.partial(
        pl.kernel,
        out_type=jax.ShapeDtypeStruct((32 * N,), jnp.float32),
        mesh=mesh,
        compiler_params=pltpu.CompilerParams(needs_layout_passes=False),
        scratch_types=[
            pltpu.VMEM((EPT,), jnp.int32),
            pltpu.VMEM((16 * HPAD,), jnp.float32),
            pltpu.VMEM((HPAD,), jnp.float32),
        ],
    )
    def deg(dst_hbm, out_hbm, dst_v, hist_v, acc_v):
        cid = lax.axis_index("c")
        sid = lax.axis_index("s")
        wid = sid * 2 + cid
        pltpu.sync_copy(dst_hbm.at[pl.ds(wid * EPT, EPT)], dst_v)
        lane_base = lax.iota(jnp.int32, 16) * HPAD
        ones = jnp.ones((16,), jnp.float32)
        zeros16 = jnp.zeros((16,), jnp.float32)
        for h in range(2):
            lo = h * HALF

            def zbody(j, _):
                hist_v[pl.ds(j * 16, 16)] = zeros16
                return 0
            lax.fori_loop(0, 16 * HPAD // 16, zbody, 0)

            def sbody(j, _):
                d = dst_v[pl.ds(j * 16, 16)]
                m = (d >= lo) & (d < lo + HALF)
                idx = lane_base + (d - lo)
                cur = plsc.load_gather(hist_v, [idx], mask=m)
                plsc.store_scatter(hist_v, [idx], cur + ones, mask=m)
                return 0
            lax.fori_loop(0, NV, sbody, 0)

            def rbody(j, _):
                a = hist_v[pl.ds(j * 16, 16)]
                for l in range(1, 16):
                    a = a + hist_v[pl.ds(l * HPAD + j * 16, 16)]
                acc_v[pl.ds(j * 16, 16)] = a
                return 0
            lax.fori_loop(0, HPAD // 16, rbody, 0)
            pltpu.sync_copy(acc_v.at[pl.ds(0, HALF)],
                            out_hbm.at[pl.ds(wid * N + lo, HALF)])

    return deg


def _proj_kernel(B, N, F, P, OUT, BN):
    grid = (B, P // 2, N // BN)
    NB = N // BN

    def body(x_ref, wz_ref, lwz_ref, wh_ref, lwh_ref, degp_ref, u_ref):
        wc = jnp.concatenate(
            [jnp.dot(wz_ref[...], lwz_ref[:OUT, :],
                     preferred_element_type=jnp.float32),
             jnp.dot(wh_ref[...], lwh_ref[:OUT, :],
                     preferred_element_type=jnp.float32)], axis=1)
        deg = jnp.sum(degp_ref[...], axis=1) + 1.0
        dinv = lax.rsqrt(deg)
        cols = []
        for tt in range(2):
            xt = x_ref[0, tt]
            m = jnp.dot(xt, wc, preferred_element_type=jnp.float32)
            cols.append(m * dinv[:, None])
        u_ref[...] = jnp.concatenate(cols, axis=1)

    return pl.pallas_call(
        body,
        grid=grid,
        in_specs=[
            pl.BlockSpec((1, 2, BN, F), lambda b, tp, nb: (b, tp, nb, 0)),
            pl.BlockSpec((F, OUT), lambda b, tp, nb: (0, 0)),
            pl.BlockSpec((2 * OUT, OUT), lambda b, tp, nb: (0, 0)),
            pl.BlockSpec((F, OUT), lambda b, tp, nb: (0, 0)),
            pl.BlockSpec((2 * OUT, OUT), lambda b, tp, nb: (0, 0)),
            pl.BlockSpec((BN, 32), lambda b, tp, nb: (nb, 0)),
        ],
        out_specs=pl.BlockSpec(
            (BN, 128), lambda b, tp, nb: ((b * (P // 2) + tp) * NB + nb, 0)),
        out_shape=jax.ShapeDtypeStruct((2 * P * N, 128), jnp.float32),
    )


def _agg_kernel(E, N, NSLICE):
    EPT = E // 16
    CH = 2048
    CE = 2000
    NCH = EPT // CE
    G = 64
    NBUF = 4
    SINK = N
    RPT = 624

    mesh = plsc.VectorSubcoreMesh(core_axis_name="c", subcore_axis_name="s")

    @functools.partial(
        pl.kernel,
        out_type=jax.ShapeDtypeStruct((NSLICE * N, 128), jnp.float32),
        mesh=mesh,
        compiler_params=pltpu.CompilerParams(needs_layout_passes=False),
        scratch_types=(
            [pltpu.VMEM((CH,), jnp.int32),
             pltpu.VMEM((CH,), jnp.int32)]
            + [pltpu.VMEM((G,), jnp.int32) for _ in range(2 * NBUF)]
            + [pltpu.VMEM((G, 128), jnp.float32) for _ in range(NBUF)]
            + [pltpu.VMEM_SHARED((N + 8, 128), jnp.float32)]
            + [pltpu.SemaphoreType.DMA for _ in range(2 * NBUF)]
        ),
    )
    def agg(u_hbm, esrc_hbm, edst_hbm, y_hbm, esrc_v, edst_v, *rest):
        gb = rest[0:NBUF]
        db = rest[NBUF:2 * NBUF]
        rb = rest[2 * NBUF:3 * NBUF]
        acc = rest[3 * NBUF]
        sg = rest[3 * NBUF + 1:3 * NBUF + 1 + NBUF]
        ss = rest[3 * NBUF + 1 + NBUF:3 * NBUF + 1 + 2 * NBUF]
        cid = lax.axis_index("c")
        sid = lax.axis_index("s")
        zero16 = jnp.zeros((16,), jnp.int32)
        sink16 = jnp.full((16,), SINK, jnp.int32)
        for q in range((CH - CE) // 16):
            esrc_v[pl.ds(CE + q * 16, 16)] = zero16
            edst_v[pl.ds(CE + q * 16, 16)] = sink16

        def slice_body(s_i, _):
            s = cid * (NSLICE // 2) + s_i
            ubase = pl.multiple_of(s * N, 8)
            pltpu.sync_copy(u_hbm.at[pl.ds(ubase + sid * RPT, RPT)],
                            acc.at[pl.ds(sid * RPT, RPT)])

            @pl.when(sid == 15)
            def _():
                pltpu.sync_copy(
                    u_hbm.at[pl.ds(ubase + 16 * RPT, N - 16 * RPT)],
                    acc.at[pl.ds(16 * RPT, N - 16 * RPT)])
            plsc.subcore_barrier()

            def chunk_body(ch, _):
                ebase = pl.multiple_of(sid * EPT + ch * CE, 8)
                pltpu.sync_copy(esrc_hbm.at[pl.ds(ebase, CE)],
                                esrc_v.at[pl.ds(0, CE)])
                pltpu.sync_copy(edst_hbm.at[pl.ds(ebase, CE)],
                                edst_v.at[pl.ds(0, CE)])

                def build(k, gb_v, db_v):
                    for j in range(G // 16):
                        off = k * G + j * 16
                        gb_v[pl.ds(j * 16, 16)] = \
                            esrc_v[pl.ds(off, 16)] + ubase
                        db_v[pl.ds(j * 16, 16)] = edst_v[pl.ds(off, 16)]

                def ring_body(m, _):
                    k0 = NBUF * m
                    for b in range(NBUF):
                        build(k0 + b, gb[b], db[b])
                        pltpu.async_copy(u_hbm.at[gb[b]], rb[b], sg[b])
                    for b in range(NBUF):
                        pltpu.make_async_copy(u_hbm.at[gb[b]], rb[b],
                                              sg[b]).wait()
                        pltpu.async_copy(rb[b], acc.at[db[b]], ss[b],
                                         add=True)
                    for b in range(NBUF):
                        pltpu.make_async_copy(rb[b], acc.at[db[b]],
                                              ss[b]).wait()
                    return 0

                lax.fori_loop(0, CH // G // NBUF, ring_body, 0)
                return 0

            lax.fori_loop(0, NCH, chunk_body, 0)
            plsc.subcore_barrier()
            pltpu.sync_copy(acc.at[pl.ds(sid * RPT, RPT)],
                            y_hbm.at[pl.ds(ubase + sid * RPT, RPT)])

            @pl.when(sid == 15)
            def _():
                pltpu.sync_copy(
                    acc.at[pl.ds(16 * RPT, N - 16 * RPT)],
                    y_hbm.at[pl.ds(ubase + 16 * RPT, N - 16 * RPT)])
            plsc.subcore_barrier()
            return 0

        lax.fori_loop(0, NSLICE // 2, slice_body, 0)

    return agg


def _fin_kernel(B, N, P, OUT, BN):
    grid = (B, N // BN)
    NB = N // BN

    def body(y0, y1, y2r, y3, y4, y5, degp_ref, bz_ref, lwz_ref, lbz_ref,
             bh_ref, lwh_ref, lbh_ref, att_ref, wout_ref, bout_ref, o_ref):
        ys = (y0, y1, y2r, y3, y4, y5)
        deg = jnp.sum(degp_ref[...], axis=1) + 1.0
        dinv = lax.rsqrt(deg)
        c_z = jnp.dot(bz_ref[...], lwz_ref[:OUT, :],
                      preferred_element_type=jnp.float32) + lbz_ref[...]
        c_h = jnp.dot(bh_ref[...], lwh_ref[:OUT, :],
                      preferred_element_type=jnp.float32) + lbh_ref[...]
        a = att_ref[...]
        ea = jnp.exp(a - jnp.max(a))
        probs = ea / jnp.sum(ea)
        acc = jnp.zeros((BN, OUT), jnp.float32)
        for t in range(P):
            yslice = ys[t // 2][...]
            o = (t % 2) * 2 * OUT
            sz = yslice[:, o:o + OUT] * dinv[:, None] + c_z
            sh = yslice[:, o + OUT:o + 2 * OUT] * dinv[:, None] + c_h
            z = jax.nn.sigmoid(sz)
            ht = jnp.tanh(sh)
            acc = acc + probs[0, t] * (1.0 - z) * ht
        h = jax.nn.relu(acc)
        o_ref[0] = jnp.dot(h, wout_ref[...],
                           preferred_element_type=jnp.float32) + bout_ref[...]

    y_specs = [
        pl.BlockSpec((BN, 128),
                     lambda b, nb, si=si: ((b * (P // 2) + si) * NB + nb, 0))
        for si in range(P // 2)
    ]
    return pl.pallas_call(
        body,
        grid=grid,
        in_specs=y_specs + [
            pl.BlockSpec((BN, 32), lambda b, nb: (nb, 0)),
            pl.BlockSpec((1, OUT), lambda b, nb: (0, 0)),
            pl.BlockSpec((2 * OUT, OUT), lambda b, nb: (0, 0)),
            pl.BlockSpec((1, OUT), lambda b, nb: (0, 0)),
            pl.BlockSpec((1, OUT), lambda b, nb: (0, 0)),
            pl.BlockSpec((2 * OUT, OUT), lambda b, nb: (0, 0)),
            pl.BlockSpec((1, OUT), lambda b, nb: (0, 0)),
            pl.BlockSpec((1, P), lambda b, nb: (0, 0)),
            pl.BlockSpec((OUT, P), lambda b, nb: (0, 0)),
            pl.BlockSpec((1, P), lambda b, nb: (0, 0)),
        ],
        out_specs=pl.BlockSpec((1, BN, P), lambda b, nb: (b, nb, 0)),
        out_shape=jax.ShapeDtypeStruct((B, N, P), jnp.float32),
    )


def kernel(x, edge_index, W_z, b_z, Lw_z, Lb_z, W_r, b_r, Lw_r, Lb_r,
           W_h, b_h, Lw_h, Lb_h, att, W_out, b_out):
    B, N, F, P = x.shape
    E = edge_index.shape[1]
    OUT = W_z.shape[1]
    NSLICE = B * P * 2 * OUT // 128
    assert E % (16 * 2000) == 0 and N == 10000 and NSLICE % 2 == 0

    src = edge_index[0]
    dst = edge_index[1]
    x_t = jnp.transpose(x, (0, 3, 1, 2))

    deg_p = _deg_kernel(E, N)(dst).reshape(32, N).T
    u2 = _proj_kernel(B, N, F, P, OUT, 1000)(
        x_t, W_z, Lw_z, W_h, Lw_h, deg_p)
    y2 = _agg_kernel(E, N, NSLICE)(u2, src, dst)
    fin_in = [y2] * 6 + [
        deg_p, b_z.reshape(1, OUT), Lw_z, Lb_z.reshape(1, OUT),
        b_h.reshape(1, OUT), Lw_h, Lb_h.reshape(1, OUT),
        att.reshape(1, P), W_out, b_out.reshape(1, P)]
    return _fin_kernel(B, N, P, OUT, 1000)(*fin_in)

# --- scband reference (transcript-rebuilt; emitter-appended) ---
"""Pipeline reference for scband-temporal-gnn-25142738550816 (READ-ONLY COPY).

The authoritative reference and input builder live on the scoring server;
editing this copy changes nothing except your own understanding.
"""

import jax, jax.numpy as jnp
import numpy as np

B, N, F, P, OUT, E = 4, 10000, 128, 12, 32, 320000


def setup_inputs(seed: int = 0) -> dict:
    key = jax.random.key(seed)
    ks = jax.random.split(key, 24)
    inp = {}
    inp['x'] = jax.random.normal(ks[0], (B, N, F, P), dtype=jnp.float32)
    inp['edge_index'] = jax.random.randint(ks[1], (2, E), 0, N, dtype=jnp.int32)
    i = 2
    for g in ['z', 'r', 'h']:
        inp['W_' + g] = jax.random.normal(ks[i], (F, OUT), dtype=jnp.float32) * (1.0 / np.sqrt(F)); i += 1
        inp['b_' + g] = jnp.zeros((OUT,), dtype=jnp.float32)
        inp['Lw_' + g] = jax.random.normal(ks[i], (2 * OUT, OUT), dtype=jnp.float32) * (1.0 / np.sqrt(2 * OUT)); i += 1
        inp['Lb_' + g] = jnp.zeros((OUT,), dtype=jnp.float32)
    inp['att'] = jax.random.uniform(ks[i], (P,), dtype=jnp.float32); i += 1
    inp['W_out'] = jax.random.normal(ks[i], (OUT, P), dtype=jnp.float32) * (1.0 / np.sqrt(OUT)); i += 1
    inp['b_out'] = jnp.zeros((P,), dtype=jnp.float32)
    return inp


def _gcn(X, src, dst, norm, W, b):
    # GCNConv with symmetric normalization and self-loops (norm precomputed)
    Xw = X @ W  # (B, N, OUT)
    msgs = Xw[:, src, :] * norm[None, :, None]
    out = jnp.zeros_like(Xw).at[:, dst, :].add(msgs)
    return out + b


def reference(x, edge_index, W_z, b_z, Lw_z, Lb_z, W_r, b_r, Lw_r, Lb_r, W_h, b_h, Lw_h, Lb_h, att, W_out, b_out):
    n = x.shape[1]
    loop = jnp.arange(n, dtype=edge_index.dtype)
    src = jnp.concatenate([edge_index[0], loop])
    dst = jnp.concatenate([edge_index[1], loop])
    deg = jnp.zeros((n,), x.dtype).at[dst].add(1.0)
    dinv = jnp.where(deg > 0, deg ** -0.5, 0.0)
    norm = dinv[src] * dinv[dst]
    probs = jax.nn.softmax(att)
    H0 = jnp.zeros((x.shape[0], n, OUT), x.dtype)
    H_accum = jnp.zeros_like(H0)
    for t in range(x.shape[3]):
        Xt = x[:, :, :, t]
        Z = jax.nn.sigmoid(jnp.concatenate([_gcn(Xt, src, dst, norm, W_z, b_z), H0], axis=-1) @ Lw_z + Lb_z)
        R = jax.nn.sigmoid(jnp.concatenate([_gcn(Xt, src, dst, norm, W_r, b_r), H0], axis=-1) @ Lw_r + Lb_r)
        Ht = jnp.tanh(jnp.concatenate([_gcn(Xt, src, dst, norm, W_h, b_h), H0 * R], axis=-1) @ Lw_h + Lb_h)
        H = Z * H0 + (1.0 - Z) * Ht
        H_accum = H_accum + probs[t] * H
    h = jax.nn.relu(H_accum)
    return h @ W_out + b_out

if __name__ == "__main__":
    import jax
    _d = setup_inputs()
    print(jax.jit(kernel)(*tuple(_d.values())))

</pallas_src>

<mosaic_0001>
#map = affine_map<(d0, d1) -> (0, 0)>
#map1 = affine_map<(d0, d1) -> (0)>
module attributes {stable_mosaic.version = 14 : i64} {
  func.func @agg(%arg0: i32, %arg1: i32, %arg2: memref<240000x128xf32, #tpu.memory_space<hbm>>, %arg3: memref<320000xi32, #tpu.memory_space<hbm>>, %arg4: memref<320000xi32, #tpu.memory_space<hbm>>, %arg5: memref<240000x128xf32, #tpu.memory_space<hbm>>, %arg6: memref<2048xi32, #tpu.memory_space<vmem>>, %arg7: memref<2048xi32, #tpu.memory_space<vmem>>, %arg8: memref<64xi32, #tpu.memory_space<vmem>>, %arg9: memref<64xi32, #tpu.memory_space<vmem>>, %arg10: memref<64xi32, #tpu.memory_space<vmem>>, %arg11: memref<64xi32, #tpu.memory_space<vmem>>, %arg12: memref<64xi32, #tpu.memory_space<vmem>>, %arg13: memref<64xi32, #tpu.memory_space<vmem>>, %arg14: memref<64xi32, #tpu.memory_space<vmem>>, %arg15: memref<64xi32, #tpu.memory_space<vmem>>, %arg16: memref<64x128xf32, #tpu.memory_space<vmem>>, %arg17: memref<64x128xf32, #tpu.memory_space<vmem>>, %arg18: memref<64x128xf32, #tpu.memory_space<vmem>>, %arg19: memref<64x128xf32, #tpu.memory_space<vmem>>, %arg20: memref<10008x128xf32, #tpu.memory_space<vmem_shared>>, %arg21: memref<!tpu.dma_semaphore, #tpu.memory_space<semaphore_mem>>, %arg22: memref<!tpu.dma_semaphore, #tpu.memory_space<semaphore_mem>>, %arg23: memref<!tpu.dma_semaphore, #tpu.memory_space<semaphore_mem>>, %arg24: memref<!tpu.dma_semaphore, #tpu.memory_space<semaphore_mem>>, %arg25: memref<!tpu.dma_semaphore, #tpu.memory_space<semaphore_mem>>, %arg26: memref<!tpu.dma_semaphore, #tpu.memory_space<semaphore_mem>>, %arg27: memref<!tpu.dma_semaphore, #tpu.memory_space<semaphore_mem>>, %arg28: memref<!tpu.dma_semaphore, #tpu.memory_space<semaphore_mem>>) attributes {dimension_semantics = [#tpu.dimension_semantics<core_parallel>, #tpu.dimension_semantics<subcore_parallel>], iteration_bounds = array<i64: 2, 16>, scalar_prefetch = 0 : i64, scratch_operands = 23 : i64, tpu.core_type = #tpu.core_type<sc_vector_subcore>, window_params = [{transform_indices = #map}, {transform_indices = #map1}, {transform_indices = #map1}, {transform_indices = #map}]} {
    %broadcast_in_dim3A = arith.constant 0 : i32
    %broadcast_in_dim3A_0 = vector.broadcast %broadcast_in_dim3A : i32 to vector<16xi32>
    %broadcast_in_dim3A_1 = arith.constant 10000 : i32
    %broadcast_in_dim3A_2 = vector.broadcast %broadcast_in_dim3A_1 : i32 to vector<16xi32>
    %swap3A = arith.constant 2000 : index
    %swap3A_3 = tpu.vector_load %arg6[%swap3A] {strides = array<i32>} : memref<2048xi32, #tpu.memory_space<vmem>>, vector<16xi32>,
    tpu.vector_store %arg6[%swap3A], %broadcast_in_dim3A_0 {strides = array<i32>} : memref<2048xi32, #tpu.memory_space<vmem>>, vector<16xi32>,
    %swap3A_4 = arith.constant 2000 : index
    %swap3A_5 = tpu.vector_load %arg7[%swap3A_4] {strides = array<i32>} : memref<2048xi32, #tpu.memory_space<vmem>>, vector<16xi32>,
    tpu.vector_store %arg7[%swap3A_4], %broadcast_in_dim3A_2 {strides = array<i32>} : memref<2048xi32, #tpu.memory_space<vmem>>, vector<16xi32>,
    %swap3A_6 = arith.constant 2016 : index
    %swap3A_7 = tpu.vector_load %arg6[%swap3A_6] {strides = array<i32>} : memref<2048xi32, #tpu.memory_space<vmem>>, vector<16xi32>,
    tpu.vector_store %arg6[%swap3A_6], %broadcast_in_dim3A_0 {strides = array<i32>} : memref<2048xi32, #tpu.memory_space<vmem>>, vector<16xi32>,
    %swap3A_8 = arith.constant 2016 : index
    %swap3A_9 = tpu.vector_load %arg7[%swap3A_8] {strides = array<i32>} : memref<2048xi32, #tpu.memory_space<vmem>>, vector<16xi32>,
    tpu.vector_store %arg7[%swap3A_8], %broadcast_in_dim3A_2 {strides = array<i32>} : memref<2048xi32, #tpu.memory_space<vmem>>, vector<16xi32>,
    %swap3A_10 = arith.constant 2032 : index
    %swap3A_11 = tpu.vector_load %arg6[%swap3A_10] {strides = array<i32>} : memref<2048xi32, #tpu.memory_space<vmem>>, vector<16xi32>,
    tpu.vector_store %arg6[%swap3A_10], %broadcast_in_dim3A_0 {strides = array<i32>} : memref<2048xi32, #tpu.memory_space<vmem>>, vector<16xi32>,
    %swap3A_12 = arith.constant 2032 : index
    %swap3A_13 = tpu.vector_load %arg7[%swap3A_12] {strides = array<i32>} : memref<2048xi32, #tpu.memory_space<vmem>>, vector<16xi32>,
    tpu.vector_store %arg7[%swap3A_12], %broadcast_in_dim3A_2 {strides = array<i32>} : memref<2048xi32, #tpu.memory_space<vmem>>, vector<16xi32>,
    %scan3A = arith.constant 0 : i32
    %scan3A_14 = arith.constant 0 : i32
    %scan3A_15 = arith.constant 12 : i32
    %scan3A_16 = arith.addi %scan3A_14, %scan3A_15 : i32
    %scan3A_17 = arith.constant 1 : i32
    %scan3A_18 = scf.for %scan3A_20 = %scan3A_14 to %scan3A_16 step %scan3A_17 iter_args(%scan3A_21 = %scan3A) -> (i32)  : i32 {
      %mul3A = arith.constant 12 : i32
      %mul3A_22 = arith.muli %arg0, %mul3A : i32
      %add3A = arith.addi %mul3A_22, %scan3A_20 : i32
      %mul3A_23 = arith.constant 10000 : i32
      %mul3A_24 = arith.muli %add3A, %mul3A_23 : i32
      %multiple_of3A = tpu.assume_multiple %mul3A_24, 8 : i32
      %mul3A_25 = arith.constant 624 : i32
      %mul3A_26 = arith.muli %arg1, %mul3A_25 : i32
      %add3A_27 = arith.addi %multiple_of3A, %mul3A_26 : i32
      %mul3A_28 = arith.constant 624 : i32
      %mul3A_29 = arith.muli %arg1, %mul3A_28 : i32
      "tpu.region"() ({
        %run_scoped3A = tpu.sem_alloc : memref<!tpu.dma_semaphore, #tpu.memory_space<semaphore_mem>>
        %dma_start3A = arith.constant 0 : i32
        %dma_start3A_52 = tpu.memref_slice %arg20[%mul3A_29, %dma_start3A] : memref<10008x128xf32, #tpu.memory_space<vmem_shared>> -> memref<624x128xf32, #tpu.memory_space<vmem_shared>>
        %dma_start3A_53 = arith.constant 0 : i32
        %dma_start3A_54 = tpu.memref_slice %arg2[%add3A_27, %dma_start3A_53] : memref<240000x128xf32, #tpu.memory_space<hbm>> -> memref<624x128xf32, #tpu.memory_space<hbm>>
        tpu.enqueue_dma source(%dma_start3A_54 : memref<624x128xf32, #tpu.memory_space<hbm>>) target(%dma_start3A_52 : memref<624x128xf32, #tpu.memory_space<vmem_shared>>) target_semaphore(%run_scoped3A : memref<!tpu.dma_semaphore, #tpu.memory_space<semaphore_mem>>)
        %dma_wait3A = arith.constant 0 : i32
        %dma_wait3A_55 = tpu.memref_slice %arg20[%mul3A_29, %dma_wait3A] : memref<10008x128xf32, #tpu.memory_space<vmem_shared>> -> memref<624x128xf32, #tpu.memory_space<vmem_shared>>
        %dma_wait3A_56 = arith.constant 0 : i32
        %dma_wait3A_57 = tpu.memref_slice %arg2[%add3A_27, %dma_wait3A_56] : memref<240000x128xf32, #tpu.memory_space<hbm>> -> memref<624x128xf32, #tpu.memory_space<hbm>>
        tpu.wait_dma2 semaphore(%run_scoped3A : memref<!tpu.dma_semaphore, #tpu.memory_space<semaphore_mem>>) src(%dma_wait3A_57 : memref<624x128xf32, #tpu.memory_space<hbm>>) dst(%dma_wait3A_55 : memref<624x128xf32, #tpu.memory_space<vmem_shared>>)
        tpu.yield
      }) : () -> ()
      %eq3A = arith.constant 15 : i32
      %eq3A_30 = arith.cmpi eq, %arg1, %eq3A : i32
      %convert_element_type3A = arith.extui %eq3A_30 : i1 to i32
      %cond3A = arith.constant 0 : i32
      %cond3A_31 = arith.cmpi ne, %convert_element_type3A, %cond3A : i32
      scf.if %cond3A_31 {
        %add3A_52 = arith.constant 9984 : i32
        %add3A_53 = arith.addi %multiple_of3A, %add3A_52 : i32
        "tpu.region"() ({
          %run_scoped3A = tpu.sem_alloc : memref<!tpu.dma_semaphore, #tpu.memory_space<semaphore_mem>>
          %dma_start3A = arith.constant 9984 : i32
          %dma_start3A_54 = arith.constant 0 : i32
          %dma_start3A_55 = tpu.memref_slice %arg20[%dma_start3A, %dma_start3A_54] : memref<10008x128xf32, #tpu.memory_space<vmem_shared>> -> memref<16x128xf32, #tpu.memory_space<vmem_shared>>
          %dma_start3A_56 = arith.constant 0 : i32
          %dma_start3A_57 = tpu.memref_slice %arg2[%add3A_53, %dma_start3A_56] : memref<240000x128xf32, #tpu.memory_space<hbm>> -> memref<16x128xf32, #tpu.memory_space<hbm>>
          tpu.enqueue_dma source(%dma_start3A_57 : memref<16x128xf32, #tpu.memory_space<hbm>>) target(%dma_start3A_55 : memref<16x128xf32, #tpu.memory_space<vmem_shared>>) target_semaphore(%run_scoped3A : memref<!tpu.dma_semaphore, #tpu.memory_space<semaphore_mem>>)
          %dma_wait3A = arith.constant 9984 : i32
          %dma_wait3A_58 = arith.constant 0 : i32
          %dma_wait3A_59 = tpu.memref_slice %arg20[%dma_wait3A, %dma_wait3A_58] : memref<10008x128xf32, #tpu.memory_space<vmem_shared>> -> memref<16x128xf32, #tpu.memory_space<vmem_shared>>
          %dma_wait3A_60 = arith.constant 0 : i32
          %dma_wait3A_61 = tpu.memref_slice %arg2[%add3A_53, %dma_wait3A_60] : memref<240000x128xf32, #tpu.memory_space<hbm>> -> memref<16x128xf32, #tpu.memory_space<hbm>>
          tpu.wait_dma2 semaphore(%run_scoped3A : memref<!tpu.dma_semaphore, #tpu.memory_space<semaphore_mem>>) src(%dma_wait3A_61 : memref<16x128xf32, #tpu.memory_space<hbm>>) dst(%dma_wait3A_59 : memref<16x128xf32, #tpu.memory_space<vmem_shared>>)
          tpu.yield
        }) : () -> ()
      } else {
      }
      %barrier3A = arith.constant 0 : index
      tpu.barrier barrier_id(%barrier3A)
      %scan3A_32 = arith.constant 0 : i32
      %scan3A_33 = arith.constant 0 : i32
      %scan3A_34 = arith.constant 10 : i32
      %scan3A_35 = arith.addi %scan3A_33, %scan3A_34 : i32
      %scan3A_36 = arith.constant 1 : i32
      %scan3A_37 = scf.for %scan3A_52 = %scan3A_33 to %scan3A_35 step %scan3A_36 iter_args(%scan3A_53 = %scan3A_32) -> (i32)  : i32 {
        %mul3A_54 = arith.constant 20000 : i32
        %mul3A_55 = arith.muli %arg1, %mul3A_54 : i32
        %mul3A_56 = arith.constant 2000 : i32
        %mul3A_57 = arith.muli %scan3A_52, %mul3A_56 : i32
        %add3A_58 = arith.addi %mul3A_55, %mul3A_57 : i32
        %multiple_of3A_59 = tpu.assume_multiple %add3A_58, 8 : i32
        "tpu.region"() ({
          %run_scoped3A = tpu.sem_alloc : memref<!tpu.dma_semaphore, #tpu.memory_space<semaphore_mem>>
          %dma_start3A = arith.constant 0 : i32
          %dma_start3A_68 = tpu.memref_slice %arg6[%dma_start3A] : memref<2048xi32, #tpu.memory_space<vmem>> -> memref<2000xi32, #tpu.memory_space<vmem>>
          %dma_start3A_69 = tpu.memref_slice %arg3[%multiple_of3A_59] : memref<320000xi32, #tpu.memory_space<hbm>> -> memref<2000xi32, #tpu.memory_space<hbm>>
          %dma_start3A_70 = arith.constant 0 : i32
          %dma_start3A_71 = tpu.memref_slice %arg6[%dma_start3A_70] : memref<2048xi32, #tpu.memory_space<vmem>> -> memref<2000xi32, #tpu.memory_space<vmem>>
          %dma_start3A_72 = tpu.memref_slice %arg3[%multiple_of3A_59] : memref<320000xi32, #tpu.memory_space<hbm>> -> memref<2000xi32, #tpu.memory_space<hbm>>
          tpu.enqueue_dma source(%dma_start3A_72 : memref<2000xi32, #tpu.memory_space<hbm>>) target(%dma_start3A_71 : memref<2000xi32, #tpu.memory_space<vmem>>) target_semaphore(%run_scoped3A : memref<!tpu.dma_semaphore, #tpu.memory_space<semaphore_mem>>)
          %dma_wait3A = arith.constant 0 : i32
          %dma_wait3A_73 = tpu.memref_slice %arg6[%dma_wait3A] : memref<2048xi32, #tpu.memory_space<vmem>> -> memref<2000xi32, #tpu.memory_space<vmem>>
          %dma_wait3A_74 = tpu.memref_slice %arg3[%multiple_of3A_59] : memref<320000xi32, #tpu.memory_space<hbm>> -> memref<2000xi32, #tpu.memory_space<hbm>>
          %dma_wait3A_75 = arith.constant 0 : i32
          %dma_wait3A_76 = tpu.memref_slice %arg6[%dma_wait3A_75] : memref<2048xi32, #tpu.memory_space<vmem>> -> memref<2000xi32, #tpu.memory_space<vmem>>
          %dma_wait3A_77 = tpu.memref_slice %arg3[%multiple_of3A_59] : memref<320000xi32, #tpu.memory_space<hbm>> -> memref<2000xi32, #tpu.memory_space<hbm>>
          tpu.wait_dma2 semaphore(%run_scoped3A : memref<!tpu.dma_semaphore, #tpu.memory_space<semaphore_mem>>) src(%dma_wait3A_77 : memref<2000xi32, #tpu.memory_space<hbm>>) dst(%dma_wait3A_76 : memref<2000xi32, #tpu.memory_space<vmem>>)
          tpu.yield
        }) : () -> ()
        "tpu.region"() ({
          %run_scoped3A = tpu.sem_alloc : memref<!tpu.dma_semaphore, #tpu.memory_space<semaphore_mem>>
          %dma_start3A = arith.constant 0 : i32
          %dma_start3A_68 = tpu.memref_slice %arg7[%dma_start3A] : memref<2048xi32, #tpu.memory_space<vmem>> -> memref<2000xi32, #tpu.memory_space<vmem>>
          %dma_start3A_69 = tpu.memref_slice %arg4[%multiple_of3A_59] : memref<320000xi32, #tpu.memory_space<hbm>> -> memref<2000xi32, #tpu.memory_space<hbm>>
          %dma_start3A_70 = arith.constant 0 : i32
          %dma_start3A_71 = tpu.memref_slice %arg7[%dma_start3A_70] : memref<2048xi32, #tpu.memory_space<vmem>> -> memref<2000xi32, #tpu.memory_space<vmem>>
          %dma_start3A_72 = tpu.memref_slice %arg4[%multiple_of3A_59] : memref<320000xi32, #tpu.memory_space<hbm>> -> memref<2000xi32, #tpu.memory_space<hbm>>
          tpu.enqueue_dma source(%dma_start3A_72 : memref<2000xi32, #tpu.memory_space<hbm>>) target(%dma_start3A_71 : memref<2000xi32, #tpu.memory_space<vmem>>) target_semaphore(%run_scoped3A : memref<!tpu.dma_semaphore, #tpu.memory_space<semaphore_mem>>)
          %dma_wait3A = arith.constant 0 : i32
          %dma_wait3A_73 = tpu.memref_slice %arg7[%dma_wait3A] : memref<2048xi32, #tpu.memory_space<vmem>> -> memref<2000xi32, #tpu.memory_space<vmem>>
          %dma_wait3A_74 = tpu.memref_slice %arg4[%multiple_of3A_59] : memref<320000xi32, #tpu.memory_space<hbm>> -> memref<2000xi32, #tpu.memory_space<hbm>>
          %dma_wait3A_75 = arith.constant 0 : i32
          %dma_wait3A_76 = tpu.memref_slice %arg7[%dma_wait3A_75] : memref<2048xi32, #tpu.memory_space<vmem>> -> memref<2000xi32, #tpu.memory_space<vmem>>
          %dma_wait3A_77 = tpu.memref_slice %arg4[%multiple_of3A_59] : memref<320000xi32, #tpu.memory_space<hbm>> -> memref<2000xi32, #tpu.memory_space<hbm>>
          tpu.wait_dma2 semaphore(%run_scoped3A : memref<!tpu.dma_semaphore, #tpu.memory_space<semaphore_mem>>) src(%dma_wait3A_77 : memref<2000xi32, #tpu.memory_space<hbm>>) dst(%dma_wait3A_76 : memref<2000xi32, #tpu.memory_space<vmem>>)
          tpu.yield
        }) : () -> ()
        %scan3A_60 = arith.constant 0 : i32
        %scan3A_61 = arith.constant 0 : i32
        %scan3A_62 = arith.constant 8 : i32
        %scan3A_63 = arith.addi %scan3A_61, %scan3A_62 : i32
        %scan3A_64 = arith.constant 1 : i32
        %scan3A_65 = scf.for %scan3A_68 = %scan3A_61 to %scan3A_63 step %scan3A_64 iter_args(%scan3A_69 = %scan3A_60) -> (i32)  : i32 {
          %mul3A_70 = arith.constant 4 : i32
          %mul3A_71 = arith.muli %mul3A_70, %scan3A_68 : i32
          %add3A_72 = arith.constant 0 : i32
          %add3A_73 = arith.addi %mul3A_71, %add3A_72 : i32
          %mul3A_74 = arith.constant 64 : i32
          %mul3A_75 = arith.muli %add3A_73, %mul3A_74 : i32
          %add3A_76 = arith.constant 0 : i32
          %add3A_77 = arith.addi %mul3A_75, %add3A_76 : i32
          %get3A = arith.index_cast %add3A_77 : i32 to index
          %get3A_78 = tpu.vector_load %arg6[%get3A] {strides = array<i32>} : memref<2048xi32, #tpu.memory_space<vmem>>, vector<16xi32>,
          %add3A_79 = vector.broadcast %multiple_of3A : i32 to vector<16xi32>
          %add3A_80 = arith.addi %get3A_78, %add3A_79 : vector<16xi32>
          %swap3A_81 = arith.constant 0 : index
          %swap3A_82 = tpu.vector_load %arg8[%swap3A_81] {strides = array<i32>} : memref<64xi32, #tpu.memory_space<vmem>>, vector<16xi32>,
          tpu.vector_store %arg8[%swap3A_81], %add3A_80 {strides = array<i32>} : memref<64xi32, #tpu.memory_space<vmem>>, vector<16xi32>,
          %get3A_83 = arith.index_cast %add3A_77 : i32 to index
          %get3A_84 = tpu.vector_load %arg7[%get3A_83] {strides = array<i32>} : memref<2048xi32, #tpu.memory_space<vmem>>, vector<16xi32>,
          %swap3A_85 = arith.constant 0 : index
          %swap3A_86 = tpu.vector_load %arg12[%swap3A_85] {strides = array<i32>} : memref<64xi32, #tpu.memory_space<vmem>>, vector<16xi32>,
          tpu.vector_store %arg12[%swap3A_85], %get3A_84 {strides = array<i32>} : memref<64xi32, #tpu.memory_space<vmem>>, vector<16xi32>,
          %mul3A_87 = arith.constant 64 : i32
          %mul3A_88 = arith.muli %add3A_73, %mul3A_87 : i32
          %add3A_89 = arith.constant 16 : i32
          %add3A_90 = arith.addi %mul3A_88, %add3A_89 : i32
          %get3A_91 = arith.index_cast %add3A_90 : i32 to index
          %get3A_92 = tpu.vector_load %arg6[%get3A_91] {strides = array<i32>} : memref<2048xi32, #tpu.memory_space<vmem>>, vector<16xi32>,
          %add3A_93 = vector.broadcast %multiple_of3A : i32 to vector<16xi32>
          %add3A_94 = arith.addi %get3A_92, %add3A_93 : vector<16xi32>
          %swap3A_95 = arith.constant 16 : index
          %swap3A_96 = tpu.vector_load %arg8[%swap3A_95] {strides = array<i32>} : memref<64xi32, #tpu.memory_space<vmem>>, vector<16xi32>,
          tpu.vector_store %arg8[%swap3A_95], %add3A_94 {strides = array<i32>} : memref<64xi32, #tpu.memory_space<vmem>>, vector<16xi32>,
          %get3A_97 = arith.index_cast %add3A_90 : i32 to index
          %get3A_98 = tpu.vector_load %arg7[%get3A_97] {strides = array<i32>} : memref<2048xi32, #tpu.memory_space<vmem>>, vector<16xi32>,
          %swap3A_99 = arith.constant 16 : index
          %swap3A_100 = tpu.vector_load %arg12[%swap3A_99] {strides = array<i32>} : memref<64xi32, #tpu.memory_space<vmem>>, vector<16xi32>,
          tpu.vector_store %arg12[%swap3A_99], %get3A_98 {strides = array<i32>} : memref<64xi32, #tpu.memory_space<vmem>>, vector<16xi32>,
          %mul3A_101 = arith.constant 64 : i32
          %mul3A_102 = arith.muli %add3A_73, %mul3A_101 : i32
          %add3A_103 = arith.constant 32 : i32
          %add3A_104 = arith.addi %mul3A_102, %add3A_103 : i32
          %get3A_105 = arith.index_cast %add3A_104 : i32 to index
          %get3A_106 = tpu.vector_load %arg6[%get3A_105] {strides = array<i32>} : memref<2048xi32, #tpu.memory_space<vmem>>, vector<16xi32>,
          %add3A_107 = vector.broadcast %multiple_of3A : i32 to vector<16xi32>
          %add3A_108 = arith.addi %get3A_106, %add3A_107 : vector<16xi32>
          %swap3A_109 = arith.constant 32 : index
          %swap3A_110 = tpu.vector_load %arg8[%swap3A_109] {strides = array<i32>} : memref<64xi32, #tpu.memory_space<vmem>>, vector<16xi32>,
          tpu.vector_store %arg8[%swap3A_109], %add3A_108 {strides = array<i32>} : memref<64xi32, #tpu.memory_space<vmem>>, vector<16xi32>,
          %get3A_111 = arith.index_cast %add3A_104 : i32 to index
          %get3A_112 = tpu.vector_load %arg7[%get3A_111] {strides = array<i32>} : memref<2048xi32, #tpu.memory_space<vmem>>, vector<16xi32>,
          %swap3A_113 = arith.constant 32 : index
          %swap3A_114 = tpu.vector_load %arg12[%swap3A_113] {strides = array<i32>} : memref<64xi32, #tpu.memory_space<vmem>>, vector<16xi32>,
          tpu.vector_store %arg12[%swap3A_113], %get3A_112 {strides = array<i32>} : memref<64xi32, #tpu.memory_space<vmem>>, vector<16xi32>,
          %mul3A_115 = arith.constant 64 : i32
          %mul3A_116 = arith.muli %add3A_73, %mul3A_115 : i32
          %add3A_117 = arith.constant 48 : i32
          %add3A_118 = arith.addi %mul3A_116, %add3A_117 : i32
          %get3A_119 = arith.index_cast %add3A_118 : i32 to index
          %get3A_120 = tpu.vector_load %arg6[%get3A_119] {strides = array<i32>} : memref<2048xi32, #tpu.memory_space<vmem>>, vector<16xi32>,
          %add3A_121 = vector.broadcast %multiple_of3A : i32 to vector<16xi32>
          %add3A_122 = arith.addi %get3A_120, %add3A_121 : vector<16xi32>
          %swap3A_123 = arith.constant 48 : index
          %swap3A_124 = tpu.vector_load %arg8[%swap3A_123] {strides = array<i32>} : memref<64xi32, #tpu.memory_space<vmem>>, vector<16xi32>,
          tpu.vector_store %arg8[%swap3A_123], %add3A_122 {strides = array<i32>} : memref<64xi32, #tpu.memory_space<vmem>>, vector<16xi32>,
          %get3A_125 = arith.index_cast %add3A_118 : i32 to index
          %get3A_126 = tpu.vector_load %arg7[%get3A_125] {strides = array<i32>} : memref<2048xi32, #tpu.memory_space<vmem>>, vector<16xi32>,
          %swap3A_127 = arith.constant 48 : index
          %swap3A_128 = tpu.vector_load %arg12[%swap3A_127] {strides = array<i32>} : memref<64xi32, #tpu.memory_space<vmem>>, vector<16xi32>,
          tpu.vector_store %arg12[%swap3A_127], %get3A_126 {strides = array<i32>} : memref<64xi32, #tpu.memory_space<vmem>>, vector<16xi32>,
          %dma_start3A = arith.constant 0 : i32
          %dma_start3A_129 = arith.constant 0 : i32
          %dma_start3A_130 = tpu.memref_slice %arg2[%dma_start3A, %dma_start3A_129] : memref<240000x128xf32, #tpu.memory_space<hbm>> -> memref<240000x128xf32, #tpu.memory_space<hbm>>
          tpu.enqueue_indirect_dma source(%dma_start3A_130 : memref<240000x128xf32, #tpu.memory_space<hbm>>) target(%arg16 : memref<64x128xf32, #tpu.memory_space<vmem>>) offsets(%arg8 : memref<64xi32, #tpu.memory_space<vmem>>) semaphore(%arg21 : memref<!tpu.dma_semaphore, #tpu.memory_space<semaphore_mem>>)
          %add3A_131 = arith.constant 1 : i32
          %add3A_132 = arith.addi %mul3A_71, %add3A_131 : i32
          %mul3A_133 = arith.constant 64 : i32
          %mul3A_134 = arith.muli %add3A_132, %mul3A_133 : i32
          %add3A_135 = arith.constant 0 : i32
          %add3A_136 = arith.addi %mul3A_134, %add3A_135 : i32
          %get3A_137 = arith.index_cast %add3A_136 : i32 to index
          %get3A_138 = tpu.vector_load %arg6[%get3A_137] {strides = array<i32>} : memref<2048xi32, #tpu.memory_space<vmem>>, vector<16xi32>,
          %add3A_139 = vector.broadcast %multiple_of3A : i32 to vector<16xi32>
          %add3A_140 = arith.addi %get3A_138, %add3A_139 : vector<16xi32>
          %swap3A_141 = arith.constant 0 : index
          %swap3A_142 = tpu.vector_load %arg9[%swap3A_141] {strides = array<i32>} : memref<64xi32, #tpu.memory_space<vmem>>, vector<16xi32>,
          tpu.vector_store %arg9[%swap3A_141], %add3A_140 {strides = array<i32>} : memref<64xi32, #tpu.memory_space<vmem>>, vector<16xi32>,
          %get3A_143 = arith.index_cast %add3A_136 : i32 to index
          %get3A_144 = tpu.vector_load %arg7[%get3A_143] {strides = array<i32>} : memref<2048xi32, #tpu.memory_space<vmem>>, vector<16xi32>,
          %swap3A_145 = arith.constant 0 : index
          %swap3A_146 = tpu.vector_load %arg13[%swap3A_145] {strides = array<i32>} : memref<64xi32, #tpu.memory_space<vmem>>, vector<16xi32>,
          tpu.vector_store %arg13[%swap3A_145], %get3A_144 {strides = array<i32>} : memref<64xi32, #tpu.memory_space<vmem>>, vector<16xi32>,
          %mul3A_147 = arith.constant 64 : i32
          %mul3A_148 = arith.muli %add3A_132, %mul3A_147 : i32
          %add3A_149 = arith.constant 16 : i32
          %add3A_150 = arith.addi %mul3A_148, %add3A_149 : i32
          %get3A_151 = arith.index_cast %add3A_150 : i32 to index
          %get3A_152 = tpu.vector_load %arg6[%get3A_151] {strides = array<i32>} : memref<2048xi32, #tpu.memory_space<vmem>>, vector<16xi32>,
          %add3A_153 = vector.broadcast %multiple_of3A : i32 to vector<16xi32>
          %add3A_154 = arith.addi %get3A_152, %add3A_153 : vector<16xi32>
          %swap3A_155 = arith.constant 16 : index
          %swap3A_156 = tpu.vector_load %arg9[%swap3A_155] {strides = array<i32>} : memref<64xi32, #tpu.memory_space<vmem>>, vector<16xi32>,
          tpu.vector_store %arg9[%swap3A_155], %add3A_154 {strides = array<i32>} : memref<64xi32, #tpu.memory_space<vmem>>, vector<16xi32>,
          %get3A_157 = arith.index_cast %add3A_150 : i32 to index
          %get3A_158 = tpu.vector_load %arg7[%get3A_157] {strides = array<i32>} : memref<2048xi32, #tpu.memory_space<vmem>>, vector<16xi32>,
          %swap3A_159 = arith.constant 16 : index
          %swap3A_160 = tpu.vector_load %arg13[%swap3A_159] {strides = array<i32>} : memref<64xi32, #tpu.memory_space<vmem>>, vector<16xi32>,
          tpu.vector_store %arg13[%swap3A_159], %get3A_158 {strides = array<i32>} : memref<64xi32, #tpu.memory_space<vmem>>, vector<16xi32>,
          %mul3A_161 = arith.constant 64 : i32
          %mul3A_162 = arith.muli %add3A_132, %mul3A_161 : i32
          %add3A_163 = arith.constant 32 : i32
          %add3A_164 = arith.addi %mul3A_162, %add3A_163 : i32
          %get3A_165 = arith.index_cast %add3A_164 : i32 to index
          %get3A_166 = tpu.vector_load %arg6[%get3A_165] {strides = array<i32>} : memref<2048xi32, #tpu.memory_space<vmem>>, vector<16xi32>,
          %add3A_167 = vector.broadcast %multiple_of3A : i32 to vector<16xi32>
          %add3A_168 = arith.addi %get3A_166, %add3A_167 : vector<16xi32>
          %swap3A_169 = arith.constant 32 : index
          %swap3A_170 = tpu.vector_load %arg9[%swap3A_169] {strides = array<i32>} : memref<64xi32, #tpu.memory_space<vmem>>, vector<16xi32>,
          tpu.vector_store %arg9[%swap3A_169], %add3A_168 {strides = array<i32>} : memref<64xi32, #tpu.memory_space<vmem>>, vector<16xi32>,
          %get3A_171 = arith.index_cast %add3A_164 : i32 to index
          %get3A_172 = tpu.vector_load %arg7[%get3A_171] {strides = array<i32>} : memref<2048xi32, #tpu.memory_space<vmem>>, vector<16xi32>,
          %swap3A_173 = arith.constant 32 : index
          %swap3A_174 = tpu.vector_load %arg13[%swap3A_173] {strides = array<i32>} : memref<64xi32, #tpu.memory_space<vmem>>, vector<16xi32>,
          tpu.vector_store %arg13[%swap3A_173], %get3A_172 {strides = array<i32>} : memref<64xi32, #tpu.memory_space<vmem>>, vector<16xi32>,
          %mul3A_175 = arith.constant 64 : i32
          %mul3A_176 = arith.muli %add3A_132, %mul3A_175 : i32
          %add3A_177 = arith.constant 48 : i32
          %add3A_178 = arith.addi %mul3A_176, %add3A_177 : i32
          %get3A_179 = arith.index_cast %add3A_178 : i32 to index
          %get3A_180 = tpu.vector_load %arg6[%get3A_179] {strides = array<i32>} : memref<2048xi32, #tpu.memory_space<vmem>>, vector<16xi32>,
          %add3A_181 = vector.broadcast %multiple_of3A : i32 to vector<16xi32>
          %add3A_182 = arith.addi %get3A_180, %add3A_181 : vector<16xi32>
          %swap3A_183 = arith.constant 48 : index
          %swap3A_184 = tpu.vector_load %arg9[%swap3A_183] {strides = array<i32>} : memref<64xi32, #tpu.memory_space<vmem>>, vector<16xi32>,
          tpu.vector_store %arg9[%swap3A_183], %add3A_182 {strides = array<i32>} : memref<64xi32, #tpu.memory_space<vmem>>, vector<16xi32>,
          %get3A_185 = arith.index_cast %add3A_178 : i32 to index
          %get3A_186 = tpu.vector_load %arg7[%get3A_185] {strides = array<i32>} : memref<2048xi32, #tpu.memory_space<vmem>>, vector<16xi32>,
          %swap3A_187 = arith.constant 48 : index
          %swap3A_188 = tpu.vector_load %arg13[%swap3A_187] {strides = array<i32>} : memref<64xi32, #tpu.memory_space<vmem>>, vector<16xi32>,
          tpu.vector_store %arg13[%swap3A_187], %get3A_186 {strides = array<i32>} : memref<64xi32, #tpu.memory_space<vmem>>, vector<16xi32>,
          %dma_start3A_189 = arith.constant 0 : i32
          %dma_start3A_190 = arith.constant 0 : i32
          %dma_start3A_191 = tpu.memref_slice %arg2[%dma_start3A_189, %dma_start3A_190] : memref<240000x128xf32, #tpu.memory_space<hbm>> -> memref<240000x128xf32, #tpu.memory_space<hbm>>
          tpu.enqueue_indirect_dma source(%dma_start3A_191 : memref<240000x128xf32, #tpu.memory_space<hbm>>) target(%arg17 : memref<64x128xf32, #tpu.memory_space<vmem>>) offsets(%arg9 : memref<64xi32, #tpu.memory_space<vmem>>) semaphore(%arg22 : memref<!tpu.dma_semaphore, #tpu.memory_space<semaphore_mem>>)
          %add3A_192 = arith.constant 2 : i32
          %add3A_193 = arith.addi %mul3A_71, %add3A_192 : i32
          %mul3A_194 = arith.constant 64 : i32
          %mul3A_195 = arith.muli %add3A_193, %mul3A_194 : i32
          %add3A_196 = arith.constant 0 : i32
          %add3A_197 = arith.addi %mul3A_195, %add3A_196 : i32
          %get3A_198 = arith.index_cast %add3A_197 : i32 to index
          %get3A_199 = tpu.vector_load %arg6[%get3A_198] {strides = array<i32>} : memref<2048xi32, #tpu.memory_space<vmem>>, vector<16xi32>,
          %add3A_200 = vector.broadcast %multiple_of3A : i32 to vector<16xi32>
          %add3A_201 = arith.addi %get3A_199, %add3A_200 : vector<16xi32>
          %swap3A_202 = arith.constant 0 : index
          %swap3A_203 = tpu.vector_load %arg10[%swap3A_202] {strides = array<i32>} : memref<64xi32, #tpu.memory_space<vmem>>, vector<16xi32>,
          tpu.vector_store %arg10[%swap3A_202], %add3A_201 {strides = array<i32>} : memref<64xi32, #tpu.memory_space<vmem>>, vector<16xi32>,
          %get3A_204 = arith.index_cast %add3A_197 : i32 to index
          %get3A_205 = tpu.vector_load %arg7[%get3A_204] {strides = array<i32>} : memref<2048xi32, #tpu.memory_space<vmem>>, vector<16xi32>,
          %swap3A_206 = arith.constant 0 : index
          %swap3A_207 = tpu.vector_load %arg14[%swap3A_206] {strides = array<i32>} : memref<64xi32, #tpu.memory_space<vmem>>, vector<16xi32>,
          tpu.vector_store %arg14[%swap3A_206], %get3A_205 {strides = array<i32>} : memref<64xi32, #tpu.memory_space<vmem>>, vector<16xi32>,
          %mul3A_208 = arith.constant 64 : i32
          %mul3A_209 = arith.muli %add3A_193, %mul3A_208 : i32
          %add3A_210 = arith.constant 16 : i32
          %add3A_211 = arith.addi %mul3A_209, %add3A_210 : i32
          %get3A_212 = arith.index_cast %add3A_211 : i32 to index
          %get3A_213 = tpu.vector_load %arg6[%get3A_212] {strides = array<i32>} : memref<2048xi32, #tpu.memory_space<vmem>>, vector<16xi32>,
          %add3A_214 = vector.broadcast %multiple_of3A : i32 to vector<16xi32>
          %add3A_215 = arith.addi %get3A_213, %add3A_214 : vector<16xi32>
          %swap3A_216 = arith.constant 16 : index
          %swap3A_217 = tpu.vector_load %arg10[%swap3A_216] {strides = array<i32>} : memref<64xi32, #tpu.memory_space<vmem>>, vector<16xi32>,
          tpu.vector_store %arg10[%swap3A_216], %add3A_215 {strides = array<i32>} : memref<64xi32, #tpu.memory_space<vmem>>, vector<16xi32>,
          %get3A_218 = arith.index_cast %add3A_211 : i32 to index
          %get3A_219 = tpu.vector_load %arg7[%get3A_218] {strides = array<i32>} : memref<2048xi32, #tpu.memory_space<vmem>>, vector<16xi32>,
          %swap3A_220 = arith.constant 16 : index
          %swap3A_221 = tpu.vector_load %arg14[%swap3A_220] {strides = array<i32>} : memref<64xi32, #tpu.memory_space<vmem>>, vector<16xi32>,
          tpu.vector_store %arg14[%swap3A_220], %get3A_219 {strides = array<i32>} : memref<64xi32, #tpu.memory_space<vmem>>, vector<16xi32>,
          %mul3A_222 = arith.constant 64 : i32
          %mul3A_223 = arith.muli %add3A_193, %mul3A_222 : i32
          %add3A_224 = arith.constant 32 : i32
          %add3A_225 = arith.addi %mul3A_223, %add3A_224 : i32
          %get3A_226 = arith.index_cast %add3A_225 : i32 to index
          %get3A_227 = tpu.vector_load %arg6[%get3A_226] {strides = array<i32>} : memref<2048xi32, #tpu.memory_space<vmem>>, vector<16xi32>,
          %add3A_228 = vector.broadcast %multiple_of3A : i32 to vector<16xi32>
          %add3A_229 = arith.addi %get3A_227, %add3A_228 : vector<16xi32>
          %swap3A_230 = arith.constant 32 : index
          %swap3A_231 = tpu.vector_load %arg10[%swap3A_230] {strides = array<i32>} : memref<64xi32, #tpu.memory_space<vmem>>, vector<16xi32>,
          tpu.vector_store %arg10[%swap3A_230], %add3A_229 {strides = array<i32>} : memref<64xi32, #tpu.memory_space<vmem>>, vector<16xi32>,
          %get3A_232 = arith.index_cast %add3A_225 : i32 to index
          %get3A_233 = tpu.vector_load %arg7[%get3A_232] {strides = array<i32>} : memref<2048xi32, #tpu.memory_space<vmem>>, vector<16xi32>,
          %swap3A_234 = arith.constant 32 : index
          %swap3A_235 = tpu.vector_load %arg14[%swap3A_234] {strides = array<i32>} : memref<64xi32, #tpu.memory_space<vmem>>, vector<16xi32>,
          tpu.vector_store %arg14[%swap3A_234], %get3A_233 {strides = array<i32>} : memref<64xi32, #tpu.memory_space<vmem>>, vector<16xi32>,
          %mul3A_236 = arith.constant 64 : i32
          %mul3A_237 = arith.muli %add3A_193, %mul3A_236 : i32
          %add3A_238 = arith.constant 48 : i32
          %add3A_239 = arith.addi %mul3A_237, %add3A_238 : i32
          %get3A_240 = arith.index_cast %add3A_239 : i32 to index
          %get3A_241 = tpu.vector_load %arg6[%get3A_240] {strides = array<i32>} : memref<2048xi32, #tpu.memory_space<vmem>>, vector<16xi32>,
          %add3A_242 = vector.broadcast %multiple_of3A : i32 to vector<16xi32>
          %add3A_243 = arith.addi %get3A_241, %add3A_242 : vector<16xi32>
          %swap3A_244 = arith.constant 48 : index
          %swap3A_245 = tpu.vector_load %arg10[%swap3A_244] {strides = array<i32>} : memref<64xi32, #tpu.memory_space<vmem>>, vector<16xi32>,
          tpu.vector_store %arg10[%swap3A_244], %add3A_243 {strides = array<i32>} : memref<64xi32, #tpu.memory_space<vmem>>, vector<16xi32>,
          %get3A_246 = arith.index_cast %add3A_239 : i32 to index
          %get3A_247 = tpu.vector_load %arg7[%get3A_246] {strides = array<i32>} : memref<2048xi32, #tpu.memory_space<vmem>>, vector<16xi32>,
          %swap3A_248 = arith.constant 48 : index
          %swap3A_249 = tpu.vector_load %arg14[%swap3A_248] {strides = array<i32>} : memref<64xi32, #tpu.memory_space<vmem>>, vector<16xi32>,
          tpu.vector_store %arg14[%swap3A_248], %get3A_247 {strides = array<i32>} : memref<64xi32, #tpu.memory_space<vmem>>, vector<16xi32>,
          %dma_start3A_250 = arith.constant 0 : i32
          %dma_start3A_251 = arith.constant 0 : i32
          %dma_start3A_252 = tpu.memref_slice %arg2[%dma_start3A_250, %dma_start3A_251] : memref<240000x128xf32, #tpu.memory_space<hbm>> -> memref<240000x128xf32, #tpu.memory_space<hbm>>
          tpu.enqueue_indirect_dma source(%dma_start3A_252 : memref<240000x128xf32, #tpu.memory_space<hbm>>) target(%arg18 : memref<64x128xf32, #tpu.memory_space<vmem>>) offsets(%arg10 : memref<64xi32, #tpu.memory_space<vmem>>) semaphore(%arg23 : memref<!tpu.dma_semaphore, #tpu.memory_space<semaphore_mem>>)
          %add3A_253 = arith.constant 3 : i32
          %add3A_254 = arith.addi %mul3A_71, %add3A_253 : i32
          %mul3A_255 = arith.constant 64 : i32
          %mul3A_256 = arith.muli %add3A_254, %mul3A_255 : i32
          %add3A_257 = arith.constant 0 : i32
          %add3A_258 = arith.addi %mul3A_256, %add3A_257 : i32
          %get3A_259 = arith.index_cast %add3A_258 : i32 to index
          %get3A_260 = tpu.vector_load %arg6[%get3A_259] {strides = array<i32>} : memref<2048xi32, #tpu.memory_space<vmem>>, vector<16xi32>,
          %add3A_261 = vector.broadcast %multiple_of3A : i32 to vector<16xi32>
          %add3A_262 = arith.addi %get3A_260, %add3A_261 : vector<16xi32>
          %swap3A_263 = arith.constant 0 : index
          %swap3A_264 = tpu.vector_load %arg11[%swap3A_263] {strides = array<i32>} : memref<64xi32, #tpu.memory_space<vmem>>, vector<16xi32>,
          tpu.vector_store %arg11[%swap3A_263], %add3A_262 {strides = array<i32>} : memref<64xi32, #tpu.memory_space<vmem>>, vector<16xi32>,
          %get3A_265 = arith.index_cast %add3A_258 : i32 to index
          %get3A_266 = tpu.vector_load %arg7[%get3A_265] {strides = array<i32>} : memref<2048xi32, #tpu.memory_space<vmem>>, vector<16xi32>,
          %swap3A_267 = arith.constant 0 : index
          %swap3A_268 = tpu.vector_load %arg15[%swap3A_267] {strides = array<i32>} : memref<64xi32, #tpu.memory_space<vmem>>, vector<16xi32>,
          tpu.vector_store %arg15[%swap3A_267], %get3A_266 {strides = array<i32>} : memref<64xi32, #tpu.memory_space<vmem>>, vector<16xi32>,
          %mul3A_269 = arith.constant 64 : i32
          %mul3A_270 = arith.muli %add3A_254, %mul3A_269 : i32
          %add3A_271 = arith.constant 16 : i32
          %add3A_272 = arith.addi %mul3A_270, %add3A_271 : i32
          %get3A_273 = arith.index_cast %add3A_272 : i32 to index
          %get3A_274 = tpu.vector_load %arg6[%get3A_273] {strides = array<i32>} : memref<2048xi32, #tpu.memory_space<vmem>>, vector<16xi32>,
          %add3A_275 = vector.broadcast %multiple_of3A : i32 to vector<16xi32>
          %add3A_276 = arith.addi %get3A_274, %add3A_275 : vector<16xi32>
          %swap3A_277 = arith.constant 16 : index
          %swap3A_278 = tpu.vector_load %arg11[%swap3A_277] {strides = array<i32>} : memref<64xi32, #tpu.memory_space<vmem>>, vector<16xi32>,
          tpu.vector_store %arg11[%swap3A_277], %add3A_276 {strides = array<i32>} : memref<64xi32, #tpu.memory_space<vmem>>, vector<16xi32>,
          %get3A_279 = arith.index_cast %add3A_272 : i32 to index
          %get3A_280 = tpu.vector_load %arg7[%get3A_279] {strides = array<i32>} : memref<2048xi32, #tpu.memory_space<vmem>>, vector<16xi32>,
          %swap3A_281 = arith.constant 16 : index
          %swap3A_282 = tpu.vector_load %arg15[%swap3A_281] {strides = array<i32>} : memref<64xi32, #tpu.memory_space<vmem>>, vector<16xi32>,
          tpu.vector_store %arg15[%swap3A_281], %get3A_280 {strides = array<i32>} : memref<64xi32, #tpu.memory_space<vmem>>, vector<16xi32>,
          %mul3A_283 = arith.constant 64 : i32
          %mul3A_284 = arith.muli %add3A_254, %mul3A_283 : i32
          %add3A_285 = arith.constant 32 : i32
          %add3A_286 = arith.addi %mul3A_284, %add3A_285 : i32
          %get3A_287 = arith.index_cast %add3A_286 : i32 to index
          %get3A_288 = tpu.vector_load %arg6[%get3A_287] {strides = array<i32>} : memref<2048xi32, #tpu.memory_space<vmem>>, vector<16xi32>,
          %add3A_289 = vector.broadcast %multiple_of3A : i32 to vector<16xi32>
          %add3A_290 = arith.addi %get3A_288, %add3A_289 : vector<16xi32>
          %swap3A_291 = arith.constant 32 : index
          %swap3A_292 = tpu.vector_load %arg11[%swap3A_291] {strides = array<i32>} : memref<64xi32, #tpu.memory_space<vmem>>, vector<16xi32>,
          tpu.vector_store %arg11[%swap3A_291], %add3A_290 {strides = array<i32>} : memref<64xi32, #tpu.memory_space<vmem>>, vector<16xi32>,
          %get3A_293 = arith.index_cast %add3A_286 : i32 to index
          %get3A_294 = tpu.vector_load %arg7[%get3A_293] {strides = array<i32>} : memref<2048xi32, #tpu.memory_space<vmem>>, vector<16xi32>,
          %swap3A_295 = arith.constant 32 : index
          %swap3A_296 = tpu.vector_load %arg15[%swap3A_295] {strides = array<i32>} : memref<64xi32, #tpu.memory_space<vmem>>, vector<16xi32>,
          tpu.vector_store %arg15[%swap3A_295], %get3A_294 {strides = array<i32>} : memref<64xi32, #tpu.memory_space<vmem>>, vector<16xi32>,
          %mul3A_297 = arith.constant 64 : i32
          %mul3A_298 = arith.muli %add3A_254, %mul3A_297 : i32
          %add3A_299 = arith.constant 48 : i32
          %add3A_300 = arith.addi %mul3A_298, %add3A_299 : i32
          %get3A_301 = arith.index_cast %add3A_300 : i32 to index
          %get3A_302 = tpu.vector_load %arg6[%get3A_301] {strides = array<i32>} : memref<2048xi32, #tpu.memory_space<vmem>>, vector<16xi32>,
          %add3A_303 = vector.broadcast %multiple_of3A : i32 to vector<16xi32>
          %add3A_304 = arith.addi %get3A_302, %add3A_303 : vector<16xi32>
          %swap3A_305 = arith.constant 48 : index
          %swap3A_306 = tpu.vector_load %arg11[%swap3A_305] {strides = array<i32>} : memref<64xi32, #tpu.memory_space<vmem>>, vector<16xi32>,
          tpu.vector_store %arg11[%swap3A_305], %add3A_304 {strides = array<i32>} : memref<64xi32, #tpu.memory_space<vmem>>, vector<16xi32>,
          %get3A_307 = arith.index_cast %add3A_300 : i32 to index
          %get3A_308 = tpu.vector_load %arg7[%get3A_307] {strides = array<i32>} : memref<2048xi32, #tpu.memory_space<vmem>>, vector<16xi32>,
          %swap3A_309 = arith.constant 48 : index
          %swap3A_310 = tpu.vector_load %arg15[%swap3A_309] {strides = array<i32>} : memref<64xi32, #tpu.memory_space<vmem>>, vector<16xi32>,
          tpu.vector_store %arg15[%swap3A_309], %get3A_308 {strides = array<i32>} : memref<64xi32, #tpu.memory_space<vmem>>, vector<16xi32>,
          %dma_start3A_311 = arith.constant 0 : i32
          %dma_start3A_312 = arith.constant 0 : i32
          %dma_start3A_313 = tpu.memref_slice %arg2[%dma_start3A_311, %dma_start3A_312] : memref<240000x128xf32, #tpu.memory_space<hbm>> -> memref<240000x128xf32, #tpu.memory_space<hbm>>
          tpu.enqueue_indirect_dma source(%dma_start3A_313 : memref<240000x128xf32, #tpu.memory_space<hbm>>) target(%arg19 : memref<64x128xf32, #tpu.memory_space<vmem>>) offsets(%arg11 : memref<64xi32, #tpu.memory_space<vmem>>) semaphore(%arg24 : memref<!tpu.dma_semaphore, #tpu.memory_space<semaphore_mem>>)
          %dma_wait3A = arith.constant 0 : i32
          %dma_wait3A_314 = arith.constant 0 : i32
          %dma_wait3A_315 = tpu.memref_slice %arg2[%dma_wait3A, %dma_wait3A_314] : memref<240000x128xf32, #tpu.memory_space<hbm>> -> memref<240000x128xf32, #tpu.memory_space<hbm>>
          tpu.wait_indirect_dma semaphore(%arg21 : memref<!tpu.dma_semaphore, #tpu.memory_space<semaphore_mem>>) src(%dma_wait3A_315 : memref<240000x128xf32, #tpu.memory_space<hbm>>) dst(%arg16 : memref<64x128xf32, #tpu.memory_space<vmem>>)
          %dma_start3A_316 = arith.constant 0 : i32
          %dma_start3A_317 = arith.constant 0 : i32
          %dma_start3A_318 = tpu.memref_slice %arg20[%dma_start3A_316, %dma_start3A_317] : memref<10008x128xf32, #tpu.memory_space<vmem_shared>> -> memref<10008x128xf32, #tpu.memory_space<vmem_shared>>
          tpu.enqueue_indirect_dma source(%arg16 : memref<64x128xf32, #tpu.memory_space<vmem>>) target(%dma_start3A_318 : memref<10008x128xf32, #tpu.memory_space<vmem_shared>>) offsets(%arg12 : memref<64xi32, #tpu.memory_space<vmem>>) semaphore(%arg25 : memref<!tpu.dma_semaphore, #tpu.memory_space<semaphore_mem>>) {add = true}
          %dma_wait3A_319 = arith.constant 0 : i32
          %dma_wait3A_320 = arith.constant 0 : i32
          %dma_wait3A_321 = tpu.memref_slice %arg2[%dma_wait3A_319, %dma_wait3A_320] : memref<240000x128xf32, #tpu.memory_space<hbm>> -> memref<240000x128xf32, #tpu.memory_space<hbm>>
          tpu.wait_indirect_dma semaphore(%arg22 : memref<!tpu.dma_semaphore, #tpu.memory_space<semaphore_mem>>) src(%dma_wait3A_321 : memref<240000x128xf32, #tpu.memory_space<hbm>>) dst(%arg17 : memref<64x128xf32, #tpu.memory_space<vmem>>)
          %dma_start3A_322 = arith.constant 0 : i32
          %dma_start3A_323 = arith.constant 0 : i32
          %dma_start3A_324 = tpu.memref_slice %arg20[%dma_start3A_322, %dma_start3A_323] : memref<10008x128xf32, #tpu.memory_space<vmem_shared>> -> memref<10008x128xf32, #tpu.memory_space<vmem_shared>>
          tpu.enqueue_indirect_dma source(%arg17 : memref<64x128xf32, #tpu.memory_space<vmem>>) target(%dma_start3A_324 : memref<10008x128xf32, #tpu.memory_space<vmem_shared>>) offsets(%arg13 : memref<64xi32, #tpu.memory_space<vmem>>) semaphore(%arg26 : memref<!tpu.dma_semaphore, #tpu.memory_space<semaphore_mem>>) {add = true}
          %dma_wait3A_325 = arith.constant 0 : i32
          %dma_wait3A_326 = arith.constant 0 : i32
          %dma_wait3A_327 = tpu.memref_slice %arg2[%dma_wait3A_325, %dma_wait3A_326] : memref<240000x128xf32, #tpu.memory_space<hbm>> -> memref<240000x128xf32, #tpu.memory_space<hbm>>
          tpu.wait_indirect_dma semaphore(%arg23 : memref<!tpu.dma_semaphore, #tpu.memory_space<semaphore_mem>>) src(%dma_wait3A_327 : memref<240000x128xf32, #tpu.memory_space<hbm>>) dst(%arg18 : memref<64x128xf32, #tpu.memory_space<vmem>>)
          %dma_start3A_328 = arith.constant 0 : i32
          %dma_start3A_329 = arith.constant 0 : i32
          %dma_start3A_330 = tpu.memref_slice %arg20[%dma_start3A_328, %dma_start3A_329] : memref<10008x128xf32, #tpu.memory_space<vmem_shared>> -> memref<10008x128xf32, #tpu.memory_space<vmem_shared>>
          tpu.enqueue_indirect_dma source(%arg18 : memref<64x128xf32, #tpu.memory_space<vmem>>) target(%dma_start3A_330 : memref<10008x128xf32, #tpu.memory_space<vmem_shared>>) offsets(%arg14 : memref<64xi32, #tpu.memory_space<vmem>>) semaphore(%arg27 : memref<!tpu.dma_semaphore, #tpu.memory_space<semaphore_mem>>) {add = true}
          %dma_wait3A_331 = arith.constant 0 : i32
          %dma_wait3A_332 = arith.constant 0 : i32
          %dma_wait3A_333 = tpu.memref_slice %arg2[%dma_wait3A_331, %dma_wait3A_332] : memref<240000x128xf32, #tpu.memory_space<hbm>> -> memref<240000x128xf32, #tpu.memory_space<hbm>>
          tpu.wait_indirect_dma semaphore(%arg24 : memref<!tpu.dma_semaphore, #tpu.memory_space<semaphore_mem>>) src(%dma_wait3A_333 : memref<240000x128xf32, #tpu.memory_space<hbm>>) dst(%arg19 : memref<64x128xf32, #tpu.memory_space<vmem>>)
          %dma_start3A_334 = arith.constant 0 : i32
          %dma_start3A_335 = arith.constant 0 : i32
          %dma_start3A_336 = tpu.memref_slice %arg20[%dma_start3A_334, %dma_start3A_335] : memref<10008x128xf32, #tpu.memory_space<vmem_shared>> -> memref<10008x128xf32, #tpu.memory_space<vmem_shared>>
          tpu.enqueue_indirect_dma source(%arg19 : memref<64x128xf32, #tpu.memory_space<vmem>>) target(%dma_start3A_336 : memref<10008x128xf32, #tpu.memory_space<vmem_shared>>) offsets(%arg15 : memref<64xi32, #tpu.memory_space<vmem>>) semaphore(%arg28 : memref<!tpu.dma_semaphore, #tpu.memory_space<semaphore_mem>>) {add = true}
          %dma_wait3A_337 = arith.constant 0 : i32
          %dma_wait3A_338 = arith.constant 0 : i32
          %dma_wait3A_339 = tpu.memref_slice %arg20[%dma_wait3A_337, %dma_wait3A_338] : memref<10008x128xf32, #tpu.memory_space<vmem_shared>> -> memref<10008x128xf32, #tpu.memory_space<vmem_shared>>
          tpu.wait_indirect_dma semaphore(%arg25 : memref<!tpu.dma_semaphore, #tpu.memory_space<semaphore_mem>>) src(%arg16 : memref<64x128xf32, #tpu.memory_space<vmem>>) dst(%dma_wait3A_339 : memref<10008x128xf32, #tpu.memory_space<vmem_shared>>)
          %dma_wait3A_340 = arith.constant 0 : i32
          %dma_wait3A_341 = arith.constant 0 : i32
          %dma_wait3A_342 = tpu.memref_slice %arg20[%dma_wait3A_340, %dma_wait3A_341] : memref<10008x128xf32, #tpu.memory_space<vmem_shared>> -> memref<10008x128xf32, #tpu.memory_space<vmem_shared>>
          tpu.wait_indirect_dma semaphore(%arg26 : memref<!tpu.dma_semaphore, #tpu.memory_space<semaphore_mem>>) src(%arg17 : memref<64x128xf32, #tpu.memory_space<vmem>>) dst(%dma_wait3A_342 : memref<10008x128xf32, #tpu.memory_space<vmem_shared>>)
          %dma_wait3A_343 = arith.constant 0 : i32
          %dma_wait3A_344 = arith.constant 0 : i32
          %dma_wait3A_345 = tpu.memref_slice %arg20[%dma_wait3A_343, %dma_wait3A_344] : memref<10008x128xf32, #tpu.memory_space<vmem_shared>> -> memref<10008x128xf32, #tpu.memory_space<vmem_shared>>
          tpu.wait_indirect_dma semaphore(%arg27 : memref<!tpu.dma_semaphore, #tpu.memory_space<semaphore_mem>>) src(%arg18 : memref<64x128xf32, #tpu.memory_space<vmem>>) dst(%dma_wait3A_345 : memref<10008x128xf32, #tpu.memory_space<vmem_shared>>)
          %dma_wait3A_346 = arith.constant 0 : i32
          %dma_wait3A_347 = arith.constant 0 : i32
          %dma_wait3A_348 = tpu.memref_slice %arg20[%dma_wait3A_346, %dma_wait3A_347] : memref<10008x128xf32, #tpu.memory_space<vmem_shared>> -> memref<10008x128xf32, #tpu.memory_space<vmem_shared>>
          tpu.wait_indirect_dma semaphore(%arg28 : memref<!tpu.dma_semaphore, #tpu.memory_space<semaphore_mem>>) src(%arg19 : memref<64x128xf32, #tpu.memory_space<vmem>>) dst(%dma_wait3A_348 : memref<10008x128xf32, #tpu.memory_space<vmem_shared>>)
          %scan3A_349 = arith.constant 0 : i32
          scf.yield %scan3A_349 : i32
        }
        %scan3A_66 = arith.constant 8 : i32
        %scan3A_67 = arith.constant 0 : i32
        scf.yield %scan3A_67 : i32
      }
      %scan3A_38 = arith.constant 10 : i32
      %barrier3A_39 = arith.constant 0 : index
      tpu.barrier barrier_id(%barrier3A_39)
      %mul3A_40 = arith.constant 624 : i32
      %mul3A_41 = arith.muli %arg1, %mul3A_40 : i32
      %mul3A_42 = arith.constant 624 : i32
      %mul3A_43 = arith.muli %arg1, %mul3A_42 : i32
      %add3A_44 = arith.addi %multiple_of3A, %mul3A_43 : i32
      "tpu.region"() ({
        %run_scoped3A = tpu.sem_alloc : memref<!tpu.dma_semaphore, #tpu.memory_space<semaphore_mem>>
        %dma_start3A = arith.constant 0 : i32
        %dma_start3A_52 = tpu.memref_slice %arg5[%add3A_44, %dma_start3A] : memref<240000x128xf32, #tpu.memory_space<hbm>> -> memref<624x128xf32, #tpu.memory_space<hbm>>
        %dma_start3A_53 = arith.constant 0 : i32
        %dma_start3A_54 = tpu.memref_slice %arg20[%mul3A_41, %dma_start3A_53] : memref<10008x128xf32, #tpu.memory_space<vmem_shared>> -> memref<624x128xf32, #tpu.memory_space<vmem_shared>>
        tpu.enqueue_dma source(%dma_start3A_54 : memref<624x128xf32, #tpu.memory_space<vmem_shared>>) target(%dma_start3A_52 : memref<624x128xf32, #tpu.memory_space<hbm>>) target_semaphore(%run_scoped3A : memref<!tpu.dma_semaphore, #tpu.memory_space<semaphore_mem>>)
        %dma_wait3A = arith.constant 0 : i32
        %dma_wait3A_55 = tpu.memref_slice %arg5[%add3A_44, %dma_wait3A] : memref<240000x128xf32, #tpu.memory_space<hbm>> -> memref<624x128xf32, #tpu.memory_space<hbm>>
        %dma_wait3A_56 = arith.constant 0 : i32
        %dma_wait3A_57 = tpu.memref_slice %arg20[%mul3A_41, %dma_wait3A_56] : memref<10008x128xf32, #tpu.memory_space<vmem_shared>> -> memref<624x128xf32, #tpu.memory_space<vmem_shared>>
        tpu.wait_dma2 semaphore(%run_scoped3A : memref<!tpu.dma_semaphore, #tpu.memory_space<semaphore_mem>>) src(%dma_wait3A_57 : memref<624x128xf32, #tpu.memory_space<vmem_shared>>) dst(%dma_wait3A_55 : memref<624x128xf32, #tpu.memory_space<hbm>>)
        tpu.yield
      }) : () -> ()
      %eq3A_45 = arith.constant 15 : i32
      %eq3A_46 = arith.cmpi eq, %arg1, %eq3A_45 : i32
      %convert_element_type3A_47 = arith.extui %eq3A_46 : i1 to i32
      %cond3A_48 = arith.constant 0 : i32
      %cond3A_49 = arith.cmpi ne, %convert_element_type3A_47, %cond3A_48 : i32
      scf.if %cond3A_49 {
        %add3A_52 = arith.constant 9984 : i32
        %add3A_53 = arith.addi %multiple_of3A, %add3A_52 : i32
        "tpu.region"() ({
          %run_scoped3A = tpu.sem_alloc : memref<!tpu.dma_semaphore, #tpu.memory_space<semaphore_mem>>
          %dma_start3A = arith.constant 0 : i32
          %dma_start3A_54 = tpu.memref_slice %arg5[%add3A_53, %dma_start3A] : memref<240000x128xf32, #tpu.memory_space<hbm>> -> memref<16x128xf32, #tpu.memory_space<hbm>>
          %dma_start3A_55 = arith.constant 9984 : i32
          %dma_start3A_56 = arith.constant 0 : i32
          %dma_start3A_57 = tpu.memref_slice %arg20[%dma_start3A_55, %dma_start3A_56] : memref<10008x128xf32, #tpu.memory_space<vmem_shared>> -> memref<16x128xf32, #tpu.memory_space<vmem_shared>>
          tpu.enqueue_dma source(%dma_start3A_57 : memref<16x128xf32, #tpu.memory_space<vmem_shared>>) target(%dma_start3A_54 : memref<16x128xf32, #tpu.memory_space<hbm>>) target_semaphore(%run_scoped3A : memref<!tpu.dma_semaphore, #tpu.memory_space<semaphore_mem>>)
          %dma_wait3A = arith.constant 0 : i32
          %dma_wait3A_58 = tpu.memref_slice %arg5[%add3A_53, %dma_wait3A] : memref<240000x128xf32, #tpu.memory_space<hbm>> -> memref<16x128xf32, #tpu.memory_space<hbm>>
          %dma_wait3A_59 = arith.constant 9984 : i32
          %dma_wait3A_60 = arith.constant 0 : i32
          %dma_wait3A_61 = tpu.memref_slice %arg20[%dma_wait3A_59, %dma_wait3A_60] : memref<10008x128xf32, #tpu.memory_space<vmem_shared>> -> memref<16x128xf32, #tpu.memory_space<vmem_shared>>
          tpu.wait_dma2 semaphore(%run_scoped3A : memref<!tpu.dma_semaphore, #tpu.memory_space<semaphore_mem>>) src(%dma_wait3A_61 : memref<16x128xf32, #tpu.memory_space<vmem_shared>>) dst(%dma_wait3A_58 : memref<16x128xf32, #tpu.memory_space<hbm>>)
          tpu.yield
        }) : () -> ()
      } else {
      }
      %barrier3A_50 = arith.constant 0 : index
      tpu.barrier barrier_id(%barrier3A_50)
      %scan3A_51 = arith.constant 0 : i32
      scf.yield %scan3A_51 : i32
    }
    %scan3A_19 = arith.constant 12 : i32
    return
  }
}

#map = affine_map<(d0, d1) -> (0)>
module attributes {stable_mosaic.version = 14 : i64} {
  func.func @deg(%arg0: i32, %arg1: i32, %arg2: memref<320000xi32, #tpu.memory_space<hbm>>, %arg3: memref<320000xf32, #tpu.memory_space<hbm>>, %arg4: memref<10000xi32, #tpu.memory_space<vmem>>, %arg5: memref<80128xf32, #tpu.memory_space<vmem>>, %arg6: memref<5008xf32, #tpu.memory_space<vmem>>) attributes {dimension_semantics = [#tpu.dimension_semantics<core_parallel>, #tpu.dimension_semantics<subcore_parallel>], iteration_bounds = array<i64: 2, 16>, scalar_prefetch = 0 : i64, scratch_operands = 3 : i64, tpu.core_type = #tpu.core_type<sc_vector_subcore>, window_params = [{transform_indices = #map}, {transform_indices = #map}]} {
    %mul3A = arith.constant 2 : i32
    %mul3A_0 = arith.muli %arg1, %mul3A : i32
    %add3A = arith.addi %mul3A_0, %arg0 : i32
    %mul3A_1 = arith.constant 10000 : i32
    %mul3A_2 = arith.muli %add3A, %mul3A_1 : i32
    "tpu.region"() ({
      %run_scoped3A = tpu.sem_alloc : memref<!tpu.dma_semaphore, #tpu.memory_space<semaphore_mem>>
      %dma_start3A = tpu.memref_slice %arg2[%mul3A_2] : memref<320000xi32, #tpu.memory_space<hbm>> -> memref<10000xi32, #tpu.memory_space<hbm>>
      %dma_start3A_58 = tpu.memref_slice %arg2[%mul3A_2] : memref<320000xi32, #tpu.memory_space<hbm>> -> memref<10000xi32, #tpu.memory_space<hbm>>
      tpu.enqueue_dma source(%dma_start3A_58 : memref<10000xi32, #tpu.memory_space<hbm>>) target(%arg4 : memref<10000xi32, #tpu.memory_space<vmem>>) target_semaphore(%run_scoped3A : memref<!tpu.dma_semaphore, #tpu.memory_space<semaphore_mem>>)
      %dma_wait3A = tpu.memref_slice %arg2[%mul3A_2] : memref<320000xi32, #tpu.memory_space<hbm>> -> memref<10000xi32, #tpu.memory_space<hbm>>
      %dma_wait3A_59 = tpu.memref_slice %arg2[%mul3A_2] : memref<320000xi32, #tpu.memory_space<hbm>> -> memref<10000xi32, #tpu.memory_space<hbm>>
      tpu.wait_dma2 semaphore(%run_scoped3A : memref<!tpu.dma_semaphore, #tpu.memory_space<semaphore_mem>>) src(%dma_wait3A_59 : memref<10000xi32, #tpu.memory_space<hbm>>) dst(%arg4 : memref<10000xi32, #tpu.memory_space<vmem>>)
      tpu.yield
    }) : () -> ()
    %iota3A = tpu.iota {dimensions = array<i32: 0>} : vector<16xi32>
    %mul3A_3 = arith.constant 5008 : i32
    %mul3A_4 = vector.broadcast %mul3A_3 : i32 to vector<16xi32>
    %mul3A_5 = arith.muli %iota3A, %mul3A_4 : vector<16xi32>
    %broadcast_in_dim3A = arith.constant 1.000000e+00 : f32
    %broadcast_in_dim3A_6 = vector.broadcast %broadcast_in_dim3A : f32 to vector<16xf32>
    %broadcast_in_dim3A_7 = arith.constant 0.000000e+00 : f32
    %broadcast_in_dim3A_8 = vector.broadcast %broadcast_in_dim3A_7 : f32 to vector<16xf32>
    %scan3A = arith.constant 0 : i32
    %scan3A_9 = arith.constant 0 : i32
    %scan3A_10 = arith.constant 5008 : i32
    %scan3A_11 = arith.addi %scan3A_9, %scan3A_10 : i32
    %scan3A_12 = arith.constant 1 : i32
    %scan3A_13 = scf.for %scan3A_58 = %scan3A_9 to %scan3A_11 step %scan3A_12 iter_args(%scan3A_59 = %scan3A) -> (i32)  : i32 {
      %mul3A_60 = arith.constant 16 : i32
      %mul3A_61 = arith.muli %scan3A_58, %mul3A_60 : i32
      %swap3A = arith.index_cast %mul3A_61 : i32 to index
      %swap3A_62 = tpu.vector_load %arg5[%swap3A] {strides = array<i32>} : memref<80128xf32, #tpu.memory_space<vmem>>, vector<16xf32>,
      tpu.vector_store %arg5[%swap3A], %broadcast_in_dim3A_8 {strides = array<i32>} : memref<80128xf32, #tpu.memory_space<vmem>>, vector<16xf32>,
      %scan3A_63 = arith.constant 0 : i32
      scf.yield %scan3A_63 : i32
    }
    %scan3A_14 = arith.constant 5008 : i32
    %scan3A_15 = arith.constant 0 : i32
    %scan3A_16 = arith.constant 0 : i32
    %scan3A_17 = arith.constant 625 : i32
    %scan3A_18 = arith.addi %scan3A_16, %scan3A_17 : i32
    %scan3A_19 = arith.constant 1 : i32
    %scan3A_20 = scf.for %scan3A_58 = %scan3A_16 to %scan3A_18 step %scan3A_19 iter_args(%scan3A_59 = %scan3A_15) -> (i32)  : i32 {
      %mul3A_60 = arith.constant 16 : i32
      %mul3A_61 = arith.muli %scan3A_58, %mul3A_60 : i32
      %get3A = arith.index_cast %mul3A_61 : i32 to index
      %get3A_62 = tpu.vector_load %arg4[%get3A] {strides = array<i32>} : memref<10000xi32, #tpu.memory_space<vmem>>, vector<16xi32>,
      %ge3A = arith.constant 0 : i32
      %ge3A_63 = vector.broadcast %ge3A : i32 to vector<16xi32>
      %ge3A_64 = arith.cmpi sge, %get3A_62, %ge3A_63 : vector<16xi32>
      %lt3A = arith.constant 5000 : i32
      %lt3A_65 = vector.broadcast %lt3A : i32 to vector<16xi32>
      %lt3A_66 = arith.cmpi slt, %get3A_62, %lt3A_65 : vector<16xi32>
      %and3A = arith.andi %ge3A_64, %lt3A_66 : vector<16xi1>
      %sub3A = arith.constant 0 : i32
      %sub3A_67 = vector.broadcast %sub3A : i32 to vector<16xi32>
      %sub3A_68 = arith.subi %get3A_62, %sub3A_67 : vector<16xi32>
      %add3A_69 = arith.addi %mul3A_5, %sub3A_68 : vector<16xi32>
      %gather3A = tpu.vector_load_idx %arg5[%add3A_69] masked %and3A : memref<80128xf32, #tpu.memory_space<vmem>>[vector<16xi32>], vector<16xf32>, vector<16xi1>
      %add3A_70 = arith.addf %gather3A, %broadcast_in_dim3A_6 : vector<16xf32>
      tpu.vector_store_idx %arg5[%add3A_69], %add3A_70 masked %and3A : memref<80128xf32, #tpu.memory_space<vmem>>[vector<16xi32>], vector<16xf32>, vector<16xi1>
      %scan3A_71 = arith.constant 0 : i32
      scf.yield %scan3A_71 : i32
    }
    %scan3A_21 = arith.constant 625 : i32
    %scan3A_22 = arith.constant 0 : i32
    %scan3A_23 = arith.constant 0 : i32
    %scan3A_24 = arith.constant 313 : i32
    %scan3A_25 = arith.addi %scan3A_23, %scan3A_24 : i32
    %scan3A_26 = arith.constant 1 : i32
    %scan3A_27 = scf.for %scan3A_58 = %scan3A_23 to %scan3A_25 step %scan3A_26 iter_args(%scan3A_59 = %scan3A_22) -> (i32)  : i32 {
      %mul3A_60 = arith.constant 16 : i32
      %mul3A_61 = arith.muli %scan3A_58, %mul3A_60 : i32
      %get3A = arith.index_cast %mul3A_61 : i32 to index
      %get3A_62 = tpu.vector_load %arg5[%get3A] {strides = array<i32>} : memref<80128xf32, #tpu.memory_space<vmem>>, vector<16xf32>,
      %mul3A_63 = arith.constant 16 : i32
      %mul3A_64 = arith.muli %scan3A_58, %mul3A_63 : i32
      %add3A_65 = arith.constant 5008 : i32
      %add3A_66 = arith.addi %add3A_65, %mul3A_64 : i32
      %get3A_67 = arith.index_cast %add3A_66 : i32 to index
      %get3A_68 = tpu.vector_load %arg5[%get3A_67] {strides = array<i32>} : memref<80128xf32, #tpu.memory_space<vmem>>, vector<16xf32>,
      %add3A_69 = arith.addf %get3A_62, %get3A_68 : vector<16xf32>
      %mul3A_70 = arith.constant 16 : i32
      %mul3A_71 = arith.muli %scan3A_58, %mul3A_70 : i32
      %add3A_72 = arith.constant 10016 : i32
      %add3A_73 = arith.addi %add3A_72, %mul3A_71 : i32
      %get3A_74 = arith.index_cast %add3A_73 : i32 to index
      %get3A_75 = tpu.vector_load %arg5[%get3A_74] {strides = array<i32>} : memref<80128xf32, #tpu.memory_space<vmem>>, vector<16xf32>,
      %add3A_76 = arith.addf %add3A_69, %get3A_75 : vector<16xf32>
      %mul3A_77 = arith.constant 16 : i32
      %mul3A_78 = arith.muli %scan3A_58, %mul3A_77 : i32
      %add3A_79 = arith.constant 15024 : i32
      %add3A_80 = arith.addi %add3A_79, %mul3A_78 : i32
      %get3A_81 = arith.index_cast %add3A_80 : i32 to index
      %get3A_82 = tpu.vector_load %arg5[%get3A_81] {strides = array<i32>} : memref<80128xf32, #tpu.memory_space<vmem>>, vector<16xf32>,
      %add3A_83 = arith.addf %add3A_76, %get3A_82 : vector<16xf32>
      %mul3A_84 = arith.constant 16 : i32
      %mul3A_85 = arith.muli %scan3A_58, %mul3A_84 : i32
      %add3A_86 = arith.constant 20032 : i32
      %add3A_87 = arith.addi %add3A_86, %mul3A_85 : i32
      %get3A_88 = arith.index_cast %add3A_87 : i32 to index
      %get3A_89 = tpu.vector_load %arg5[%get3A_88] {strides = array<i32>} : memref<80128xf32, #tpu.memory_space<vmem>>, vector<16xf32>,
      %add3A_90 = arith.addf %add3A_83, %get3A_89 : vector<16xf32>
      %mul3A_91 = arith.constant 16 : i32
      %mul3A_92 = arith.muli %scan3A_58, %mul3A_91 : i32
      %add3A_93 = arith.constant 25040 : i32
      %add3A_94 = arith.addi %add3A_93, %mul3A_92 : i32
      %get3A_95 = arith.index_cast %add3A_94 : i32 to index
      %get3A_96 = tpu.vector_load %arg5[%get3A_95] {strides = array<i32>} : memref<80128xf32, #tpu.memory_space<vmem>>, vector<16xf32>,
      %add3A_97 = arith.addf %add3A_90, %get3A_96 : vector<16xf32>
      %mul3A_98 = arith.constant 16 : i32
      %mul3A_99 = arith.muli %scan3A_58, %mul3A_98 : i32
      %add3A_100 = arith.constant 30048 : i32
      %add3A_101 = arith.addi %add3A_100, %mul3A_99 : i32
      %get3A_102 = arith.index_cast %add3A_101 : i32 to index
      %get3A_103 = tpu.vector_load %arg5[%get3A_102] {strides = array<i32>} : memref<80128xf32, #tpu.memory_space<vmem>>, vector<16xf32>,
      %add3A_104 = arith.addf %add3A_97, %get3A_103 : vector<16xf32>
      %mul3A_105 = arith.constant 16 : i32
      %mul3A_106 = arith.muli %scan3A_58, %mul3A_105 : i32
      %add3A_107 = arith.constant 35056 : i32
      %add3A_108 = arith.addi %add3A_107, %mul3A_106 : i32
      %get3A_109 = arith.index_cast %add3A_108 : i32 to index
      %get3A_110 = tpu.vector_load %arg5[%get3A_109] {strides = array<i32>} : memref<80128xf32, #tpu.memory_space<vmem>>, vector<16xf32>,
      %add3A_111 = arith.addf %add3A_104, %get3A_110 : vector<16xf32>
      %mul3A_112 = arith.constant 16 : i32
      %mul3A_113 = arith.muli %scan3A_58, %mul3A_112 : i32
      %add3A_114 = arith.constant 40064 : i32
      %add3A_115 = arith.addi %add3A_114, %mul3A_113 : i32
      %get3A_116 = arith.index_cast %add3A_115 : i32 to index
      %get3A_117 = tpu.vector_load %arg5[%get3A_116] {strides = array<i32>} : memref<80128xf32, #tpu.memory_space<vmem>>, vector<16xf32>,
      %add3A_118 = arith.addf %add3A_111, %get3A_117 : vector<16xf32>
      %mul3A_119 = arith.constant 16 : i32
      %mul3A_120 = arith.muli %scan3A_58, %mul3A_119 : i32
      %add3A_121 = arith.constant 45072 : i32
      %add3A_122 = arith.addi %add3A_121, %mul3A_120 : i32
      %get3A_123 = arith.index_cast %add3A_122 : i32 to index
      %get3A_124 = tpu.vector_load %arg5[%get3A_123] {strides = array<i32>} : memref<80128xf32, #tpu.memory_space<vmem>>, vector<16xf32>,
      %add3A_125 = arith.addf %add3A_118, %get3A_124 : vector<16xf32>
      %mul3A_126 = arith.constant 16 : i32
      %mul3A_127 = arith.muli %scan3A_58, %mul3A_126 : i32
      %add3A_128 = arith.constant 50080 : i32
      %add3A_129 = arith.addi %add3A_128, %mul3A_127 : i32
      %get3A_130 = arith.index_cast %add3A_129 : i32 to index
      %get3A_131 = tpu.vector_load %arg5[%get3A_130] {strides = array<i32>} : memref<80128xf32, #tpu.memory_space<vmem>>, vector<16xf32>,
      %add3A_132 = arith.addf %add3A_125, %get3A_131 : vector<16xf32>
      %mul3A_133 = arith.constant 16 : i32
      %mul3A_134 = arith.muli %scan3A_58, %mul3A_133 : i32
      %add3A_135 = arith.constant 55088 : i32
      %add3A_136 = arith.addi %add3A_135, %mul3A_134 : i32
      %get3A_137 = arith.index_cast %add3A_136 : i32 to index
      %get3A_138 = tpu.vector_load %arg5[%get3A_137] {strides = array<i32>} : memref<80128xf32, #tpu.memory_space<vmem>>, vector<16xf32>,
      %add3A_139 = arith.addf %add3A_132, %get3A_138 : vector<16xf32>
      %mul3A_140 = arith.constant 16 : i32
      %mul3A_141 = arith.muli %scan3A_58, %mul3A_140 : i32
      %add3A_142 = arith.constant 60096 : i32
      %add3A_143 = arith.addi %add3A_142, %mul3A_141 : i32
      %get3A_144 = arith.index_cast %add3A_143 : i32 to index
      %get3A_145 = tpu.vector_load %arg5[%get3A_144] {strides = array<i32>} : memref<80128xf32, #tpu.memory_space<vmem>>, vector<16xf32>,
      %add3A_146 = arith.addf %add3A_139, %get3A_145 : vector<16xf32>
      %mul3A_147 = arith.constant 16 : i32
      %mul3A_148 = arith.muli %scan3A_58, %mul3A_147 : i32
      %add3A_149 = arith.constant 65104 : i32
      %add3A_150 = arith.addi %add3A_149, %mul3A_148 : i32
      %get3A_151 = arith.index_cast %add3A_150 : i32 to index
      %get3A_152 = tpu.vector_load %arg5[%get3A_151] {strides = array<i32>} : memref<80128xf32, #tpu.memory_space<vmem>>, vector<16xf32>,
      %add3A_153 = arith.addf %add3A_146, %get3A_152 : vector<16xf32>
      %mul3A_154 = arith.constant 16 : i32
      %mul3A_155 = arith.muli %scan3A_58, %mul3A_154 : i32
      %add3A_156 = arith.constant 70112 : i32
      %add3A_157 = arith.addi %add3A_156, %mul3A_155 : i32
      %get3A_158 = arith.index_cast %add3A_157 : i32 to index
      %get3A_159 = tpu.vector_load %arg5[%get3A_158] {strides = array<i32>} : memref<80128xf32, #tpu.memory_space<vmem>>, vector<16xf32>,
      %add3A_160 = arith.addf %add3A_153, %get3A_159 : vector<16xf32>
      %mul3A_161 = arith.constant 16 : i32
      %mul3A_162 = arith.muli %scan3A_58, %mul3A_161 : i32
      %add3A_163 = arith.constant 75120 : i32
      %add3A_164 = arith.addi %add3A_163, %mul3A_162 : i32
      %get3A_165 = arith.index_cast %add3A_164 : i32 to index
      %get3A_166 = tpu.vector_load %arg5[%get3A_165] {strides = array<i32>} : memref<80128xf32, #tpu.memory_space<vmem>>, vector<16xf32>,
      %add3A_167 = arith.addf %add3A_160, %get3A_166 : vector<16xf32>
      %mul3A_168 = arith.constant 16 : i32
      %mul3A_169 = arith.muli %scan3A_58, %mul3A_168 : i32
      %swap3A = arith.index_cast %mul3A_169 : i32 to index
      %swap3A_170 = tpu.vector_load %arg6[%swap3A] {strides = array<i32>} : memref<5008xf32, #tpu.memory_space<vmem>>, vector<16xf32>,
      tpu.vector_store %arg6[%swap3A], %add3A_167 {strides = array<i32>} : memref<5008xf32, #tpu.memory_space<vmem>>, vector<16xf32>,
      %scan3A_171 = arith.constant 0 : i32
      scf.yield %scan3A_171 : i32
    }
    %scan3A_28 = arith.constant 313 : i32
    %mul3A_29 = arith.constant 10000 : i32
    %mul3A_30 = arith.muli %add3A, %mul3A_29 : i32
    %add3A_31 = arith.constant 0 : i32
    %add3A_32 = arith.addi %mul3A_30, %add3A_31 : i32
    "tpu.region"() ({
      %run_scoped3A = tpu.sem_alloc : memref<!tpu.dma_semaphore, #tpu.memory_space<semaphore_mem>>
      %dma_start3A = arith.constant 0 : i32
      %dma_start3A_58 = tpu.memref_slice %arg6[%dma_start3A] : memref<5008xf32, #tpu.memory_space<vmem>> -> memref<5000xf32, #tpu.memory_space<vmem>>
      %dma_start3A_59 = tpu.memref_slice %arg3[%add3A_32] : memref<320000xf32, #tpu.memory_space<hbm>> -> memref<5000xf32, #tpu.memory_space<hbm>>
      %dma_start3A_60 = tpu.memref_slice %arg3[%add3A_32] : memref<320000xf32, #tpu.memory_space<hbm>> -> memref<5000xf32, #tpu.memory_space<hbm>>
      %dma_start3A_61 = arith.constant 0 : i32
      %dma_start3A_62 = tpu.memref_slice %arg6[%dma_start3A_61] : memref<5008xf32, #tpu.memory_space<vmem>> -> memref<5000xf32, #tpu.memory_space<vmem>>
      tpu.enqueue_dma source(%dma_start3A_62 : memref<5000xf32, #tpu.memory_space<vmem>>) target(%dma_start3A_60 : memref<5000xf32, #tpu.memory_space<hbm>>) target_semaphore(%run_scoped3A : memref<!tpu.dma_semaphore, #tpu.memory_space<semaphore_mem>>)
      %dma_wait3A = arith.constant 0 : i32
      %dma_wait3A_63 = tpu.memref_slice %arg6[%dma_wait3A] : memref<5008xf32, #tpu.memory_space<vmem>> -> memref<5000xf32, #tpu.memory_space<vmem>>
      %dma_wait3A_64 = tpu.memref_slice %arg3[%add3A_32] : memref<320000xf32, #tpu.memory_space<hbm>> -> memref<5000xf32, #tpu.memory_space<hbm>>
      %dma_wait3A_65 = tpu.memref_slice %arg3[%add3A_32] : memref<320000xf32, #tpu.memory_space<hbm>> -> memref<5000xf32, #tpu.memory_space<hbm>>
      %dma_wait3A_66 = arith.constant 0 : i32
      %dma_wait3A_67 = tpu.memref_slice %arg6[%dma_wait3A_66] : memref<5008xf32, #tpu.memory_space<vmem>> -> memref<5000xf32, #tpu.memory_space<vmem>>
      tpu.wait_dma2 semaphore(%run_scoped3A : memref<!tpu.dma_semaphore, #tpu.memory_space<semaphore_mem>>) src(%dma_wait3A_67 : memref<5000xf32, #tpu.memory_space<vmem>>) dst(%dma_wait3A_65 : memref<5000xf32, #tpu.memory_space<hbm>>)
      tpu.yield
    }) : () -> ()
    %scan3A_33 = arith.constant 0 : i32
    %scan3A_34 = arith.constant 0 : i32
    %scan3A_35 = arith.constant 5008 : i32
    %scan3A_36 = arith.addi %scan3A_34, %scan3A_35 : i32
    %scan3A_37 = arith.constant 1 : i32
    %scan3A_38 = scf.for %scan3A_58 = %scan3A_34 to %scan3A_36 step %scan3A_37 iter_args(%scan3A_59 = %scan3A_33) -> (i32)  : i32 {
      %mul3A_60 = arith.constant 16 : i32
      %mul3A_61 = arith.muli %scan3A_58, %mul3A_60 : i32
      %swap3A = arith.index_cast %mul3A_61 : i32 to index
      %swap3A_62 = tpu.vector_load %arg5[%swap3A] {strides = array<i32>} : memref<80128xf32, #tpu.memory_space<vmem>>, vector<16xf32>,
      tpu.vector_store %arg5[%swap3A], %broadcast_in_dim3A_8 {strides = array<i32>} : memref<80128xf32, #tpu.memory_space<vmem>>, vector<16xf32>,
      %scan3A_63 = arith.constant 0 : i32
      scf.yield %scan3A_63 : i32
    }
    %scan3A_39 = arith.constant 5008 : i32
    %scan3A_40 = arith.constant 0 : i32
    %scan3A_41 = arith.constant 0 : i32
    %scan3A_42 = arith.constant 625 : i32
    %scan3A_43 = arith.addi %scan3A_41, %scan3A_42 : i32
    %scan3A_44 = arith.constant 1 : i32
    %scan3A_45 = scf.for %scan3A_58 = %scan3A_41 to %scan3A_43 step %scan3A_44 iter_args(%scan3A_59 = %scan3A_40) -> (i32)  : i32 {
      %mul3A_60 = arith.constant 16 : i32
      %mul3A_61 = arith.muli %scan3A_58, %mul3A_60 : i32
      %get3A = arith.index_cast %mul3A_61 : i32 to index
      %get3A_62 = tpu.vector_load %arg4[%get3A] {strides = array<i32>} : memref<10000xi32, #tpu.memory_space<vmem>>, vector<16xi32>,
      %ge3A = arith.constant 5000 : i32
      %ge3A_63 = vector.broadcast %ge3A : i32 to vector<16xi32>
      %ge3A_64 = arith.cmpi sge, %get3A_62, %ge3A_63 : vector<16xi32>
      %lt3A = arith.constant 10000 : i32
      %lt3A_65 = vector.broadcast %lt3A : i32 to vector<16xi32>
      %lt3A_66 = arith.cmpi slt, %get3A_62, %lt3A_65 : vector<16xi32>
      %and3A = arith.andi %ge3A_64, %lt3A_66 : vector<16xi1>
      %sub3A = arith.constant 5000 : i32
      %sub3A_67 = vector.broadcast %sub3A : i32 to vector<16xi32>
      %sub3A_68 = arith.subi %get3A_62, %sub3A_67 : vector<16xi32>
      %add3A_69 = arith.addi %mul3A_5, %sub3A_68 : vector<16xi32>
      %gather3A = tpu.vector_load_idx %arg5[%add3A_69] masked %and3A : memref<80128xf32, #tpu.memory_space<vmem>>[vector<16xi32>], vector<16xf32>, vector<16xi1>
      %add3A_70 = arith.addf %gather3A, %broadcast_in_dim3A_6 : vector<16xf32>
      tpu.vector_store_idx %arg5[%add3A_69], %add3A_70 masked %and3A : memref<80128xf32, #tpu.memory_space<vmem>>[vector<16xi32>], vector<16xf32>, vector<16xi1>
      %scan3A_71 = arith.constant 0 : i32
      scf.yield %scan3A_71 : i32
    }
    %scan3A_46 = arith.constant 625 : i32
    %scan3A_47 = arith.constant 0 : i32
    %scan3A_48 = arith.constant 0 : i32
    %scan3A_49 = arith.constant 313 : i32
    %scan3A_50 = arith.addi %scan3A_48, %scan3A_49 : i32
    %scan3A_51 = arith.constant 1 : i32
    %scan3A_52 = scf.for %scan3A_58 = %scan3A_48 to %scan3A_50 step %scan3A_51 iter_args(%scan3A_59 = %scan3A_47) -> (i32)  : i32 {
      %mul3A_60 = arith.constant 16 : i32
      %mul3A_61 = arith.muli %scan3A_58, %mul3A_60 : i32
      %get3A = arith.index_cast %mul3A_61 : i32 to index
      %get3A_62 = tpu.vector_load %arg5[%get3A] {strides = array<i32>} : memref<80128xf32, #tpu.memory_space<vmem>>, vector<16xf32>,
      %mul3A_63 = arith.constant 16 : i32
      %mul3A_64 = arith.muli %scan3A_58, %mul3A_63 : i32
      %add3A_65 = arith.constant 5008 : i32
      %add3A_66 = arith.addi %add3A_65, %mul3A_64 : i32
      %get3A_67 = arith.index_cast %add3A_66 : i32 to index
      %get3A_68 = tpu.vector_load %arg5[%get3A_67] {strides = array<i32>} : memref<80128xf32, #tpu.memory_space<vmem>>, vector<16xf32>,
      %add3A_69 = arith.addf %get3A_62, %get3A_68 : vector<16xf32>
      %mul3A_70 = arith.constant 16 : i32
      %mul3A_71 = arith.muli %scan3A_58, %mul3A_70 : i32
      %add3A_72 = arith.constant 10016 : i32
      %add3A_73 = arith.addi %add3A_72, %mul3A_71 : i32
      %get3A_74 = arith.index_cast %add3A_73 : i32 to index
      %get3A_75 = tpu.vector_load %arg5[%get3A_74] {strides = array<i32>} : memref<80128xf32, #tpu.memory_space<vmem>>, vector<16xf32>,
      %add3A_76 = arith.addf %add3A_69, %get3A_75 : vector<16xf32>
      %mul3A_77 = arith.constant 16 : i32
      %mul3A_78 = arith.muli %scan3A_58, %mul3A_77 : i32
      %add3A_79 = arith.constant 15024 : i32
      %add3A_80 = arith.addi %add3A_79, %mul3A_78 : i32
      %get3A_81 = arith.index_cast %add3A_80 : i32 to index
      %get3A_82 = tpu.vector_load %arg5[%get3A_81] {strides = array<i32>} : memref<80128xf32, #tpu.memory_space<vmem>>, vector<16xf32>,
      %add3A_83 = arith.addf %add3A_76, %get3A_82 : vector<16xf32>
      %mul3A_84 = arith.constant 16 : i32
      %mul3A_85 = arith.muli %scan3A_58, %mul3A_84 : i32
      %add3A_86 = arith.constant 20032 : i32
      %add3A_87 = arith.addi %add3A_86, %mul3A_85 : i32
      %get3A_88 = arith.index_cast %add3A_87 : i32 to index
      %get3A_89 = tpu.vector_load %arg5[%get3A_88] {strides = array<i32>} : memref<80128xf32, #tpu.memory_space<vmem>>, vector<16xf32>,
      %add3A_90 = arith.addf %add3A_83, %get3A_89 : vector<16xf32>
      %mul3A_91 = arith.constant 16 : i32
      %mul3A_92 = arith.muli %scan3A_58, %mul3A_91 : i32
      %add3A_93 = arith.constant 25040 : i32
      %add3A_94 = arith.addi %add3A_93, %mul3A_92 : i32
      %get3A_95 = arith.index_cast %add3A_94 : i32 to index
      %get3A_96 = tpu.vector_load %arg5[%get3A_95] {strides = array<i32>} : memref<80128xf32, #tpu.memory_space<vmem>>, vector<16xf32>,
      %add3A_97 = arith.addf %add3A_90, %get3A_96 : vector<16xf32>
      %mul3A_98 = arith.constant 16 : i32
      %mul3A_99 = arith.muli %scan3A_58, %mul3A_98 : i32
      %add3A_100 = arith.constant 30048 : i32
      %add3A_101 = arith.addi %add3A_100, %mul3A_99 : i32
      %get3A_102 = arith.index_cast %add3A_101 : i32 to index
      %get3A_103 = tpu.vector_load %arg5[%get3A_102] {strides = array<i32>} : memref<80128xf32, #tpu.memory_space<vmem>>, vector<16xf32>,
      %add3A_104 = arith.addf %add3A_97, %get3A_103 : vector<16xf32>
      %mul3A_105 = arith.constant 16 : i32
      %mul3A_106 = arith.muli %scan3A_58, %mul3A_105 : i32
      %add3A_107 = arith.constant 35056 : i32
      %add3A_108 = arith.addi %add3A_107, %mul3A_106 : i32
      %get3A_109 = arith.index_cast %add3A_108 : i32 to index
      %get3A_110 = tpu.vector_load %arg5[%get3A_109] {strides = array<i32>} : memref<80128xf32, #tpu.memory_space<vmem>>, vector<16xf32>,
      %add3A_111 = arith.addf %add3A_104, %get3A_110 : vector<16xf32>
      %mul3A_112 = arith.constant 16 : i32
      %mul3A_113 = arith.muli %scan3A_58, %mul3A_112 : i32
      %add3A_114 = arith.constant 40064 : i32
      %add3A_115 = arith.addi %add3A_114, %mul3A_113 : i32
      %get3A_116 = arith.index_cast %add3A_115 : i32 to index
      %get3A_117 = tpu.vector_load %arg5[%get3A_116] {strides = array<i32>} : memref<80128xf32, #tpu.memory_space<vmem>>, vector<16xf32>,
      %add3A_118 = arith.addf %add3A_111, %get3A_117 : vector<16xf32>
      %mul3A_119 = arith.constant 16 : i32
      %mul3A_120 = arith.muli %scan3A_58, %mul3A_119 : i32
      %add3A_121 = arith.constant 45072 : i32
      %add3A_122 = arith.addi %add3A_121, %mul3A_120 : i32
      %get3A_123 = arith.index_cast %add3A_122 : i32 to index
      %get3A_124 = tpu.vector_load %arg5[%get3A_123] {strides = array<i32>} : memref<80128xf32, #tpu.memory_space<vmem>>, vector<16xf32>,
      %add3A_125 = arith.addf %add3A_118, %get3A_124 : vector<16xf32>
      %mul3A_126 = arith.constant 16 : i32
      %mul3A_127 = arith.muli %scan3A_58, %mul3A_126 : i32
      %add3A_128 = arith.constant 50080 : i32
      %add3A_129 = arith.addi %add3A_128, %mul3A_127 : i32
      %get3A_130 = arith.index_cast %add3A_129 : i32 to index
      %get3A_131 = tpu.vector_load %arg5[%get3A_130] {strides = array<i32>} : memref<80128xf32, #tpu.memory_space<vmem>>, vector<16xf32>,
      %add3A_132 = arith.addf %add3A_125, %get3A_131 : vector<16xf32>
      %mul3A_133 = arith.constant 16 : i32
      %mul3A_134 = arith.muli %scan3A_58, %mul3A_133 : i32
      %add3A_135 = arith.constant 55088 : i32
      %add3A_136 = arith.addi %add3A_135, %mul3A_134 : i32
      %get3A_137 = arith.index_cast %add3A_136 : i32 to index
      %get3A_138 = tpu.vector_load %arg5[%get3A_137] {strides = array<i32>} : memref<80128xf32, #tpu.memory_space<vmem>>, vector<16xf32>,
      %add3A_139 = arith.addf %add3A_132, %get3A_138 : vector<16xf32>
      %mul3A_140 = arith.constant 16 : i32
      %mul3A_141 = arith.muli %scan3A_58, %mul3A_140 : i32
      %add3A_142 = arith.constant 60096 : i32
      %add3A_143 = arith.addi %add3A_142, %mul3A_141 : i32
      %get3A_144 = arith.index_cast %add3A_143 : i32 to index
      %get3A_145 = tpu.vector_load %arg5[%get3A_144] {strides = array<i32>} : memref<80128xf32, #tpu.memory_space<vmem>>, vector<16xf32>,
      %add3A_146 = arith.addf %add3A_139, %get3A_145 : vector<16xf32>
      %mul3A_147 = arith.constant 16 : i32
      %mul3A_148 = arith.muli %scan3A_58, %mul3A_147 : i32
      %add3A_149 = arith.constant 65104 : i32
      %add3A_150 = arith.addi %add3A_149, %mul3A_148 : i32
      %get3A_151 = arith.index_cast %add3A_150 : i32 to index
      %get3A_152 = tpu.vector_load %arg5[%get3A_151] {strides = array<i32>} : memref<80128xf32, #tpu.memory_space<vmem>>, vector<16xf32>,
      %add3A_153 = arith.addf %add3A_146, %get3A_152 : vector<16xf32>
      %mul3A_154 = arith.constant 16 : i32
      %mul3A_155 = arith.muli %scan3A_58, %mul3A_154 : i32
      %add3A_156 = arith.constant 70112 : i32
      %add3A_157 = arith.addi %add3A_156, %mul3A_155 : i32
      %get3A_158 = arith.index_cast %add3A_157 : i32 to index
      %get3A_159 = tpu.vector_load %arg5[%get3A_158] {strides = array<i32>} : memref<80128xf32, #tpu.memory_space<vmem>>, vector<16xf32>,
      %add3A_160 = arith.addf %add3A_153, %get3A_159 : vector<16xf32>
      %mul3A_161 = arith.constant 16 : i32
      %mul3A_162 = arith.muli %scan3A_58, %mul3A_161 : i32
      %add3A_163 = arith.constant 75120 : i32
      %add3A_164 = arith.addi %add3A_163, %mul3A_162 : i32
      %get3A_165 = arith.index_cast %add3A_164 : i32 to index
      %get3A_166 = tpu.vector_load %arg5[%get3A_165] {strides = array<i32>} : memref<80128xf32, #tpu.memory_space<vmem>>, vector<16xf32>,
      %add3A_167 = arith.addf %add3A_160, %get3A_166 : vector<16xf32>
      %mul3A_168 = arith.constant 16 : i32
      %mul3A_169 = arith.muli %scan3A_58, %mul3A_168 : i32
      %swap3A = arith.index_cast %mul3A_169 : i32 to index
      %swap3A_170 = tpu.vector_load %arg6[%swap3A] {strides = array<i32>} : memref<5008xf32, #tpu.memory_space<vmem>>, vector<16xf32>,
      tpu.vector_store %arg6[%swap3A], %add3A_167 {strides = array<i32>} : memref<5008xf32, #tpu.memory_space<vmem>>, vector<16xf32>,
      %scan3A_171 = arith.constant 0 : i32
      scf.yield %scan3A_171 : i32
    }
    %scan3A_53 = arith.constant 313 : i32
    %mul3A_54 = arith.constant 10000 : i32
    %mul3A_55 = arith.muli %add3A, %mul3A_54 : i32
    %add3A_56 = arith.constant 5000 : i32
    %add3A_57 = arith.addi %mul3A_55, %add3A_56 : i32
    "tpu.region"() ({
      %run_scoped3A = tpu.sem_alloc : memref<!tpu.dma_semaphore, #tpu.memory_space<semaphore_mem>>
      %dma_start3A = arith.constant 0 : i32
      %dma_start3A_58 = tpu.memref_slice %arg6[%dma_start3A] : memref<5008xf32, #tpu.memory_space<vmem>> -> memref<5000xf32, #tpu.memory_space<vmem>>
      %dma_start3A_59 = tpu.memref_slice %arg3[%add3A_57] : memref<320000xf32, #tpu.memory_space<hbm>> -> memref<5000xf32, #tpu.memory_space<hbm>>
      %dma_start3A_60 = tpu.memref_slice %arg3[%add3A_57] : memref<320000xf32, #tpu.memory_space<hbm>> -> memref<5000xf32, #tpu.memory_space<hbm>>
      %dma_start3A_61 = arith.constant 0 : i32
      %dma_start3A_62 = tpu.memref_slice %arg6[%dma_start3A_61] : memref<5008xf32, #tpu.memory_space<vmem>> -> memref<5000xf32, #tpu.memory_space<vmem>>
      tpu.enqueue_dma source(%dma_start3A_62 : memref<5000xf32, #tpu.memory_space<vmem>>) target(%dma_start3A_60 : memref<5000xf32, #tpu.memory_space<hbm>>) target_semaphore(%run_scoped3A : memref<!tpu.dma_semaphore, #tpu.memory_space<semaphore_mem>>)
      %dma_wait3A = arith.constant 0 : i32
      %dma_wait3A_63 = tpu.memref_slice %arg6[%dma_wait3A] : memref<5008xf32, #tpu.memory_space<vmem>> -> memref<5000xf32, #tpu.memory_space<vmem>>
      %dma_wait3A_64 = tpu.memref_slice %arg3[%add3A_57] : memref<320000xf32, #tpu.memory_space<hbm>> -> memref<5000xf32, #tpu.memory_space<hbm>>
      %dma_wait3A_65 = tpu.memref_slice %arg3[%add3A_57] : memref<320000xf32, #tpu.memory_space<hbm>> -> memref<5000xf32, #tpu.memory_space<hbm>>
      %dma_wait3A_66 = arith.constant 0 : i32
      %dma_wait3A_67 = tpu.memref_slice %arg6[%dma_wait3A_66] : memref<5008xf32, #tpu.memory_space<vmem>> -> memref<5000xf32, #tpu.memory_space<vmem>>
      tpu.wait_dma2 semaphore(%run_scoped3A : memref<!tpu.dma_semaphore, #tpu.memory_space<semaphore_mem>>) src(%dma_wait3A_67 : memref<5000xf32, #tpu.memory_space<vmem>>) dst(%dma_wait3A_65 : memref<5000xf32, #tpu.memory_space<hbm>>)
      tpu.yield
    }) : () -> ()
    return
  }
}

module attributes {stable_mosaic.version = 14 : i64} {
  func.func @body(%arg0: i32, %arg1: i32, %arg2: i32, %arg3: memref<1x2x1000x128xf32, #tpu.memory_space<vmem>>, %arg4: memref<128x32xf32, #tpu.memory_space<vmem>>, %arg5: memref<64x32xf32, #tpu.memory_space<vmem>>, %arg6: memref<128x32xf32, #tpu.memory_space<vmem>>, %arg7: memref<64x32xf32, #tpu.memory_space<vmem>>, %arg8: memref<1000x32xf32, #tpu.memory_space<vmem>>, %arg9: memref<1000x128xf32, #tpu.memory_space<vmem>>) attributes {dimension_semantics = [#tpu.dimension_semantics<arbitrary>, #tpu.dimension_semantics<arbitrary>, #tpu.dimension_semantics<arbitrary>], iteration_bounds = array<i64: 4, 6, 10>, scalar_prefetch = 0 : i64, scratch_operands = 0 : i64, tpu.core_type = #tpu.core_type<tc>, window_params = [{transform_indices = @transform_0, window_bounds = array<i64: 1, 2, 1000, 128>}, {pipeline_mode = #tpu.pipeline_mode<synchronous>, transform_indices = @transform_1, window_bounds = array<i64: 128, 32>}, {pipeline_mode = #tpu.pipeline_mode<synchronous>, transform_indices = @transform_2, window_bounds = array<i64: 64, 32>}, {pipeline_mode = #tpu.pipeline_mode<synchronous>, transform_indices = @transform_3, window_bounds = array<i64: 128, 32>}, {pipeline_mode = #tpu.pipeline_mode<synchronous>, transform_indices = @transform_4, window_bounds = array<i64: 64, 32>}, {transform_indices = @transform_5, window_bounds = array<i64: 1000, 32>}, {transform_indices = @transform_6, window_bounds = array<i64: 1000, 128>}]} {
    %get3A = arith.constant 0 : index
    %get3A_0 = arith.constant 0 : index
    %get3A_1 = vector.load %arg4[%get3A, %get3A_0] : memref<128x32xf32, #tpu.memory_space<vmem>>, vector<128x32xf32>
    %get3A_2 = arith.constant 0 : index
    %get3A_3 = arith.constant 0 : index
    %get3A_4 = vector.load %arg5[%get3A_2, %get3A_3] : memref<64x32xf32, #tpu.memory_space<vmem>>, vector<32x32xf32>
    %dot_general3A = arith.constant dense<0.000000e+00> : vector<128x32xf32>
    %dot_general3A_5 = tpu.matmul %get3A_1, %get3A_4, %dot_general3A {dimension_numbers = #tpu.dot_dimension_numbers<[1], [0], [0], [1], [0, 0, 1, 1], [], []>, transpose_lhs_hint = false} : vector<128x32xf32>, vector<32x32xf32>, vector<128x32xf32> -> vector<128x32xf32>
    %get3A_6 = arith.constant 0 : index
    %get3A_7 = arith.constant 0 : index
    %get3A_8 = vector.load %arg6[%get3A_6, %get3A_7] : memref<128x32xf32, #tpu.memory_space<vmem>>, vector<128x32xf32>
    %get3A_9 = arith.constant 0 : index
    %get3A_10 = arith.constant 0 : index
    %get3A_11 = vector.load %arg7[%get3A_9, %get3A_10] : memref<64x32xf32, #tpu.memory_space<vmem>>, vector<32x32xf32>
    %dot_general3A_12 = arith.constant dense<0.000000e+00> : vector<128x32xf32>
    %dot_general3A_13 = tpu.matmul %get3A_8, %get3A_11, %dot_general3A_12 {dimension_numbers = #tpu.dot_dimension_numbers<[1], [0], [0], [1], [0, 0, 1, 1], [], []>, transpose_lhs_hint = false} : vector<128x32xf32>, vector<32x32xf32>, vector<128x32xf32> -> vector<128x32xf32>
    %concatenate3A = tpu.concatenate %dot_general3A_5, %dot_general3A_13 in 1 : vector<128x32xf32>, vector<128x32xf32> -> vector<128x64xf32>
    %get3A_14 = arith.constant 0 : index
    %get3A_15 = arith.constant 0 : index
    %get3A_16 = vector.load %arg8[%get3A_14, %get3A_15] : memref<1000x32xf32, #tpu.memory_space<vmem>>, vector<1000x32xf32>
    %reduce_sum3A = arith.constant dense<0.000000e+00> : vector<1000xf32>
    %reduce_sum3A_17 = vector.multi_reduction <add>, %get3A_16, %reduce_sum3A [1] : vector<1000x32xf32> to vector<1000xf32>
    %add3A = arith.constant 1.000000e+00 : f32
    %add3A_18 = vector.broadcast %add3A : f32 to vector<1000xf32>
    %add3A_19 = arith.addf %reduce_sum3A_17, %add3A_18 : vector<1000xf32>
    %rsqrt3A = math.rsqrt %add3A_19 : vector<1000xf32>
    %get3A_20 = arith.constant 0 : index
    %get3A_21 = arith.constant 0 : index
    %get3A_22 = arith.constant 0 : index
    %get3A_23 = arith.constant 0 : index
    %get3A_24 = vector.load %arg3[%get3A_20, %get3A_21, %get3A_22, %get3A_23] : memref<1x2x1000x128xf32, #tpu.memory_space<vmem>>, vector<1x1x1000x128xf32>
    %get3A_25 = vector.shape_cast %get3A_24 : vector<1x1x1000x128xf32> to vector<1000x128xf32>
    %dot_general3A_26 = arith.constant dense<0.000000e+00> : vector<1000x64xf32>
    %dot_general3A_27 = tpu.matmul %get3A_25, %concatenate3A, %dot_general3A_26 {dimension_numbers = #tpu.dot_dimension_numbers<[1], [0], [0], [1], [0, 0, 1, 1], [], []>, transpose_lhs_hint = false} : vector<1000x128xf32>, vector<128x64xf32>, vector<1000x64xf32> -> vector<1000x64xf32>
    %broadcast_in_dim3A = vector.shape_cast %rsqrt3A : vector<1000xf32> to vector<1000x1xf32>
    %mul3A = vector.broadcast %broadcast_in_dim3A : vector<1000x1xf32> to vector<1000x64xf32>
    %mul3A_28 = arith.mulf %dot_general3A_27, %mul3A : vector<1000x64xf32>
    %get3A_29 = arith.constant 0 : index
    %get3A_30 = arith.constant 1 : index
    %get3A_31 = arith.constant 0 : index
    %get3A_32 = arith.constant 0 : index
    %get3A_33 = vector.load %arg3[%get3A_29, %get3A_30, %get3A_31, %get3A_32] : memref<1x2x1000x128xf32, #tpu.memory_space<vmem>>, vector<1x1x1000x128xf32>
    %get3A_34 = vector.shape_cast %get3A_33 : vector<1x1x1000x128xf32> to vector<1000x128xf32>
    %dot_general3A_35 = arith.constant dense<0.000000e+00> : vector<1000x64xf32>
    %dot_general3A_36 = tpu.matmul %get3A_34, %concatenate3A, %dot_general3A_35 {dimension_numbers = #tpu.dot_dimension_numbers<[1], [0], [0], [1], [0, 0, 1, 1], [], []>, transpose_lhs_hint = false} : vector<1000x128xf32>, vector<128x64xf32>, vector<1000x64xf32> -> vector<1000x64xf32>
    %broadcast_in_dim3A_37 = vector.shape_cast %rsqrt3A : vector<1000xf32> to vector<1000x1xf32>
    %mul3A_38 = vector.broadcast %broadcast_in_dim3A_37 : vector<1000x1xf32> to vector<1000x64xf32>
    %mul3A_39 = arith.mulf %dot_general3A_36, %mul3A_38 : vector<1000x64xf32>
    %concatenate3A_40 = tpu.concatenate %mul3A_28, %mul3A_39 in 1 : vector<1000x64xf32>, vector<1000x64xf32> -> vector<1000x128xf32>
    %swap3A = arith.constant 0 : index
    %swap3A_41 = arith.constant 0 : index
    %swap3A_42 = vector.load %arg9[%swap3A, %swap3A_41] : memref<1000x128xf32, #tpu.memory_space<vmem>>, vector<1000x128xf32>
    tpu.vector_store %arg9[%swap3A, %swap3A_41], %concatenate3A_40 {strides = array<i32>} : memref<1000x128xf32, #tpu.memory_space<vmem>>, vector<1000x128xf32>,
    return
  }
  func.func @transform_0(%arg0: i32, %arg1: i32, %arg2: i32) -> (i32, i32, i32, i32) {
    %c0_i32 = arith.constant 0 : i32
    %c0_i32_0 = arith.constant 0 : i32
    return %arg0, %arg1, %arg2, %c0_i32 : i32, i32, i32, i32
  }
  func.func @transform_1(%arg0: i32, %arg1: i32, %arg2: i32) -> (i32, i32) {
    %c0_i32 = arith.constant 0 : i32
    %c0_i32_0 = arith.constant 0 : i32
    %c0_i32_1 = arith.constant 0 : i32
    return %c0_i32, %c0_i32_0 : i32, i32
  }
  func.func @transform_2(%arg0: i32, %arg1: i32, %arg2: i32) -> (i32, i32) {
    %c0_i32 = arith.constant 0 : i32
    %c0_i32_0 = arith.constant 0 : i32
    %c0_i32_1 = arith.constant 0 : i32
    return %c0_i32, %c0_i32_0 : i32, i32
  }
  func.func @transform_3(%arg0: i32, %arg1: i32, %arg2: i32) -> (i32, i32) {
    %c0_i32 = arith.constant 0 : i32
    %c0_i32_0 = arith.constant 0 : i32
    %c0_i32_1 = arith.constant 0 : i32
    return %c0_i32, %c0_i32_0 : i32, i32
  }
  func.func @transform_4(%arg0: i32, %arg1: i32, %arg2: i32) -> (i32, i32) {
    %c0_i32 = arith.constant 0 : i32
    %c0_i32_0 = arith.constant 0 : i32
    %c0_i32_1 = arith.constant 0 : i32
    return %c0_i32, %c0_i32_0 : i32, i32
  }
  func.func @transform_5(%arg0: i32, %arg1: i32, %arg2: i32) -> (i32, i32) {
    %c0_i32 = arith.constant 0 : i32
    %c0_i32_0 = arith.constant 0 : i32
    return %arg2, %c0_i32 : i32, i32
  }
  func.func @transform_6(%arg0: i32, %arg1: i32, %arg2: i32) -> (i32, i32) {
    %mul3A = arith.constant 6 : i32
    %mul3A_0 = arith.muli %arg0, %mul3A : i32
    %add3A = arith.addi %mul3A_0, %arg1 : i32
    %mul3A_1 = arith.constant 10 : i32
    %mul3A_2 = arith.muli %add3A, %mul3A_1 : i32
    %add3A_3 = arith.addi %mul3A_2, %arg2 : i32
    %c0_i32 = arith.constant 0 : i32
    %c0_i32_4 = arith.constant 0 : i32
    return %add3A_3, %c0_i32 : i32, i32
  }
}

module attributes {stable_mosaic.version = 14 : i64} {
  func.func @body(%arg0: i32, %arg1: i32, %arg2: memref<1000x128xf32, #tpu.memory_space<vmem>>, %arg3: memref<1000x128xf32, #tpu.memory_space<vmem>>, %arg4: memref<1000x128xf32, #tpu.memory_space<vmem>>, %arg5: memref<1000x128xf32, #tpu.memory_space<vmem>>, %arg6: memref<1000x128xf32, #tpu.memory_space<vmem>>, %arg7: memref<1000x128xf32, #tpu.memory_space<vmem>>, %arg8: memref<1000x32xf32, #tpu.memory_space<vmem>>, %arg9: memref<1x32xf32, #tpu.memory_space<vmem>>, %arg10: memref<64x32xf32, #tpu.memory_space<vmem>>, %arg11: memref<1x32xf32, #tpu.memory_space<vmem>>, %arg12: memref<1x32xf32, #tpu.memory_space<vmem>>, %arg13: memref<64x32xf32, #tpu.memory_space<vmem>>, %arg14: memref<1x32xf32, #tpu.memory_space<vmem>>, %arg15: memref<1x12xf32, #tpu.memory_space<vmem>>, %arg16: memref<32x12xf32, #tpu.memory_space<vmem>>, %arg17: memref<1x12xf32, #tpu.memory_space<vmem>>, %arg18: memref<1x1000x12xf32, #tpu.memory_space<vmem>>) attributes {dimension_semantics = [#tpu.dimension_semantics<arbitrary>, #tpu.dimension_semantics<arbitrary>], iteration_bounds = array<i64: 4, 10>, scalar_prefetch = 0 : i64, scratch_operands = 0 : i64, tpu.core_type = #tpu.core_type<tc>, window_params = [{transform_indices = @transform_0, window_bounds = array<i64: 1000, 128>}, {transform_indices = @transform_1, window_bounds = array<i64: 1000, 128>}, {transform_indices = @transform_2, window_bounds = array<i64: 1000, 128>}, {transform_indices = @transform_3, window_bounds = array<i64: 1000, 128>}, {transform_indices = @transform_4, window_bounds = array<i64: 1000, 128>}, {transform_indices = @transform_5, window_bounds = array<i64: 1000, 128>}, {transform_indices = @transform_6, window_bounds = array<i64: 1000, 32>}, {pipeline_mode = #tpu.pipeline_mode<synchronous>, transform_indices = @transform_7, window_bounds = array<i64: 1, 32>}, {pipeline_mode = #tpu.pipeline_mode<synchronous>, transform_indices = @transform_8, window_bounds = array<i64: 64, 32>}, {pipeline_mode = #tpu.pipeline_mode<synchronous>, transform_indices = @transform_9, window_bounds = array<i64: 1, 32>}, {pipeline_mode = #tpu.pipeline_mode<synchronous>, transform_indices = @transform_10, window_bounds = array<i64: 1, 32>}, {pipeline_mode = #tpu.pipeline_mode<synchronous>, transform_indices = @transform_11, window_bounds = array<i64: 64, 32>}, {pipeline_mode = #tpu.pipeline_mode<synchronous>, transform_indices = @transform_12, window_bounds = array<i64: 1, 32>}, {pipeline_mode = #tpu.pipeline_mode<synchronous>, transform_indices = @transform_13, window_bounds = array<i64: 1, 12>}, {pipeline_mode = #tpu.pipeline_mode<synchronous>, transform_indices = @transform_14, window_bounds = array<i64: 32, 12>}, {pipeline_mode = #tpu.pipeline_mode<synchronous>, transform_indices = @transform_15, window_bounds = array<i64: 1, 12>}, {transform_indices = @transform_16, window_bounds = array<i64: 1, 1000, 12>}]} {
    %get3A = arith.constant 0 : index
    %get3A_0 = arith.constant 0 : index
    %get3A_1 = vector.load %arg8[%get3A, %get3A_0] : memref<1000x32xf32, #tpu.memory_space<vmem>>, vector<1000x32xf32>
    %reduce_sum3A = arith.constant dense<0.000000e+00> : vector<1000xf32>
    %reduce_sum3A_2 = vector.multi_reduction <add>, %get3A_1, %reduce_sum3A [1] : vector<1000x32xf32> to vector<1000xf32>
    %add3A = arith.constant 1.000000e+00 : f32
    %add3A_3 = vector.broadcast %add3A : f32 to vector<1000xf32>
    %add3A_4 = arith.addf %reduce_sum3A_2, %add3A_3 : vector<1000xf32>
    %rsqrt3A = math.rsqrt %add3A_4 : vector<1000xf32>
    %get3A_5 = arith.constant 0 : index
    %get3A_6 = arith.constant 0 : index
    %get3A_7 = vector.load %arg9[%get3A_5, %get3A_6] : memref<1x32xf32, #tpu.memory_space<vmem>>, vector<1x32xf32>
    %get3A_8 = arith.constant 0 : index
    %get3A_9 = arith.constant 0 : index
    %get3A_10 = vector.load %arg10[%get3A_8, %get3A_9] : memref<64x32xf32, #tpu.memory_space<vmem>>, vector<32x32xf32>
    %dot_general3A = arith.constant dense<0.000000e+00> : vector<1x32xf32>
    %dot_general3A_11 = tpu.matmul %get3A_7, %get3A_10, %dot_general3A {dimension_numbers = #tpu.dot_dimension_numbers<[1], [0], [0], [1], [0, 0, 1, 1], [], []>, transpose_lhs_hint = false} : vector<1x32xf32>, vector<32x32xf32>, vector<1x32xf32> -> vector<1x32xf32>
    %get3A_12 = arith.constant 0 : index
    %get3A_13 = arith.constant 0 : index
    %get3A_14 = vector.load %arg11[%get3A_12, %get3A_13] : memref<1x32xf32, #tpu.memory_space<vmem>>, vector<1x32xf32>
    %add3A_15 = arith.addf %dot_general3A_11, %get3A_14 : vector<1x32xf32>
    %get3A_16 = arith.constant 0 : index
    %get3A_17 = arith.constant 0 : index
    %get3A_18 = vector.load %arg12[%get3A_16, %get3A_17] : memref<1x32xf32, #tpu.memory_space<vmem>>, vector<1x32xf32>
    %get3A_19 = arith.constant 0 : index
    %get3A_20 = arith.constant 0 : index
    %get3A_21 = vector.load %arg13[%get3A_19, %get3A_20] : memref<64x32xf32, #tpu.memory_space<vmem>>, vector<32x32xf32>
    %dot_general3A_22 = arith.constant dense<0.000000e+00> : vector<1x32xf32>
    %dot_general3A_23 = tpu.matmul %get3A_18, %get3A_21, %dot_general3A_22 {dimension_numbers = #tpu.dot_dimension_numbers<[1], [0], [0], [1], [0, 0, 1, 1], [], []>, transpose_lhs_hint = false} : vector<1x32xf32>, vector<32x32xf32>, vector<1x32xf32> -> vector<1x32xf32>
    %get3A_24 = arith.constant 0 : index
    %get3A_25 = arith.constant 0 : index
    %get3A_26 = vector.load %arg14[%get3A_24, %get3A_25] : memref<1x32xf32, #tpu.memory_space<vmem>>, vector<1x32xf32>
    %add3A_27 = arith.addf %dot_general3A_23, %get3A_26 : vector<1x32xf32>
    %get3A_28 = arith.constant 0 : index
    %get3A_29 = arith.constant 0 : index
    %get3A_30 = vector.load %arg15[%get3A_28, %get3A_29] : memref<1x12xf32, #tpu.memory_space<vmem>>, vector<1x12xf32>
    %reduce_max3A = vector.shape_cast %get3A_30 : vector<1x12xf32> to vector<1x1x12xf32>
    %reduce_max3A_31 = arith.constant dense<0xFF800000> : vector<1xf32>
    %reduce_max3A_32 = vector.multi_reduction <maximumf>, %reduce_max3A, %reduce_max3A_31 [1, 2] : vector<1x1x12xf32> to vector<1xf32>
    %reduce_max3A_33 = vector.shape_cast %reduce_max3A_32 : vector<1xf32> to vector<1x1x1xf32>
    %reduce_max3A_34 = vector.extract %reduce_max3A_33[0, 0, 0] : f32 from vector<1x1x1xf32>
    %sub3A = vector.broadcast %reduce_max3A_34 : f32 to vector<1x12xf32>
    %sub3A_35 = arith.subf %get3A_30, %sub3A : vector<1x12xf32>
    %exp3A = math.exp %sub3A_35 : vector<1x12xf32>
    %reduce_sum3A_36 = vector.shape_cast %exp3A : vector<1x12xf32> to vector<1x1x12xf32>
    %reduce_sum3A_37 = arith.constant dense<0.000000e+00> : vector<1xf32>
    %reduce_sum3A_38 = vector.multi_reduction <add>, %reduce_sum3A_36, %reduce_sum3A_37 [1, 2] : vector<1x1x12xf32> to vector<1xf32>
    %reduce_sum3A_39 = vector.shape_cast %reduce_sum3A_38 : vector<1xf32> to vector<1x1x1xf32>
    %reduce_sum3A_40 = vector.extract %reduce_sum3A_39[0, 0, 0] : f32 from vector<1x1x1xf32>
    %div3A = vector.broadcast %reduce_sum3A_40 : f32 to vector<1x12xf32>
    %div3A_41 = arith.divf %exp3A, %div3A : vector<1x12xf32>
    %broadcast_in_dim3A = arith.constant 0.000000e+00 : f32
    %broadcast_in_dim3A_42 = vector.broadcast %broadcast_in_dim3A : f32 to vector<1000x32xf32>
    %get3A_43 = arith.constant 0 : index
    %get3A_44 = arith.constant 0 : index
    %get3A_45 = vector.load %arg2[%get3A_43, %get3A_44] : memref<1000x128xf32, #tpu.memory_space<vmem>>, vector<1000x128xf32>
    %slice3A = vector.extract_strided_slice %get3A_45 {offsets = [0, 0], sizes = [1000, 32], strides = [1, 1]} : vector<1000x128xf32> to vector<1000x32xf32>
    %broadcast_in_dim3A_46 = vector.shape_cast %rsqrt3A : vector<1000xf32> to vector<1000x1xf32>
    %mul3A = vector.broadcast %broadcast_in_dim3A_46 : vector<1000x1xf32> to vector<1000x32xf32>
    %mul3A_47 = arith.mulf %slice3A, %mul3A : vector<1000x32xf32>
    %add3A_48 = vector.broadcast %add3A_15 : vector<1x32xf32> to vector<1000x32xf32>
    %add3A_49 = arith.addf %mul3A_47, %add3A_48 : vector<1000x32xf32>
    %slice3A_50 = vector.extract_strided_slice %get3A_45 {offsets = [0, 32], sizes = [1000, 32], strides = [1, 1]} : vector<1000x128xf32> to vector<1000x32xf32>
    %broadcast_in_dim3A_51 = vector.shape_cast %rsqrt3A : vector<1000xf32> to vector<1000x1xf32>
    %mul3A_52 = vector.broadcast %broadcast_in_dim3A_51 : vector<1000x1xf32> to vector<1000x32xf32>
    %mul3A_53 = arith.mulf %slice3A_50, %mul3A_52 : vector<1000x32xf32>
    %add3A_54 = vector.broadcast %add3A_27 : vector<1x32xf32> to vector<1000x32xf32>
    %add3A_55 = arith.addf %mul3A_53, %add3A_54 : vector<1000x32xf32>
    %logistic3A = arith.negf %add3A_49 : vector<1000x32xf32>
    %logistic3A_56 = math.exp %logistic3A : vector<1000x32xf32>
    %logistic3A_57 = arith.constant 1.000000e+00 : f32
    %logistic3A_58 = vector.broadcast %logistic3A_57 : f32 to vector<1000x32xf32>
    %logistic3A_59 = arith.addf %logistic3A_58, %logistic3A_56 : vector<1000x32xf32>
    %logistic3A_60 = arith.divf %logistic3A_58, %logistic3A_59 : vector<1000x32xf32>
    %tanh3A = math.tanh %add3A_55 : vector<1000x32xf32>
    %slice3A_61 = vector.extract_strided_slice %div3A_41 {offsets = [0, 0], sizes = [1, 1], strides = [1, 1]} : vector<1x12xf32> to vector<1x1xf32>
    %squeeze3A = vector.extract %slice3A_61[0, 0] : f32 from vector<1x1xf32>
    %sub3A_62 = arith.constant 1.000000e+00 : f32
    %sub3A_63 = vector.broadcast %sub3A_62 : f32 to vector<1000x32xf32>
    %sub3A_64 = arith.subf %sub3A_63, %logistic3A_60 : vector<1000x32xf32>
    %mul3A_65 = vector.broadcast %squeeze3A : f32 to vector<1000x32xf32>
    %mul3A_66 = arith.mulf %mul3A_65, %sub3A_64 : vector<1000x32xf32>
    %mul3A_67 = arith.mulf %mul3A_66, %tanh3A : vector<1000x32xf32>
    %add3A_68 = arith.addf %broadcast_in_dim3A_42, %mul3A_67 : vector<1000x32xf32>
    %get3A_69 = arith.constant 0 : index
    %get3A_70 = arith.constant 0 : index
    %get3A_71 = vector.load %arg2[%get3A_69, %get3A_70] : memref<1000x128xf32, #tpu.memory_space<vmem>>, vector<1000x128xf32>
    %slice3A_72 = vector.extract_strided_slice %get3A_71 {offsets = [0, 64], sizes = [1000, 32], strides = [1, 1]} : vector<1000x128xf32> to vector<1000x32xf32>
    %broadcast_in_dim3A_73 = vector.shape_cast %rsqrt3A : vector<1000xf32> to vector<1000x1xf32>
    %mul3A_74 = vector.broadcast %broadcast_in_dim3A_73 : vector<1000x1xf32> to vector<1000x32xf32>
    %mul3A_75 = arith.mulf %slice3A_72, %mul3A_74 : vector<1000x32xf32>
    %add3A_76 = vector.broadcast %add3A_15 : vector<1x32xf32> to vector<1000x32xf32>
    %add3A_77 = arith.addf %mul3A_75, %add3A_76 : vector<1000x32xf32>
    %slice3A_78 = vector.extract_strided_slice %get3A_71 {offsets = [0, 96], sizes = [1000, 32], strides = [1, 1]} : vector<1000x128xf32> to vector<1000x32xf32>
    %broadcast_in_dim3A_79 = vector.shape_cast %rsqrt3A : vector<1000xf32> to vector<1000x1xf32>
    %mul3A_80 = vector.broadcast %broadcast_in_dim3A_79 : vector<1000x1xf32> to vector<1000x32xf32>
    %mul3A_81 = arith.mulf %slice3A_78, %mul3A_80 : vector<1000x32xf32>
    %add3A_82 = vector.broadcast %add3A_27 : vector<1x32xf32> to vector<1000x32xf32>
    %add3A_83 = arith.addf %mul3A_81, %add3A_82 : vector<1000x32xf32>
    %logistic3A_84 = arith.negf %add3A_77 : vector<1000x32xf32>
    %logistic3A_85 = math.exp %logistic3A_84 : vector<1000x32xf32>
    %logistic3A_86 = arith.constant 1.000000e+00 : f32
    %logistic3A_87 = vector.broadcast %logistic3A_86 : f32 to vector<1000x32xf32>
    %logistic3A_88 = arith.addf %logistic3A_87, %logistic3A_85 : vector<1000x32xf32>
    %logistic3A_89 = arith.divf %logistic3A_87, %logistic3A_88 : vector<1000x32xf32>
    %tanh3A_90 = math.tanh %add3A_83 : vector<1000x32xf32>
    %slice3A_91 = vector.extract_strided_slice %div3A_41 {offsets = [0, 1], sizes = [1, 1], strides = [1, 1]} : vector<1x12xf32> to vector<1x1xf32>
    %squeeze3A_92 = vector.extract %slice3A_91[0, 0] : f32 from vector<1x1xf32>
    %sub3A_93 = arith.constant 1.000000e+00 : f32
    %sub3A_94 = vector.broadcast %sub3A_93 : f32 to vector<1000x32xf32>
    %sub3A_95 = arith.subf %sub3A_94, %logistic3A_89 : vector<1000x32xf32>
    %mul3A_96 = vector.broadcast %squeeze3A_92 : f32 to vector<1000x32xf32>
    %mul3A_97 = arith.mulf %mul3A_96, %sub3A_95 : vector<1000x32xf32>
    %mul3A_98 = arith.mulf %mul3A_97, %tanh3A_90 : vector<1000x32xf32>
    %add3A_99 = arith.addf %add3A_68, %mul3A_98 : vector<1000x32xf32>
    %get3A_100 = arith.constant 0 : index
    %get3A_101 = arith.constant 0 : index
    %get3A_102 = vector.load %arg3[%get3A_100, %get3A_101] : memref<1000x128xf32, #tpu.memory_space<vmem>>, vector<1000x128xf32>
    %slice3A_103 = vector.extract_strided_slice %get3A_102 {offsets = [0, 0], sizes = [1000, 32], strides = [1, 1]} : vector<1000x128xf32> to vector<1000x32xf32>
    %broadcast_in_dim3A_104 = vector.shape_cast %rsqrt3A : vector<1000xf32> to vector<1000x1xf32>
    %mul3A_105 = vector.broadcast %broadcast_in_dim3A_104 : vector<1000x1xf32> to vector<1000x32xf32>
    %mul3A_106 = arith.mulf %slice3A_103, %mul3A_105 : vector<1000x32xf32>
    %add3A_107 = vector.broadcast %add3A_15 : vector<1x32xf32> to vector<1000x32xf32>
    %add3A_108 = arith.addf %mul3A_106, %add3A_107 : vector<1000x32xf32>
    %slice3A_109 = vector.extract_strided_slice %get3A_102 {offsets = [0, 32], sizes = [1000, 32], strides = [1, 1]} : vector<1000x128xf32> to vector<1000x32xf32>
    %broadcast_in_dim3A_110 = vector.shape_cast %rsqrt3A : vector<1000xf32> to vector<1000x1xf32>
    %mul3A_111 = vector.broadcast %broadcast_in_dim3A_110 : vector<1000x1xf32> to vector<1000x32xf32>
    %mul3A_112 = arith.mulf %slice3A_109, %mul3A_111 : vector<1000x32xf32>
    %add3A_113 = vector.broadcast %add3A_27 : vector<1x32xf32> to vector<1000x32xf32>
    %add3A_114 = arith.addf %mul3A_112, %add3A_113 : vector<1000x32xf32>
    %logistic3A_115 = arith.negf %add3A_108 : vector<1000x32xf32>
    %logistic3A_116 = math.exp %logistic3A_115 : vector<1000x32xf32>
    %logistic3A_117 = arith.constant 1.000000e+00 : f32
    %logistic3A_118 = vector.broadcast %logistic3A_117 : f32 to vector<1000x32xf32>
    %logistic3A_119 = arith.addf %logistic3A_118, %logistic3A_116 : vector<1000x32xf32>
    %logistic3A_120 = arith.divf %logistic3A_118, %logistic3A_119 : vector<1000x32xf32>
    %tanh3A_121 = math.tanh %add3A_114 : vector<1000x32xf32>
    %slice3A_122 = vector.extract_strided_slice %div3A_41 {offsets = [0, 2], sizes = [1, 1], strides = [1, 1]} : vector<1x12xf32> to vector<1x1xf32>
    %squeeze3A_123 = vector.extract %slice3A_122[0, 0] : f32 from vector<1x1xf32>
    %sub3A_124 = arith.constant 1.000000e+00 : f32
    %sub3A_125 = vector.broadcast %sub3A_124 : f32 to vector<1000x32xf32>
    %sub3A_126 = arith.subf %sub3A_125, %logistic3A_120 : vector<1000x32xf32>
    %mul3A_127 = vector.broadcast %squeeze3A_123 : f32 to vector<1000x32xf32>
    %mul3A_128 = arith.mulf %mul3A_127, %sub3A_126 : vector<1000x32xf32>
    %mul3A_129 = arith.mulf %mul3A_128, %tanh3A_121 : vector<1000x32xf32>
    %add3A_130 = arith.addf %add3A_99, %mul3A_129 : vector<1000x32xf32>
    %get3A_131 = arith.constant 0 : index
    %get3A_132 = arith.constant 0 : index
    %get3A_133 = vector.load %arg3[%get3A_131, %get3A_132] : memref<1000x128xf32, #tpu.memory_space<vmem>>, vector<1000x128xf32>
    %slice3A_134 = vector.extract_strided_slice %get3A_133 {offsets = [0, 64], sizes = [1000, 32], strides = [1, 1]} : vector<1000x128xf32> to vector<1000x32xf32>
    %broadcast_in_dim3A_135 = vector.shape_cast %rsqrt3A : vector<1000xf32> to vector<1000x1xf32>
    %mul3A_136 = vector.broadcast %broadcast_in_dim3A_135 : vector<1000x1xf32> to vector<1000x32xf32>
    %mul3A_137 = arith.mulf %slice3A_134, %mul3A_136 : vector<1000x32xf32>
    %add3A_138 = vector.broadcast %add3A_15 : vector<1x32xf32> to vector<1000x32xf32>
    %add3A_139 = arith.addf %mul3A_137, %add3A_138 : vector<1000x32xf32>
    %slice3A_140 = vector.extract_strided_slice %get3A_133 {offsets = [0, 96], sizes = [1000, 32], strides = [1, 1]} : vector<1000x128xf32> to vector<1000x32xf32>
    %broadcast_in_dim3A_141 = vector.shape_cast %rsqrt3A : vector<1000xf32> to vector<1000x1xf32>
    %mul3A_142 = vector.broadcast %broadcast_in_dim3A_141 : vector<1000x1xf32> to vector<1000x32xf32>
    %mul3A_143 = arith.mulf %slice3A_140, %mul3A_142 : vector<1000x32xf32>
    %add3A_144 = vector.broadcast %add3A_27 : vector<1x32xf32> to vector<1000x32xf32>
    %add3A_145 = arith.addf %mul3A_143, %add3A_144 : vector<1000x32xf32>
    %logistic3A_146 = arith.negf %add3A_139 : vector<1000x32xf32>
    %logistic3A_147 = math.exp %logistic3A_146 : vector<1000x32xf32>
    %logistic3A_148 = arith.constant 1.000000e+00 : f32
    %logistic3A_149 = vector.broadcast %logistic3A_148 : f32 to vector<1000x32xf32>
    %logistic3A_150 = arith.addf %logistic3A_149, %logistic3A_147 : vector<1000x32xf32>
    %logistic3A_151 = arith.divf %logistic3A_149, %logistic3A_150 : vector<1000x32xf32>
    %tanh3A_152 = math.tanh %add3A_145 : vector<1000x32xf32>
    %slice3A_153 = vector.extract_strided_slice %div3A_41 {offsets = [0, 3], sizes = [1, 1], strides = [1, 1]} : vector<1x12xf32> to vector<1x1xf32>
    %squeeze3A_154 = vector.extract %slice3A_153[0, 0] : f32 from vector<1x1xf32>
    %sub3A_155 = arith.constant 1.000000e+00 : f32
    %sub3A_156 = vector.broadcast %sub3A_155 : f32 to vector<1000x32xf32>
    %sub3A_157 = arith.subf %sub3A_156, %logistic3A_151 : vector<1000x32xf32>
    %mul3A_158 = vector.broadcast %squeeze3A_154 : f32 to vector<1000x32xf32>
    %mul3A_159 = arith.mulf %mul3A_158, %sub3A_157 : vector<1000x32xf32>
    %mul3A_160 = arith.mulf %mul3A_159, %tanh3A_152 : vector<1000x32xf32>
    %add3A_161 = arith.addf %add3A_130, %mul3A_160 : vector<1000x32xf32>
    %get3A_162 = arith.constant 0 : index
    %get3A_163 = arith.constant 0 : index
    %get3A_164 = vector.load %arg4[%get3A_162, %get3A_163] : memref<1000x128xf32, #tpu.memory_space<vmem>>, vector<1000x128xf32>
    %slice3A_165 = vector.extract_strided_slice %get3A_164 {offsets = [0, 0], sizes = [1000, 32], strides = [1, 1]} : vector<1000x128xf32> to vector<1000x32xf32>
    %broadcast_in_dim3A_166 = vector.shape_cast %rsqrt3A : vector<1000xf32> to vector<1000x1xf32>
    %mul3A_167 = vector.broadcast %broadcast_in_dim3A_166 : vector<1000x1xf32> to vector<1000x32xf32>
    %mul3A_168 = arith.mulf %slice3A_165, %mul3A_167 : vector<1000x32xf32>
    %add3A_169 = vector.broadcast %add3A_15 : vector<1x32xf32> to vector<1000x32xf32>
    %add3A_170 = arith.addf %mul3A_168, %add3A_169 : vector<1000x32xf32>
    %slice3A_171 = vector.extract_strided_slice %get3A_164 {offsets = [0, 32], sizes = [1000, 32], strides = [1, 1]} : vector<1000x128xf32> to vector<1000x32xf32>
    %broadcast_in_dim3A_172 = vector.shape_cast %rsqrt3A : vector<1000xf32> to vector<1000x1xf32>
    %mul3A_173 = vector.broadcast %broadcast_in_dim3A_172 : vector<1000x1xf32> to vector<1000x32xf32>
    %mul3A_174 = arith.mulf %slice3A_171, %mul3A_173 : vector<1000x32xf32>
    %add3A_175 = vector.broadcast %add3A_27 : vector<1x32xf32> to vector<1000x32xf32>
    %add3A_176 = arith.addf %mul3A_174, %add3A_175 : vector<1000x32xf32>
    %logistic3A_177 = arith.negf %add3A_170 : vector<1000x32xf32>
    %logistic3A_178 = math.exp %logistic3A_177 : vector<1000x32xf32>
    %logistic3A_179 = arith.constant 1.000000e+00 : f32
    %logistic3A_180 = vector.broadcast %logistic3A_179 : f32 to vector<1000x32xf32>
    %logistic3A_181 = arith.addf %logistic3A_180, %logistic3A_178 : vector<1000x32xf32>
    %logistic3A_182 = arith.divf %logistic3A_180, %logistic3A_181 : vector<1000x32xf32>
    %tanh3A_183 = math.tanh %add3A_176 : vector<1000x32xf32>
    %slice3A_184 = vector.extract_strided_slice %div3A_41 {offsets = [0, 4], sizes = [1, 1], strides = [1, 1]} : vector<1x12xf32> to vector<1x1xf32>
    %squeeze3A_185 = vector.extract %slice3A_184[0, 0] : f32 from vector<1x1xf32>
    %sub3A_186 = arith.constant 1.000000e+00 : f32
    %sub3A_187 = vector.broadcast %sub3A_186 : f32 to vector<1000x32xf32>
    %sub3A_188 = arith.subf %sub3A_187, %logistic3A_182 : vector<1000x32xf32>
    %mul3A_189 = vector.broadcast %squeeze3A_185 : f32 to vector<1000x32xf32>
    %mul3A_190 = arith.mulf %mul3A_189, %sub3A_188 : vector<1000x32xf32>
    %mul3A_191 = arith.mulf %mul3A_190, %tanh3A_183 : vector<1000x32xf32>
    %add3A_192 = arith.addf %add3A_161, %mul3A_191 : vector<1000x32xf32>
    %get3A_193 = arith.constant 0 : index
    %get3A_194 = arith.constant 0 : index
    %get3A_195 = vector.load %arg4[%get3A_193, %get3A_194] : memref<1000x128xf32, #tpu.memory_space<vmem>>, vector<1000x128xf32>
    %slice3A_196 = vector.extract_strided_slice %get3A_195 {offsets = [0, 64], sizes = [1000, 32], strides = [1, 1]} : vector<1000x128xf32> to vector<1000x32xf32>
    %broadcast_in_dim3A_197 = vector.shape_cast %rsqrt3A : vector<1000xf32> to vector<1000x1xf32>
    %mul3A_198 = vector.broadcast %broadcast_in_dim3A_197 : vector<1000x1xf32> to vector<1000x32xf32>
    %mul3A_199 = arith.mulf %slice3A_196, %mul3A_198 : vector<1000x32xf32>
    %add3A_200 = vector.broadcast %add3A_15 : vector<1x32xf32> to vector<1000x32xf32>
    %add3A_201 = arith.addf %mul3A_199, %add3A_200 : vector<1000x32xf32>
    %slice3A_202 = vector.extract_strided_slice %get3A_195 {offsets = [0, 96], sizes = [1000, 32], strides = [1, 1]} : vector<1000x128xf32> to vector<1000x32xf32>
    %broadcast_in_dim3A_203 = vector.shape_cast %rsqrt3A : vector<1000xf32> to vector<1000x1xf32>
    %mul3A_204 = vector.broadcast %broadcast_in_dim3A_203 : vector<1000x1xf32> to vector<1000x32xf32>
    %mul3A_205 = arith.mulf %slice3A_202, %mul3A_204 : vector<1000x32xf32>
    %add3A_206 = vector.broadcast %add3A_27 : vector<1x32xf32> to vector<1000x32xf32>
    %add3A_207 = arith.addf %mul3A_205, %add3A_206 : vector<1000x32xf32>
    %logistic3A_208 = arith.negf %add3A_201 : vector<1000x32xf32>
    %logistic3A_209 = math.exp %logistic3A_208 : vector<1000x32xf32>
    %logistic3A_210 = arith.constant 1.000000e+00 : f32
    %logistic3A_211 = vector.broadcast %logistic3A_210 : f32 to vector<1000x32xf32>
    %logistic3A_212 = arith.addf %logistic3A_211, %logistic3A_209 : vector<1000x32xf32>
    %logistic3A_213 = arith.divf %logistic3A_211, %logistic3A_212 : vector<1000x32xf32>
    %tanh3A_214 = math.tanh %add3A_207 : vector<1000x32xf32>
    %slice3A_215 = vector.extract_strided_slice %div3A_41 {offsets = [0, 5], sizes = [1, 1], strides = [1, 1]} : vector<1x12xf32> to vector<1x1xf32>
    %squeeze3A_216 = vector.extract %slice3A_215[0, 0] : f32 from vector<1x1xf32>
    %sub3A_217 = arith.constant 1.000000e+00 : f32
    %sub3A_218 = vector.broadcast %sub3A_217 : f32 to vector<1000x32xf32>
    %sub3A_219 = arith.subf %sub3A_218, %logistic3A_213 : vector<1000x32xf32>
    %mul3A_220 = vector.broadcast %squeeze3A_216 : f32 to vector<1000x32xf32>
    %mul3A_221 = arith.mulf %mul3A_220, %sub3A_219 : vector<1000x32xf32>
    %mul3A_222 = arith.mulf %mul3A_221, %tanh3A_214 : vector<1000x32xf32>
    %add3A_223 = arith.addf %add3A_192, %mul3A_222 : vector<1000x32xf32>
    %get3A_224 = arith.constant 0 : index
    %get3A_225 = arith.constant 0 : index
    %get3A_226 = vector.load %arg5[%get3A_224, %get3A_225] : memref<1000x128xf32, #tpu.memory_space<vmem>>, vector<1000x128xf32>
    %slice3A_227 = vector.extract_strided_slice %get3A_226 {offsets = [0, 0], sizes = [1000, 32], strides = [1, 1]} : vector<1000x128xf32> to vector<1000x32xf32>
    %broadcast_in_dim3A_228 = vector.shape_cast %rsqrt3A : vector<1000xf32> to vector<1000x1xf32>
    %mul3A_229 = vector.broadcast %broadcast_in_dim3A_228 : vector<1000x1xf32> to vector<1000x32xf32>
    %mul3A_230 = arith.mulf %slice3A_227, %mul3A_229 : vector<1000x32xf32>
    %add3A_231 = vector.broadcast %add3A_15 : vector<1x32xf32> to vector<1000x32xf32>
    %add3A_232 = arith.addf %mul3A_230, %add3A_231 : vector<1000x32xf32>
    %slice3A_233 = vector.extract_strided_slice %get3A_226 {offsets = [0, 32], sizes = [1000, 32], strides = [1, 1]} : vector<1000x128xf32> to vector<1000x32xf32>
    %broadcast_in_dim3A_234 = vector.shape_cast %rsqrt3A : vector<1000xf32> to vector<1000x1xf32>
    %mul3A_235 = vector.broadcast %broadcast_in_dim3A_234 : vector<1000x1xf32> to vector<1000x32xf32>
    %mul3A_236 = arith.mulf %slice3A_233, %mul3A_235 : vector<1000x32xf32>
    %add3A_237 = vector.broadcast %add3A_27 : vector<1x32xf32> to vector<1000x32xf32>
    %add3A_238 = arith.addf %mul3A_236, %add3A_237 : vector<1000x32xf32>
    %logistic3A_239 = arith.negf %add3A_232 : vector<1000x32xf32>
    %logistic3A_240 = math.exp %logistic3A_239 : vector<1000x32xf32>
    %logistic3A_241 = arith.constant 1.000000e+00 : f32
    %logistic3A_242 = vector.broadcast %logistic3A_241 : f32 to vector<1000x32xf32>
    %logistic3A_243 = arith.addf %logistic3A_242, %logistic3A_240 : vector<1000x32xf32>
    %logistic3A_244 = arith.divf %logistic3A_242, %logistic3A_243 : vector<1000x32xf32>
    %tanh3A_245 = math.tanh %add3A_238 : vector<1000x32xf32>
    %slice3A_246 = vector.extract_strided_slice %div3A_41 {offsets = [0, 6], sizes = [1, 1], strides = [1, 1]} : vector<1x12xf32> to vector<1x1xf32>
    %squeeze3A_247 = vector.extract %slice3A_246[0, 0] : f32 from vector<1x1xf32>
    %sub3A_248 = arith.constant 1.000000e+00 : f32
    %sub3A_249 = vector.broadcast %sub3A_248 : f32 to vector<1000x32xf32>
    %sub3A_250 = arith.subf %sub3A_249, %logistic3A_244 : vector<1000x32xf32>
    %mul3A_251 = vector.broadcast %squeeze3A_247 : f32 to vector<1000x32xf32>
    %mul3A_252 = arith.mulf %mul3A_251, %sub3A_250 : vector<1000x32xf32>
    %mul3A_253 = arith.mulf %mul3A_252, %tanh3A_245 : vector<1000x32xf32>
    %add3A_254 = arith.addf %add3A_223, %mul3A_253 : vector<1000x32xf32>
    %get3A_255 = arith.constant 0 : index
    %get3A_256 = arith.constant 0 : index
    %get3A_257 = vector.load %arg5[%get3A_255, %get3A_256] : memref<1000x128xf32, #tpu.memory_space<vmem>>, vector<1000x128xf32>
    %slice3A_258 = vector.extract_strided_slice %get3A_257 {offsets = [0, 64], sizes = [1000, 32], strides = [1, 1]} : vector<1000x128xf32> to vector<1000x32xf32>
    %broadcast_in_dim3A_259 = vector.shape_cast %rsqrt3A : vector<1000xf32> to vector<1000x1xf32>
    %mul3A_260 = vector.broadcast %broadcast_in_dim3A_259 : vector<1000x1xf32> to vector<1000x32xf32>
    %mul3A_261 = arith.mulf %slice3A_258, %mul3A_260 : vector<1000x32xf32>
    %add3A_262 = vector.broadcast %add3A_15 : vector<1x32xf32> to vector<1000x32xf32>
    %add3A_263 = arith.addf %mul3A_261, %add3A_262 : vector<1000x32xf32>
    %slice3A_264 = vector.extract_strided_slice %get3A_257 {offsets = [0, 96], sizes = [1000, 32], strides = [1, 1]} : vector<1000x128xf32> to vector<1000x32xf32>
    %broadcast_in_dim3A_265 = vector.shape_cast %rsqrt3A : vector<1000xf32> to vector<1000x1xf32>
    %mul3A_266 = vector.broadcast %broadcast_in_dim3A_265 : vector<1000x1xf32> to vector<1000x32xf32>
    %mul3A_267 = arith.mulf %slice3A_264, %mul3A_266 : vector<1000x32xf32>
    %add3A_268 = vector.broadcast %add3A_27 : vector<1x32xf32> to vector<1000x32xf32>
    %add3A_269 = arith.addf %mul3A_267, %add3A_268 : vector<1000x32xf32>
    %logistic3A_270 = arith.negf %add3A_263 : vector<1000x32xf32>
    %logistic3A_271 = math.exp %logistic3A_270 : vector<1000x32xf32>
    %logistic3A_272 = arith.constant 1.000000e+00 : f32
    %logistic3A_273 = vector.broadcast %logistic3A_272 : f32 to vector<1000x32xf32>
    %logistic3A_274 = arith.addf %logistic3A_273, %logistic3A_271 : vector<1000x32xf32>
    %logistic3A_275 = arith.divf %logistic3A_273, %logistic3A_274 : vector<1000x32xf32>
    %tanh3A_276 = math.tanh %add3A_269 : vector<1000x32xf32>
    %slice3A_277 = vector.extract_strided_slice %div3A_41 {offsets = [0, 7], sizes = [1, 1], strides = [1, 1]} : vector<1x12xf32> to vector<1x1xf32>
    %squeeze3A_278 = vector.extract %slice3A_277[0, 0] : f32 from vector<1x1xf32>
    %sub3A_279 = arith.constant 1.000000e+00 : f32
    %sub3A_280 = vector.broadcast %sub3A_279 : f32 to vector<1000x32xf32>
    %sub3A_281 = arith.subf %sub3A_280, %logistic3A_275 : vector<1000x32xf32>
    %mul3A_282 = vector.broadcast %squeeze3A_278 : f32 to vector<1000x32xf32>
    %mul3A_283 = arith.mulf %mul3A_282, %sub3A_281 : vector<1000x32xf32>
    %mul3A_284 = arith.mulf %mul3A_283, %tanh3A_276 : vector<1000x32xf32>
    %add3A_285 = arith.addf %add3A_254, %mul3A_284 : vector<1000x32xf32>
    %get3A_286 = arith.constant 0 : index
    %get3A_287 = arith.constant 0 : index
    %get3A_288 = vector.load %arg6[%get3A_286, %get3A_287] : memref<1000x128xf32, #tpu.memory_space<vmem>>, vector<1000x128xf32>
    %slice3A_289 = vector.extract_strided_slice %get3A_288 {offsets = [0, 0], sizes = [1000, 32], strides = [1, 1]} : vector<1000x128xf32> to vector<1000x32xf32>
    %broadcast_in_dim3A_290 = vector.shape_cast %rsqrt3A : vector<1000xf32> to vector<1000x1xf32>
    %mul3A_291 = vector.broadcast %broadcast_in_dim3A_290 : vector<1000x1xf32> to vector<1000x32xf32>
    %mul3A_292 = arith.mulf %slice3A_289, %mul3A_291 : vector<1000x32xf32>
    %add3A_293 = vector.broadcast %add3A_15 : vector<1x32xf32> to vector<1000x32xf32>
    %add3A_294 = arith.addf %mul3A_292, %add3A_293 : vector<1000x32xf32>
    %slice3A_295 = vector.extract_strided_slice %get3A_288 {offsets = [0, 32], sizes = [1000, 32], strides = [1, 1]} : vector<1000x128xf32> to vector<1000x32xf32>
    %broadcast_in_dim3A_296 = vector.shape_cast %rsqrt3A : vector<1000xf32> to vector<1000x1xf32>
    %mul3A_297 = vector.broadcast %broadcast_in_dim3A_296 : vector<1000x1xf32> to vector<1000x32xf32>
    %mul3A_298 = arith.mulf %slice3A_295, %mul3A_297 : vector<1000x32xf32>
    %add3A_299 = vector.broadcast %add3A_27 : vector<1x32xf32> to vector<1000x32xf32>
    %add3A_300 = arith.addf %mul3A_298, %add3A_299 : vector<1000x32xf32>
    %logistic3A_301 = arith.negf %add3A_294 : vector<1000x32xf32>
    %logistic3A_302 = math.exp %logistic3A_301 : vector<1000x32xf32>
    %logistic3A_303 = arith.constant 1.000000e+00 : f32
    %logistic3A_304 = vector.broadcast %logistic3A_303 : f32 to vector<1000x32xf32>
    %logistic3A_305 = arith.addf %logistic3A_304, %logistic3A_302 : vector<1000x32xf32>
    %logistic3A_306 = arith.divf %logistic3A_304, %logistic3A_305 : vector<1000x32xf32>
    %tanh3A_307 = math.tanh %add3A_300 : vector<1000x32xf32>
    %slice3A_308 = vector.extract_strided_slice %div3A_41 {offsets = [0, 8], sizes = [1, 1], strides = [1, 1]} : vector<1x12xf32> to vector<1x1xf32>
    %squeeze3A_309 = vector.extract %slice3A_308[0, 0] : f32 from vector<1x1xf32>
    %sub3A_310 = arith.constant 1.000000e+00 : f32
    %sub3A_311 = vector.broadcast %sub3A_310 : f32 to vector<1000x32xf32>
    %sub3A_312 = arith.subf %sub3A_311, %logistic3A_306 : vector<1000x32xf32>
    %mul3A_313 = vector.broadcast %squeeze3A_309 : f32 to vector<1000x32xf32>
    %mul3A_314 = arith.mulf %mul3A_313, %sub3A_312 : vector<1000x32xf32>
    %mul3A_315 = arith.mulf %mul3A_314, %tanh3A_307 : vector<1000x32xf32>
    %add3A_316 = arith.addf %add3A_285, %mul3A_315 : vector<1000x32xf32>
    %get3A_317 = arith.constant 0 : index
    %get3A_318 = arith.constant 0 : index
    %get3A_319 = vector.load %arg6[%get3A_317, %get3A_318] : memref<1000x128xf32, #tpu.memory_space<vmem>>, vector<1000x128xf32>
    %slice3A_320 = vector.extract_strided_slice %get3A_319 {offsets = [0, 64], sizes = [1000, 32], strides = [1, 1]} : vector<1000x128xf32> to vector<1000x32xf32>
    %broadcast_in_dim3A_321 = vector.shape_cast %rsqrt3A : vector<1000xf32> to vector<1000x1xf32>
    %mul3A_322 = vector.broadcast %broadcast_in_dim3A_321 : vector<1000x1xf32> to vector<1000x32xf32>
    %mul3A_323 = arith.mulf %slice3A_320, %mul3A_322 : vector<1000x32xf32>
    %add3A_324 = vector.broadcast %add3A_15 : vector<1x32xf32> to vector<1000x32xf32>
    %add3A_325 = arith.addf %mul3A_323, %add3A_324 : vector<1000x32xf32>
    %slice3A_326 = vector.extract_strided_slice %get3A_319 {offsets = [0, 96], sizes = [1000, 32], strides = [1, 1]} : vector<1000x128xf32> to vector<1000x32xf32>
    %broadcast_in_dim3A_327 = vector.shape_cast %rsqrt3A : vector<1000xf32> to vector<1000x1xf32>
    %mul3A_328 = vector.broadcast %broadcast_in_dim3A_327 : vector<1000x1xf32> to vector<1000x32xf32>
    %mul3A_329 = arith.mulf %slice3A_326, %mul3A_328 : vector<1000x32xf32>
    %add3A_330 = vector.broadcast %add3A_27 : vector<1x32xf32> to vector<1000x32xf32>
    %add3A_331 = arith.addf %mul3A_329, %add3A_330 : vector<1000x32xf32>
    %logistic3A_332 = arith.negf %add3A_325 : vector<1000x32xf32>
    %logistic3A_333 = math.exp %logistic3A_332 : vector<1000x32xf32>
    %logistic3A_334 = arith.constant 1.000000e+00 : f32
    %logistic3A_335 = vector.broadcast %logistic3A_334 : f32 to vector<1000x32xf32>
    %logistic3A_336 = arith.addf %logistic3A_335, %logistic3A_333 : vector<1000x32xf32>
    %logistic3A_337 = arith.divf %logistic3A_335, %logistic3A_336 : vector<1000x32xf32>
    %tanh3A_338 = math.tanh %add3A_331 : vector<1000x32xf32>
    %slice3A_339 = vector.extract_strided_slice %div3A_41 {offsets = [0, 9], sizes = [1, 1], strides = [1, 1]} : vector<1x12xf32> to vector<1x1xf32>
    %squeeze3A_340 = vector.extract %slice3A_339[0, 0] : f32 from vector<1x1xf32>
    %sub3A_341 = arith.constant 1.000000e+00 : f32
    %sub3A_342 = vector.broadcast %sub3A_341 : f32 to vector<1000x32xf32>
    %sub3A_343 = arith.subf %sub3A_342, %logistic3A_337 : vector<1000x32xf32>
    %mul3A_344 = vector.broadcast %squeeze3A_340 : f32 to vector<1000x32xf32>
    %mul3A_345 = arith.mulf %mul3A_344, %sub3A_343 : vector<1000x32xf32>
    %mul3A_346 = arith.mulf %mul3A_345, %tanh3A_338 : vector<1000x32xf32>
    %add3A_347 = arith.addf %add3A_316, %mul3A_346 : vector<1000x32xf32>
    %get3A_348 = arith.constant 0 : index
    %get3A_349 = arith.constant 0 : index
    %get3A_350 = vector.load %arg7[%get3A_348, %get3A_349] : memref<1000x128xf32, #tpu.memory_space<vmem>>, vector<1000x128xf32>
    %slice3A_351 = vector.extract_strided_slice %get3A_350 {offsets = [0, 0], sizes = [1000, 32], strides = [1, 1]} : vector<1000x128xf32> to vector<1000x32xf32>
    %broadcast_in_dim3A_352 = vector.shape_cast %rsqrt3A : vector<1000xf32> to vector<1000x1xf32>
    %mul3A_353 = vector.broadcast %broadcast_in_dim3A_352 : vector<1000x1xf32> to vector<1000x32xf32>
    %mul3A_354 = arith.mulf %slice3A_351, %mul3A_353 : vector<1000x32xf32>
    %add3A_355 = vector.broadcast %add3A_15 : vector<1x32xf32> to vector<1000x32xf32>
    %add3A_356 = arith.addf %mul3A_354, %add3A_355 : vector<1000x32xf32>
    %slice3A_357 = vector.extract_strided_slice %get3A_350 {offsets = [0, 32], sizes = [1000, 32], strides = [1, 1]} : vector<1000x128xf32> to vector<1000x32xf32>
    %broadcast_in_dim3A_358 = vector.shape_cast %rsqrt3A : vector<1000xf32> to vector<1000x1xf32>
    %mul3A_359 = vector.broadcast %broadcast_in_dim3A_358 : vector<1000x1xf32> to vector<1000x32xf32>
    %mul3A_360 = arith.mulf %slice3A_357, %mul3A_359 : vector<1000x32xf32>
    %add3A_361 = vector.broadcast %add3A_27 : vector<1x32xf32> to vector<1000x32xf32>
    %add3A_362 = arith.addf %mul3A_360, %add3A_361 : vector<1000x32xf32>
    %logistic3A_363 = arith.negf %add3A_356 : vector<1000x32xf32>
    %logistic3A_364 = math.exp %logistic3A_363 : vector<1000x32xf32>
    %logistic3A_365 = arith.constant 1.000000e+00 : f32
    %logistic3A_366 = vector.broadcast %logistic3A_365 : f32 to vector<1000x32xf32>
    %logistic3A_367 = arith.addf %logistic3A_366, %logistic3A_364 : vector<1000x32xf32>
    %logistic3A_368 = arith.divf %logistic3A_366, %logistic3A_367 : vector<1000x32xf32>
    %tanh3A_369 = math.tanh %add3A_362 : vector<1000x32xf32>
    %slice3A_370 = vector.extract_strided_slice %div3A_41 {offsets = [0, 10], sizes = [1, 1], strides = [1, 1]} : vector<1x12xf32> to vector<1x1xf32>
    %squeeze3A_371 = vector.extract %slice3A_370[0, 0] : f32 from vector<1x1xf32>
    %sub3A_372 = arith.constant 1.000000e+00 : f32
    %sub3A_373 = vector.broadcast %sub3A_372 : f32 to vector<1000x32xf32>
    %sub3A_374 = arith.subf %sub3A_373, %logistic3A_368 : vector<1000x32xf32>
    %mul3A_375 = vector.broadcast %squeeze3A_371 : f32 to vector<1000x32xf32>
    %mul3A_376 = arith.mulf %mul3A_375, %sub3A_374 : vector<1000x32xf32>
    %mul3A_377 = arith.mulf %mul3A_376, %tanh3A_369 : vector<1000x32xf32>
    %add3A_378 = arith.addf %add3A_347, %mul3A_377 : vector<1000x32xf32>
    %get3A_379 = arith.constant 0 : index
    %get3A_380 = arith.constant 0 : index
    %get3A_381 = vector.load %arg7[%get3A_379, %get3A_380] : memref<1000x128xf32, #tpu.memory_space<vmem>>, vector<1000x128xf32>
    %slice3A_382 = vector.extract_strided_slice %get3A_381 {offsets = [0, 64], sizes = [1000, 32], strides = [1, 1]} : vector<1000x128xf32> to vector<1000x32xf32>
    %broadcast_in_dim3A_383 = vector.shape_cast %rsqrt3A : vector<1000xf32> to vector<1000x1xf32>
    %mul3A_384 = vector.broadcast %broadcast_in_dim3A_383 : vector<1000x1xf32> to vector<1000x32xf32>
    %mul3A_385 = arith.mulf %slice3A_382, %mul3A_384 : vector<1000x32xf32>
    %add3A_386 = vector.broadcast %add3A_15 : vector<1x32xf32> to vector<1000x32xf32>
    %add3A_387 = arith.addf %mul3A_385, %add3A_386 : vector<1000x32xf32>
    %slice3A_388 = vector.extract_strided_slice %get3A_381 {offsets = [0, 96], sizes = [1000, 32], strides = [1, 1]} : vector<1000x128xf32> to vector<1000x32xf32>
    %broadcast_in_dim3A_389 = vector.shape_cast %rsqrt3A : vector<1000xf32> to vector<1000x1xf32>
    %mul3A_390 = vector.broadcast %broadcast_in_dim3A_389 : vector<1000x1xf32> to vector<1000x32xf32>
    %mul3A_391 = arith.mulf %slice3A_388, %mul3A_390 : vector<1000x32xf32>
    %add3A_392 = vector.broadcast %add3A_27 : vector<1x32xf32> to vector<1000x32xf32>
    %add3A_393 = arith.addf %mul3A_391, %add3A_392 : vector<1000x32xf32>
    %logistic3A_394 = arith.negf %add3A_387 : vector<1000x32xf32>
    %logistic3A_395 = math.exp %logistic3A_394 : vector<1000x32xf32>
    %logistic3A_396 = arith.constant 1.000000e+00 : f32
    %logistic3A_397 = vector.broadcast %logistic3A_396 : f32 to vector<1000x32xf32>
    %logistic3A_398 = arith.addf %logistic3A_397, %logistic3A_395 : vector<1000x32xf32>
    %logistic3A_399 = arith.divf %logistic3A_397, %logistic3A_398 : vector<1000x32xf32>
    %tanh3A_400 = math.tanh %add3A_393 : vector<1000x32xf32>
    %slice3A_401 = vector.extract_strided_slice %div3A_41 {offsets = [0, 11], sizes = [1, 1], strides = [1, 1]} : vector<1x12xf32> to vector<1x1xf32>
    %squeeze3A_402 = vector.extract %slice3A_401[0, 0] : f32 from vector<1x1xf32>
    %sub3A_403 = arith.constant 1.000000e+00 : f32
    %sub3A_404 = vector.broadcast %sub3A_403 : f32 to vector<1000x32xf32>
    %sub3A_405 = arith.subf %sub3A_404, %logistic3A_399 : vector<1000x32xf32>
    %mul3A_406 = vector.broadcast %squeeze3A_402 : f32 to vector<1000x32xf32>
    %mul3A_407 = arith.mulf %mul3A_406, %sub3A_405 : vector<1000x32xf32>
    %mul3A_408 = arith.mulf %mul3A_407, %tanh3A_400 : vector<1000x32xf32>
    %add3A_409 = arith.addf %add3A_378, %mul3A_408 : vector<1000x32xf32>
    %max3A = arith.constant 0.000000e+00 : f32
    %max3A_410 = vector.broadcast %max3A : f32 to vector<1000x32xf32>
    %max3A_411 = arith.maximumf %add3A_409, %max3A_410 : vector<1000x32xf32>
    %get3A_412 = arith.constant 0 : index
    %get3A_413 = arith.constant 0 : index
    %get3A_414 = vector.load %arg16[%get3A_412, %get3A_413] : memref<32x12xf32, #tpu.memory_space<vmem>>, vector<32x12xf32>
    %dot_general3A_415 = arith.constant dense<0.000000e+00> : vector<1000x12xf32>
    %dot_general3A_416 = tpu.matmul %max3A_411, %get3A_414, %dot_general3A_415 {dimension_numbers = #tpu.dot_dimension_numbers<[1], [0], [0], [1], [0, 0, 1, 1], [], []>, transpose_lhs_hint = false} : vector<1000x32xf32>, vector<32x12xf32>, vector<1000x12xf32> -> vector<1000x12xf32>
    %get3A_417 = arith.constant 0 : index
    %get3A_418 = arith.constant 0 : index
    %get3A_419 = vector.load %arg17[%get3A_417, %get3A_418] : memref<1x12xf32, #tpu.memory_space<vmem>>, vector<1x12xf32>
    %add3A_420 = vector.broadcast %get3A_419 : vector<1x12xf32> to vector<1000x12xf32>
    %add3A_421 = arith.addf %dot_general3A_416, %add3A_420 : vector<1000x12xf32>
    %swap3A = arith.constant 0 : index
    %swap3A_422 = arith.constant 0 : index
    %swap3A_423 = arith.constant 0 : index
    %swap3A_424 = vector.load %arg18[%swap3A, %swap3A_422, %swap3A_423] : memref<1x1000x12xf32, #tpu.memory_space<vmem>>, vector<1x1000x12xf32>
    %swap3A_425 = vector.shape_cast %swap3A_424 : vector<1x1000x12xf32> to vector<1000x12xf32>
    %swap3A_426 = vector.shape_cast %add3A_421 : vector<1000x12xf32> to vector<1x1000x12xf32>
    tpu.vector_store %arg18[%swap3A, %swap3A_422, %swap3A_423], %swap3A_426 {strides = array<i32>} : memref<1x1000x12xf32, #tpu.memory_space<vmem>>, vector<1x1000x12xf32>,
    return
  }
  func.func @transform_0(%arg0: i32, %arg1: i32) -> (i32, i32) {
    %mul3A = arith.constant 6 : i32
    %mul3A_0 = arith.muli %arg0, %mul3A : i32
    %add3A = arith.constant 0 : i32
    %add3A_1 = arith.addi %mul3A_0, %add3A : i32
    %mul3A_2 = arith.constant 10 : i32
    %mul3A_3 = arith.muli %add3A_1, %mul3A_2 : i32
    %add3A_4 = arith.addi %mul3A_3, %arg1 : i32
    %c0_i32 = arith.constant 0 : i32
    %c0_i32_5 = arith.constant 0 : i32
    return %add3A_4, %c0_i32 : i32, i32
  }
  func.func @transform_1(%arg0: i32, %arg1: i32) -> (i32, i32) {
    %mul3A = arith.constant 6 : i32
    %mul3A_0 = arith.muli %arg0, %mul3A : i32
    %add3A = arith.constant 1 : i32
    %add3A_1 = arith.addi %mul3A_0, %add3A : i32
    %mul3A_2 = arith.constant 10 : i32
    %mul3A_3 = arith.muli %add3A_1, %mul3A_2 : i32
    %add3A_4 = arith.addi %mul3A_3, %arg1 : i32
    %c0_i32 = arith.constant 0 : i32
    %c0_i32_5 = arith.constant 0 : i32
    return %add3A_4, %c0_i32 : i32, i32
  }
  func.func @transform_2(%arg0: i32, %arg1: i32) -> (i32, i32) {
    %mul3A = arith.constant 6 : i32
    %mul3A_0 = arith.muli %arg0, %mul3A : i32
    %add3A = arith.constant 2 : i32
    %add3A_1 = arith.addi %mul3A_0, %add3A : i32
    %mul3A_2 = arith.constant 10 : i32
    %mul3A_3 = arith.muli %add3A_1, %mul3A_2 : i32
    %add3A_4 = arith.addi %mul3A_3, %arg1 : i32
    %c0_i32 = arith.constant 0 : i32
    %c0_i32_5 = arith.constant 0 : i32
    return %add3A_4, %c0_i32 : i32, i32
  }
  func.func @transform_3(%arg0: i32, %arg1: i32) -> (i32, i32) {
    %mul3A = arith.constant 6 : i32
    %mul3A_0 = arith.muli %arg0, %mul3A : i32
    %add3A = arith.constant 3 : i32
    %add3A_1 = arith.addi %mul3A_0, %add3A : i32
    %mul3A_2 = arith.constant 10 : i32
    %mul3A_3 = arith.muli %add3A_1, %mul3A_2 : i32
    %add3A_4 = arith.addi %mul3A_3, %arg1 : i32
    %c0_i32 = arith.constant 0 : i32
    %c0_i32_5 = arith.constant 0 : i32
    return %add3A_4, %c0_i32 : i32, i32
  }
  func.func @transform_4(%arg0: i32, %arg1: i32) -> (i32, i32) {
    %mul3A = arith.constant 6 : i32
    %mul3A_0 = arith.muli %arg0, %mul3A : i32
    %add3A = arith.constant 4 : i32
    %add3A_1 = arith.addi %mul3A_0, %add3A : i32
    %mul3A_2 = arith.constant 10 : i32
    %mul3A_3 = arith.muli %add3A_1, %mul3A_2 : i32
    %add3A_4 = arith.addi %mul3A_3, %arg1 : i32
    %c0_i32 = arith.constant 0 : i32
    %c0_i32_5 = arith.constant 0 : i32
    return %add3A_4, %c0_i32 : i32, i32
  }
  func.func @transform_5(%arg0: i32, %arg1: i32) -> (i32, i32) {
    %mul3A = arith.constant 6 : i32
    %mul3A_0 = arith.muli %arg0, %mul3A : i32
    %add3A = arith.constant 5 : i32
    %add3A_1 = arith.addi %mul3A_0, %add3A : i32
    %mul3A_2 = arith.constant 10 : i32
    %mul3A_3 = arith.muli %add3A_1, %mul3A_2 : i32
    %add3A_4 = arith.addi %mul3A_3, %arg1 : i32
    %c0_i32 = arith.constant 0 : i32
    %c0_i32_5 = arith.constant 0 : i32
    return %add3A_4, %c0_i32 : i32, i32
  }
  func.func @transform_6(%arg0: i32, %arg1: i32) -> (i32, i32) {
    %c0_i32 = arith.constant 0 : i32
    %c0_i32_0 = arith.constant 0 : i32
    return %arg1, %c0_i32 : i32, i32
  }
  func.func @transform_7(%arg0: i32, %arg1: i32) -> (i32, i32) {
    %c0_i32 = arith.constant 0 : i32
    %c0_i32_0 = arith.constant 0 : i32
    %c0_i32_1 = arith.constant 0 : i32
    return %c0_i32, %c0_i32_0 : i32, i32
  }
  func.func @transform_8(%arg0: i32, %arg1: i32) -> (i32, i32) {
    %c0_i32 = arith.constant 0 : i32
    %c0_i32_0 = arith.constant 0 : i32
    %c0_i32_1 = arith.constant 0 : i32
    return %c0_i32, %c0_i32_0 : i32, i32
  }
  func.func @transform_9(%arg0: i32, %arg1: i32) -> (i32, i32) {
    %c0_i32 = arith.constant 0 : i32
    %c0_i32_0 = arith.constant 0 : i32
    %c0_i32_1 = arith.constant 0 : i32
    return %c0_i32, %c0_i32_0 : i32, i32
  }
  func.func @transform_10(%arg0: i32, %arg1: i32) -> (i32, i32) {
    %c0_i32 = arith.constant 0 : i32
    %c0_i32_0 = arith.constant 0 : i32
    %c0_i32_1 = arith.constant 0 : i32
    return %c0_i32, %c0_i32_0 : i32, i32
  }
  func.func @transform_11(%arg0: i32, %arg1: i32) -> (i32, i32) {
    %c0_i32 = arith.constant 0 : i32
    %c0_i32_0 = arith.constant 0 : i32
    %c0_i32_1 = arith.constant 0 : i32
    return %c0_i32, %c0_i32_0 : i32, i32
  }
  func.func @transform_12(%arg0: i32, %arg1: i32) -> (i32, i32) {
    %c0_i32 = arith.constant 0 : i32
    %c0_i32_0 = arith.constant 0 : i32
    %c0_i32_1 = arith.constant 0 : i32
    return %c0_i32, %c0_i32_0 : i32, i32
  }
  func.func @transform_13(%arg0: i32, %arg1: i32) -> (i32, i32) {
    %c0_i32 = arith.constant 0 : i32
    %c0_i32_0 = arith.constant 0 : i32
    %c0_i32_1 = arith.constant 0 : i32
    return %c0_i32, %c0_i32_0 : i32, i32
  }
  func.func @transform_14(%arg0: i32, %arg1: i32) -> (i32, i32) {
    %c0_i32 = arith.constant 0 : i32
    %c0_i32_0 = arith.constant 0 : i32
    %c0_i32_1 = arith.constant 0 : i32
    return %c0_i32, %c0_i32_0 : i32, i32
  }
  func.func @transform_15(%arg0: i32, %arg1: i32) -> (i32, i32) {
    %c0_i32 = arith.constant 0 : i32
    %c0_i32_0 = arith.constant 0 : i32
    %c0_i32_1 = arith.constant 0 : i32
    return %c0_i32, %c0_i32_0 : i32, i32
  }
  func.func @transform_16(%arg0: i32, %arg1: i32) -> (i32, i32, i32) {
    %c0_i32 = arith.constant 0 : i32
    %c0_i32_0 = arith.constant 0 : i32
    return %arg0, %arg1, %c0_i32 : i32, i32, i32
  }
}

</mosaic_0001>

<sc_bundles>
// kernel: kernel.6.cloned.1.call-start
scs
__scs_entry_jumppad:
0x0: {  	(pc) =	sbr.rel $0x88, $3  }
0x1: {  	(tag) =	ssettag $0x0;
	lr =	simm.s32 $0x1  }
0x2: {  	[smem:$0x3F94] =	sst lr;
	_ =	strace $0xD0000000  }
0x3: {  	_ = 	snop  }
0x4: {  	_ = 	snop  }
0x5: {  	_ = 	snop  }
0x6: {  	_ = 	snop  }
0x7: {  	_ = 	snop  }
__scs_overlays_trampoline_lowered:
0x8: {  	[smem:$0x3FA3] =	sst s0  }
0x9: {  	[smem:$0x3FA4] =	sst s1  }
0xa: {  	[smem:$0x3FA5] =	sst s2  }
0xb: {  	[smem:$0x3FA6] =	sst s3  }
0xc: {  	[smem:$0x3FA7] =	sst s4  }
0xd: {  	[smem:$0x3FA8] =	sst s5  }
0xe: {  	[smem:$0x3FA9] =	sst s6  }
0xf: {  	[smem:$0x3FAA] =	sst s7  }
0x10: {  	[smem:$0x3FAB] =	sst s8  }
0x11: {  	[smem:$0x3FAC] =	sst s9;
	s0 =	simm.s32 @!p0 $0x0  }
0x12: {  	s1 =	sld [smem:$0x3F92];
	s0 =	simm.s32 @p0 $0x1  }
0x13: {  	[smem:$0x3FAD] =	sst s0;
	s0 =	simm.s32 @!p1 $0x0  }
0x14: {  	s2 =	sld [smem:$0x3F91];
	s0 =	simm.s32 @p1 $0x1  }
0x15: {  	[smem:$0x3FAE] =	sst s0;
	s0 =	simm.s32 @!p2 $0x0  }
0x16: {  	s3 =	sld [smem:$0x3FDB];
	s0 =	simm.s32 @p2 $0x1  }
0x17: {  	s4 =	simm.s32 $0x1BF5;
	[smem:$0x3FB0] =	sst s0  }
0x18: {  	s0 =	sld [smem:$0x3F93];
	_ =	swait.ge [sflag:s4], $0x0  }
0x19: {  	s7 =	sld [smem:$0x3F94]  }
0x1a: {  	s8 =	sadd.s32 $0xFFFFE003, lr  }
0x1b: {  	s9 =	sadd.s32 $0xFFFFFEF7, lr;
	s5 =	simm.s32 $0xFFFFFFFF;
	p2 =	slt.u32 s8, $0xFFFFF086  }
0x1c: {  	p1 =	slt.u32 s9, $0xF7A;
	s5 =	simm.s32 @!p2 $0x0  }
0x1d: {  	s5 =	simm.s32 @p1 $0x1;
	p0 =	seq.s32 s7, s2  }
0x1e: {  	s7 =	smul.u32 @!p0 $0xF7A, s2;
	p2 =	seq.s32 @!p0 s5, $0x0  }
0x1f: {  	s9 =	smul.u32 $0xF7A, s1;
	s8 =	simm.s32 @!p0 $0x1BF5;
	p2 =	por !p2, p0  }
0x20: {  	[sflag:s8] =	ssyncset.s32 @!p0 $0xFFFFF086;
	s6 =	sadd.s32 @!p0 s3, s7;
	s7 =	simm.s32 @!p0 $0x108  }
0x21: {  	s3 =	sadd.s32 s3, s9;
	s6 =	sadd.s32 @!p0 $0x88, s6;
	s7 =	simm.s32 @p2 $0x1082  }
0x22: {  	[simem:s7], [sflag:s8] =	dma.local @!p0 [hbm:s6], $0xF7A  }
0x23: {  	s9 =	sor.u32 $0xD0000000, s2;
	s6 =	simm.s32 $0x108;
	_ =	swait.ge @!p0 [sflag:s8], $0x0  }
0x24: {  	s3 =	sadd.s32 $0x88, s3;
	s6 =	simm.s32 @!p1 $0x1082;
	[sflag:s4] =	ssyncset.s32 $0xFFFFF086  }
0x25: {  	[simem:s6], [sflag:s4] =	dma.local [hbm:s3], $0xF7A  }
0x26: {  	[smem:$0x3F94] =	sst s1;
	(tag) =	ssettag s2;
	_ =	strace s9  }
0x27: {  	s1 =	sld [smem:$0x3FA4]  }
0x28: {  	s2 =	sld [smem:$0x3FA5]  }
0x29: {  	s4 =	sld [smem:$0x3FA7]  }
0x2a: {  	p0 =	seq.s32 s5, $0x0;
	s5 =	sld [smem:$0x3FA8]  }
0x2b: {  	s6 =	sld [smem:$0x3FA9]  }
0x2c: {  	s7 =	sld [smem:$0x3FAA]  }
0x2d: {  	s3 =	simm.s32 $0x108;
	s8 =	sld [smem:$0x3FAB]  }
0x2e: {  	s3 =	simm.s32 @!p0 $0x1082;
	s9 =	sld [smem:$0x3FAC]  }
0x2f: {  	lr =	sadd.s32 s0, s3;
	s0 =	sld [smem:$0x3FA3]  }
0x30: {  	s3 =	sld [smem:$0x3FA6]  }
0x31: {  	[smem:$0x3FAF] =	sst s10  }
0x32: {  	s10 =	sld [smem:$0x3FAD];
	_ =	sdelay $0x3  }
0x33: {  	p0 =	seq.s32 s10, $0x1;
	s10 =	sld [smem:$0x3FAF];
	_ =	sdelay $0x3  }
0x34: {  	[smem:$0x3FAF] =	sst s10  }
0x35: {  	s10 =	sld [smem:$0x3FAE];
	_ =	sdelay $0x3  }
0x36: {  	p1 =	seq.s32 s10, $0x1;
	s10 =	sld [smem:$0x3FAF];
	_ =	sdelay $0x3  }
0x37: {  	[smem:$0x3FAF] =	sst s10  }
0x38: {  	s10 =	sld [smem:$0x3FB0]  }
0x39: {  	_ = 	snop;
	(pc) =	sbr.ind lr, $3  }
0x3a: {  	_ = 	snop  }
0x3b: {  	_ = 	snop  }
0x3c: {  	p2 =	seq.s32 s10, $0x1;
	s10 =	sld [smem:$0x3FAF]  }
0x3d: {  	_ =	shalt  }
0x3e: {  	_ =	shalt  }
0x3f: {  	_ =	shalt  }
0x40: {  	_ =	shalt  }
0x41: {  	_ =	shalt  }
0x42: {  	_ =	shalt  }
0x43: {  	_ =	shalt  }
0x44: {  	_ =	shalt  }
0x45: {  	_ =	shalt  }
0x46: {  	_ =	shalt  }
0x47: {  	_ =	shalt  }
0x48: {  	_ =	shalt  }
0x49: {  	_ =	shalt  }
0x4a: {  	_ =	shalt  }
0x4b: {  	_ =	shalt  }
0x4c: {  	_ =	shalt  }
0x4d: {  	_ =	shalt  }
0x4e: {  	_ =	shalt  }
0x4f: {  	_ =	shalt  }
0x50: {  	_ =	shalt  }
0x51: {  	_ =	shalt  }
0x52: {  	_ =	shalt  }
0x53: {  	_ =	shalt  }
0x54: {  	_ =	shalt  }
0x55: {  	_ =	shalt  }
0x56: {  	_ =	shalt  }
0x57: {  	_ =	shalt  }
0x58: {  	_ =	shalt  }
0x59: {  	_ =	shalt  }
0x5a: {  	_ =	shalt  }
0x5b: {  	_ =	shalt  }
0x5c: {  	_ =	shalt  }
0x5d: {  	_ =	shalt  }
0x5e: {  	_ =	shalt  }
0x5f: {  	_ =	shalt  }
0x60: {  	_ =	shalt  }
0x61: {  	_ =	shalt  }
0x62: {  	_ =	shalt  }
0x63: {  	_ =	shalt  }
0x64: {  	_ =	shalt  }
0x65: {  	_ =	shalt  }
0x66: {  	_ =	shalt  }
0x67: {  	_ =	shalt  }
0x68: {  	_ =	shalt  }
0x69: {  	_ =	shalt  }
0x6a: {  	_ =	shalt  }
0x6b: {  	_ =	shalt  }
0x6c: {  	_ =	shalt  }
0x6d: {  	_ =	shalt  }
0x6e: {  	_ =	shalt  }
0x6f: {  	_ =	shalt  }
0x70: {  	_ =	shalt  }
0x71: {  	_ =	shalt  }
0x72: {  	_ =	shalt  }
0x73: {  	_ =	shalt  }
0x74: {  	_ =	shalt  }
0x75: {  	_ =	shalt  }
0x76: {  	_ =	shalt  }
0x77: {  	_ =	shalt  }
0x78: {  	_ =	shalt  }
0x79: {  	_ =	shalt  }
0x7a: {  	_ =	shalt  }
0x7b: {  	_ =	shalt  }
0x7c: {  	_ =	shalt  }
0x7d: {  	_ =	shalt  }
0x7e: {  	_ =	shalt  }
0x7f: {  	_ =	shalt  }
0x80: {  	_ =	shalt  }
0x81: {  	_ =	shalt  }
0x82: {  	_ =	shalt  }
0x83: {  	_ =	shalt  }
0x84: {  	_ =	shalt  }
0x85: {  	_ =	shalt  }
0x86: {  	_ =	shalt  }
0x87: {  	_ =	shalt  }
.Lfunc_end0:
.L_simem_size_0:
called_computation_lowered:
.L_overlay_start_0:
0x88: {  	s2 =	sld [smem:$0x3FD9]  }
0x89: {  	s3 =	sld [smem:$0x3FFE];
	_ =	sdelay $0x1  }
0x8a: {  	s1 =	srdreg.scid  }
0x8b: {  	s0 =	sand.u32 $0x1, s1  }
0x8c: {  	s16 =	sshll.u32 s0, $0xA;
	s2 =	sadd.s32 s3, s2  }
0x8d: {  	s2 =	sadd.s32 s2, s16  }
0x8e: {  	[smem:$0x3FBB] =	sst s2  }
0x8f: {  	_ = 	snop  }
0x90: {  	(tm) =	ssettm $0x1  }
0x91: {  	s17 =	sld [smem:$0x3FFB];
	_ =	sdelay $0x3  }
0x92: {  	_ =	strace s17  }
0x93: {  	s2 =	sld [smem:$0x3FFC];
	_ =	sdelay $0x3  }
0x94: {  	_ =	strace s2  }
0x95: {  	s2 =	sld [smem:$0x3FFD];
	_ =	sdelay $0x3  }
0x96: {  	_ =	strace s2  }
0x97: {  	_ =	strace $0x8FFFFFFF  }
0x98: {  	s18 =	sld [smem:$0x3FDB];
	_ =	sdelay $0x1  }
0x99: {  	s19 =	simm.s32 $_scs_section_size  }
0x9a: {  	s4 =	simm.s32 $_size__tile_overlayer_lowered;
	s5 =	simm.s32 $_tile_overlayer_lowered  }
0x9b: {  	s22 =	simm.s32 $0x1BFF;
	s21 =	sshll.u32 s5, $0x1;
	s2 =	sadd.s32 s19, s18  }
0x9c: {  	s6 =	simm.s32 $0x0;
	s20 =	sshll.u32 s4, $0x1;
	s4 =	sadd.s32 s21, s2  }
0x9d: {  	[timem:s6], [sflag:s22] =	dma.local [hbm:s4], s20  }
0x9e: {  	_ =	swait.ge [sflag:s22], s20  }
0x9f: {  	s3 =	ssub.s32 $0x0, s20;
	[sflag:s22] =	ssyncset.done $0x0  }
0xa0: {  	[sflag:s22] =	ssyncadd.s32 s3;
	_ =	sdelay $0x1  }
0xa1: {  	s23 =	simm.s32 $0x1B8B  }
0xa2: {  	_ =	swait.ge [sflag:s23], $0x1  }
0xa3: {  	[sflag:s23] =	ssyncset.done $0x0  }
0xa4: {  	s25 =	simm.s32 $0x1B8E;
	s24 =	sld [smem:$0x3FFE];
	[sflag:s23] =	ssyncadd.s32 $0xFFFFFFFF  }
0xa5: {  	s26 =	simm.s32 $execute0_lowered;
	[smem:$0x3FD2] =	sst s25  }
0xa6: {  	s4 =	sshll.u32 s26, $0x1;
	_ =	strace $0x80000046;
	[dreg:$0x1] =	wrdreg $0xFFFFFFFF  }
0xa7: {  	s28 =	simm.s32 $_size_execute0_lowered;
	s2 =	sadd.s32 s2, s4;
	[dreg:$0x0] =	wrdreg $0x0  }
0xa8: {  	s4 =	sshll.u32 s28, $0x1;
	[dreg:$0x2] =	wrdreg s2  }
0xa9: {  	[dreg:$0x3] =	wrdreg s4  }
0xaa: {  	[dreg:$0x4] =	wrdreg $0xC0  }
0xab: {  	_ =	task [dreg:s6], $0x5FFFF  }
0xac: {  	[dreg:$0x1] =	wrdreg $0xFFFFFFFF  }
0xad: {  	[dreg:$0x0] =	wrdreg $0x60  }
0xae: {  	[dreg:$0x2] =	wrdreg s24  }
0xaf: {  	[dreg:$0x3] =	wrdreg $0x9  }
0xb0: {  	_ =	task.clear_ibuf [dreg:s6], $0x4FFFF;
	_ =	strace $0x90000046  }
0xb1: {  	s29 =	simm.s32 $0x9;
	_ =	strace $0x80000048  }
0xb2: {  	_ =	swait.ge [sflag:s29], $0x1  }
0xb3: {  	[sflag:s29] =	ssyncadd.s32 $0xFFFFFFFF  }
0xb4: {  	_ =	strace $0x90000048  }
0xb5: {  	_ =	sfence  }
0xb6: {  	s30 =	sld [smem:$0x0];
	_ =	sdelay $0x2  }
0xb7: {  	s31 =	sshll.u32 s1, $0xD;
	s1 =	sshrl.u32 s1, $0x2  }
0xb8: {  	s3 =	sand.u32 $0x4000, s31;
	s1 =	sadd.s32 s1, s30  }
0xb9: {  	s0 =	sor.u32 s3, s0;
	s1 =	sshll.u32 s1, $0x11  }
0xba: {  	s0 =	sor.u32 s1, s0  }
0xbb: {  	s0 =	sadd.s32 $0x8F2B, s0  }
0xbc: {  	[sflag:s0] =	ssyncadd.remote.s32 $0x1  }
0xbd: {  	_ =	sfence.sel $0xFFFF  }
0xbe: {  	[dreg:$0x0] =	wrdreg $0xFFFFFFFF;
	(pc) =	sbr.abs _section_cstart, $3  }
0xbf: {  	[dreg:$0x1] =	wrdreg $0xFFFFFFFF  }
0xc0: {  	_ =	task.clear_ibuf [dreg:s6], $0x2FFFF;
	_ =	strace $0x9FFFFFFF  }
0xc1: {  	(tm) =	ssettm $0x7FFFFFFF  }
tec
execute0_lowered:
.L_overlay_start_1:
0x0: {  	(tag) =	ssettag $0x1  }
0x1: {  	s1 =	srdreg.scid  }
0x2: {  	s0 =	stileid.u32;
	s4 =	rddreg [dreg:$0x0]  }
0x3: {  	s2 =	simm.s32 $0x0;
	s3 =	sand.u32 $0x1, s1;
	s31 =	sshll.u32 s0, $0x1  }
0x4: {  	s10 =	simm.s32 $0x0;
	[smem:$0x7FF] =	sst s2;
	s1 =	sor.u32 s3, s31  }
0x5: {  	s9 =	sadd.s32 $0xC000, s4;
	s3 =	ssub.s32 $0x2, s3;
	s5 =	smul.u32 $0x2710, s1  }
0x6: {  	s1 =	rddreg [dreg:$0x1];
	_ =	strace $0x80000047;
	s8 =	sshrl.u32 s3, $0x1  }
0x7: {  	v0 =	vlaneseq.u32;
	s8 =	ssub.s32 s3, s8;
	s6 =	sshrl.u32 s5, $0x3;
	s5 =	sadd.s32 $0x1388, s5  }
0x8: {  	v0 =	vmul.u32 $0x1390, v0;
	s7 =	sadd.s32 s6, s4;
	s4 =	sadd.s32 s9, s6;
	s5 =	sshrl.u32 s5, $0x3  }
0x9: {  	s6 =	smax.u32 s8, $0x1;
	s8 =	simm.s32 $0x2780;
	s3 =	sadd.s32 $0x2200, s7  }
0xa: {  	v1 =	vimm.f32 $0.0e+00;
	v2 =	vadd.s32 $0xFFFFEC78, v0;
	s5 =	sadd.s32 s9, s5;
	s7 =	simm.s32 $0x1;
	s9 =	simm.s32 $0x16080  }
.LBB2_1:
0xb: {  	[tilespmem:s2], [sflag:$0x1] =	stream.linear.gather [hbm4b:s3+s2], $0x2710, $0x38;
	[tilespmem:$0x17480] =	vst v63  }
0xc: {  	_ =	swait.ge [sflag:s7], $0x2710  }
0xd: {  	[sflag:s7] =	ssyncset.done $0x0  }
0xe: {  	s11 =	simm.s32 $0x40;
	s12 =	simm.s32 $0x0;
	[sflag:s7] =	ssyncadd.s32 $0xFFFFD8F0  }
.LBB2_2:
0xf: {  	p0 =	sne.s32 s11, $0x4E3C0;
	[tilespmem:s12+$0x2780] =	vst v1;
	s12 =	smov.u32 s11;
	s11 =	sadd.s32 $0x40, s11  }
.Ltmp0:
0x10: {  	(pc) =	sbr.rel @p0 .LBB2_2-.Ltmp0, $2  }
0x11: {  	_ =	sdelay $0x2  }
0x12: {  	s12 =	sshra.s32 s12, $0x2  }
0x13: {  	[tilespmem:s12+$0x2780] =	vst v1;
	s11 =	simm.s32 $0x0;
	s13 =	simm.s32 $0x0;
	s12 =	simm.s32 $0x40  }
.LBB2_4:
0x14: {  	p0 =	sne.s32 s12, $0x9C00;
	v3 =	vld [tilespmem:s13+$0x0];
	_ =	sdelay $0x4  }
0x15: {  	vm0 =	vlt.u32 v3, $0x1388  }
0x16: {  	v3 =	vadd.s32 v0, v3;
	_ =	sdelay $0x4  }
0x17: {  	v4 =	vld.idx.msk [tilespmem:v3+s8+$0x0], vm0;
	_ =	sdelay $0x3  }
.Ltmp1:
0x18: {  	(pc) =	sbr.rel @p0 .LBB2_4-.Ltmp1, $3  }
0x19: {  	_ = 	snop  }
0x1a: {  	v4 =	vadd.f32 $1.000000000e+00, v4;
	_ =	sdelay $0x1  }
0x1b: {  	s13 =	sshra.s32 s12, $0x2;
	s12 =	sadd.s32 $0x40, s12;
	[tilespmem:v3+s8+$0x0] =	vst.idx.msk vm0, v4  }
0x1c: {  	v3 =	vld [tilespmem:s13+$0x0];
	_ =	sdelay $0x4  }
0x1d: {  	vm0 =	vlt.u32 v3, $0x1388  }
0x1e: {  	v3 =	vadd.s32 v0, v3;
	_ =	sdelay $0x4  }
0x1f: {  	v4 =	vld.idx.msk [tilespmem:v3+s8+$0x0], vm0;
	_ =	sdelay $0x4  }
0x20: {  	v4 =	vadd.f32 $1.000000000e+00, v4;
	_ =	sdelay $0x1  }
0x21: {  	s12 =	simm.s32 $0x0;
	[tilespmem:v3+s8+$0x0] =	vst.idx.msk vm0, v4  }
0x22: {  	v3 =	vld [tilespmem:s12+$0x2780]  }
0x23: {  	v4 =	vld [tilespmem:s12+$0x3B10];
	_ =	sdelay $0x1  }
0x24: {  	v5 =	vld [tilespmem:s12+$0x4EA0];
	_ =	sdelay $0x1  }
0x25: {  	v6 =	vld [tilespmem:s12+$0x6230]  }
0x26: {  	v3 =	vadd.f32 v4, v3  }
0x27: {  	v4 =	vld [tilespmem:s12+$0x75C0]  }
0x28: {  	v3 =	vadd.f32 v5, v3  }
0x29: {  	v5 =	vld [tilespmem:s12+$0x8950]  }
0x2a: {  	v3 =	vadd.f32 v6, v3  }
0x2b: {  	v6 =	vld [tilespmem:s12+$0x9CE0]  }
0x2c: {  	v3 =	vadd.f32 v4, v3  }
0x2d: {  	v4 =	vld [tilespmem:s12+$0xB070]  }
0x2e: {  	s31 =	sand.u32 $0x1FF0, s11;
	v3 =	vadd.f32 v5, v3  }
0x2f: {  	v7 =	vld [tilespmem:s31+$0xC400]  }
0x30: {  	v3 =	vadd.f32 v6, v3  }
0x31: {  	v8 =	vld [tilespmem:s12+$0xD790]  }
0x32: {  	v3 =	vadd.f32 v4, v3  }
0x33: {  	v5 =	vld [tilespmem:s12+$0xEB20]  }
0x34: {  	s13 =	simm.s32 $0x10;
	v6 =	vld [tilespmem:s12+$0xFEB0];
	v7 =	vadd.f32 v7, v3  }
0x35: {  	v4 =	vld [tilespmem:s13+$0x2780]  }
0x36: {  	s14 =	simm.s32 $0x80;
	v3 =	vld [tilespmem:s12+$0x11240];
	v7 =	vadd.f32 v8, v7  }
.LBB2_6:
0x37: {  	p0 =	sne.s32 s14, $0x4E00;
	v8 =	vld [tilespmem:s13+$0x3B10]  }
0x38: {  	v5 =	vadd.f32 v5, v7;
	v7 =	vld [tilespmem:s12+$0x125D0]  }
0x39: {  	v9 =	vld [tilespmem:s13+$0x4EA0]  }
0x3a: {  	v5 =	vadd.f32 v6, v5;
	v6 =	vld [tilespmem:s12+$0x13960]  }
0x3b: {  	v10 =	vld [tilespmem:s13+$0x6230]  }
0x3c: {  	v4 =	vadd.f32 v8, v4;
	v3 =	vadd.f32 v3, v5;
	v5 =	vld [tilespmem:s12+$0x14CF0]  }
0x3d: {  	v8 =	vld [tilespmem:s13+$0x75C0]  }
0x3e: {  	v4 =	vadd.f32 v9, v4;
	v3 =	vadd.f32 v7, v3  }
0x3f: {  	v7 =	vld [tilespmem:s13+$0x8950]  }
0x40: {  	v4 =	vadd.f32 v10, v4;
	v3 =	vadd.f32 v6, v3  }
0x41: {  	v6 =	vld [tilespmem:s13+$0x9CE0]  }
0x42: {  	v4 =	vadd.f32 v8, v4;
	v3 =	vadd.f32 v5, v3  }
0x43: {  	s11 =	sadd.s32 $0x10, s11;
	v5 =	vld [tilespmem:s13+$0xB070]  }
0x44: {  	s15 =	sand.u32 $0x1FF0, s11;
	v4 =	vadd.f32 v7, v4;
	[tilespmem:s12+$0x16080] =	vst v3;
	s12 =	smov.u32 s13  }
0x45: {  	v3 =	vld [tilespmem:s15+$0xC400]  }
0x46: {  	v4 =	vadd.f32 v6, v4  }
0x47: {  	v7 =	vld [tilespmem:s12+$0xD790]  }
.Ltmp2:
0x48: {  	v4 =	vadd.f32 v5, v4;
	(pc) =	sbr.rel @p0 .LBB2_6-.Ltmp2, $4  }
0x49: {  	v5 =	vld [tilespmem:s12+$0xEB20]  }
0x4a: {  	v8 =	vadd.f32 v3, v4;
	v3 =	vld [tilespmem:s12+$0x11240]  }
0x4b: {  	s13 =	sshra.s32 s14, $0x2;
	v6 =	vld [tilespmem:s12+$0xFEB0]  }
0x4c: {  	s14 =	sadd.s32 $0x40, s14;
	v4 =	vld [tilespmem:s13+$0x2780];
	v7 =	vadd.f32 v7, v8  }
0x4d: {  	v8 =	vld [tilespmem:s13+$0x3B10]  }
0x4e: {  	v50 =	vld [tilespmem:s12+$0x125D0];
	v5 =	vadd.f32 v5, v7  }
0x4f: {  	v9 =	vld [tilespmem:s13+$0x4EA0]  }
0x50: {  	v51 =	vld [tilespmem:s12+$0x13960];
	v5 =	vadd.f32 v6, v5  }
0x51: {  	v10 =	vld [tilespmem:s13+$0x6230]  }
0x52: {  	v52 =	vld [tilespmem:s12+$0x14CF0];
	v4 =	vadd.f32 v8, v4;
	v3 =	vadd.f32 v3, v5  }
0x53: {  	v53 =	vld [tilespmem:s13+$0x75C0]  }
0x54: {  	v4 =	vadd.f32 v9, v4;
	v3 =	vadd.f32 v50, v3  }
0x55: {  	v54 =	vld [tilespmem:s13+$0x8950]  }
0x56: {  	v4 =	vadd.f32 v10, v4;
	v3 =	vadd.f32 v51, v3  }
0x57: {  	v55 =	vld [tilespmem:s13+$0x9CE0]  }
0x58: {  	v4 =	vadd.f32 v53, v4;
	v3 =	vadd.f32 v52, v3  }
0x59: {  	v56 =	vld [tilespmem:s13+$0xB070];
	s11 =	sadd.s32 $0x10, s11  }
0x5a: {  	s11 =	sand.u32 $0x1FF0, s11;
	v4 =	vadd.f32 v54, v4;
	[tilespmem:s12+$0x16080] =	vst v3  }
0x5b: {  	v3 =	vld [tilespmem:s11+$0xC400]  }
0x5c: {  	v4 =	vadd.f32 v55, v4  }
0x5d: {  	v57 =	vld [tilespmem:s13+$0xD790]  }
0x5e: {  	v4 =	vadd.f32 v56, v4  }
0x5f: {  	v58 =	vld [tilespmem:s13+$0xEB20]  }
0x60: {  	v3 =	vadd.f32 v3, v4  }
0x61: {  	v59 =	vld [tilespmem:s13+$0xFEB0]  }
0x62: {  	v3 =	vadd.f32 v57, v3  }
0x63: {  	v60 =	vld [tilespmem:s13+$0x11240]  }
0x64: {  	v3 =	vadd.f32 v58, v3  }
0x65: {  	v61 =	vld [tilespmem:s13+$0x125D0]  }
0x66: {  	v3 =	vadd.f32 v59, v3  }
0x67: {  	v62 =	vld [tilespmem:s13+$0x13960]  }
0x68: {  	v3 =	vadd.f32 v60, v3  }
0x69: {  	v63 =	vld [tilespmem:s13+$0x14CF0]  }
0x6a: {  	v3 =	vadd.f32 v61, v3;
	_ =	sdelay $0x1  }
0x6b: {  	v3 =	vadd.f32 v62, v3;
	_ =	sdelay $0x1  }
0x6c: {  	v3 =	vadd.f32 v63, v3;
	_ =	sdelay $0x1  }
0x6d: {  	s11 =	simm.s32 $0x0;
	[tilespmem:s13+$0x16080] =	vst v3  }
0x6e: {  	[hbm4b:s4+s11] =	stream.linear.scatter [tilespmem:s9], [sflag:$0x1], $0x1388, $0x38;
	[tilespmem:$0x17480] =	vst v63  }
0x6f: {  	_ =	swait.ge [sflag:s7], $0x1388  }
0x70: {  	[sflag:s7] =	ssyncset.done $0x0  }
0x71: {  	s12 =	simm.s32 $0x40;
	s13 =	simm.s32 $0x0;
	[sflag:s7] =	ssyncadd.s32 $0xFFFFEC78  }
.LBB2_8:
0x72: {  	p0 =	sne.s32 s12, $0x4E3C0;
	[tilespmem:s13+$0x2780] =	vst v1;
	s13 =	smov.u32 s12;
	s12 =	sadd.s32 $0x40, s12  }
.Ltmp3:
0x73: {  	(pc) =	sbr.rel @p0 .LBB2_8-.Ltmp3, $2  }
0x74: {  	_ =	sdelay $0x2  }
0x75: {  	s13 =	sshra.s32 s13, $0x2  }
0x76: {  	[tilespmem:s13+$0x2780] =	vst v1  }
.LBB2_10:
0x77: {  	s12 =	sshra.s32 s11, $0x2  }
0x78: {  	v3 =	vld [tilespmem:s12+$0x0];
	_ =	sdelay $0x4  }
0x79: {  	v4 =	vadd.s32 $0xFFFFEC78, v3  }
0x7a: {  	vm0 =	vlt.u32 v4, $0x1388  }
0x7b: {  	v3 =	vadd.s32 v2, v3;
	_ =	sdelay $0x4  }
0x7c: {  	v4 =	vld.idx.msk [tilespmem:v3+s8+$0x0], vm0;
	_ =	sdelay $0x1  }
0x7d: {  	p0 =	sne.s32 s11, $0x9C00  }
.Ltmp4:
0x7e: {  	_ = 	snop;
	(pc) =	sbr.rel @p0 .LBB2_10-.Ltmp4, $3  }
0x7f: {  	_ = 	snop  }
0x80: {  	v4 =	vadd.f32 $1.000000000e+00, v4;
	_ =	sdelay $0x1  }
0x81: {  	s11 =	sadd.s32 $0x40, s11;
	[tilespmem:v3+s8+$0x0] =	vst.idx.msk vm0, v4  }
0x82: {  	s11 =	simm.s32 $0x0  }
0x83: {  	v3 =	vld [tilespmem:s11+$0x2780]  }
0x84: {  	v4 =	vld [tilespmem:s11+$0x3B10];
	_ =	sdelay $0x1  }
0x85: {  	v5 =	vld [tilespmem:s11+$0x4EA0];
	_ =	sdelay $0x1  }
0x86: {  	v6 =	vld [tilespmem:s11+$0x6230]  }
0x87: {  	v3 =	vadd.f32 v4, v3  }
0x88: {  	v4 =	vld [tilespmem:s11+$0x75C0]  }
0x89: {  	v3 =	vadd.f32 v5, v3  }
0x8a: {  	v5 =	vld [tilespmem:s11+$0x8950]  }
0x8b: {  	v3 =	vadd.f32 v6, v3  }
0x8c: {  	v6 =	vld [tilespmem:s11+$0x9CE0]  }
0x8d: {  	v3 =	vadd.f32 v4, v3  }
0x8e: {  	s12 =	simm.s32 $0x0;
	v4 =	vld [tilespmem:s11+$0xB070]  }
0x8f: {  	s13 =	sand.u32 $0x1FF0, s12;
	v3 =	vadd.f32 v5, v3  }
0x90: {  	v7 =	vld [tilespmem:s13+$0xC400]  }
0x91: {  	v3 =	vadd.f32 v6, v3  }
0x92: {  	v8 =	vld [tilespmem:s11+$0xD790]  }
0x93: {  	v3 =	vadd.f32 v4, v3  }
0x94: {  	v5 =	vld [tilespmem:s11+$0xEB20]  }
0x95: {  	s13 =	simm.s32 $0x10;
	v6 =	vld [tilespmem:s11+$0xFEB0];
	v7 =	vadd.f32 v7, v3  }
0x96: {  	v4 =	vld [tilespmem:s13+$0x2780]  }
0x97: {  	s14 =	simm.s32 $0x80;
	v3 =	vld [tilespmem:s11+$0x11240];
	v7 =	vadd.f32 v8, v7  }
.LBB2_12:
0x98: {  	p0 =	sne.s32 s14, $0x4E00;
	v8 =	vld [tilespmem:s13+$0x3B10]  }
0x99: {  	v5 =	vadd.f32 v5, v7;
	v7 =	vld [tilespmem:s11+$0x125D0]  }
0x9a: {  	v9 =	vld [tilespmem:s13+$0x4EA0]  }
0x9b: {  	v5 =	vadd.f32 v6, v5;
	v6 =	vld [tilespmem:s11+$0x13960]  }
0x9c: {  	v10 =	vld [tilespmem:s13+$0x6230]  }
0x9d: {  	v4 =	vadd.f32 v8, v4;
	v3 =	vadd.f32 v3, v5;
	v5 =	vld [tilespmem:s11+$0x14CF0]  }
0x9e: {  	v8 =	vld [tilespmem:s13+$0x75C0]  }
0x9f: {  	v4 =	vadd.f32 v9, v4;
	v3 =	vadd.f32 v7, v3  }
0xa0: {  	v7 =	vld [tilespmem:s13+$0x8950]  }
0xa1: {  	v4 =	vadd.f32 v10, v4;
	v3 =	vadd.f32 v6, v3  }
0xa2: {  	v6 =	vld [tilespmem:s13+$0x9CE0]  }
0xa3: {  	v4 =	vadd.f32 v8, v4;
	v3 =	vadd.f32 v5, v3  }
0xa4: {  	s12 =	sadd.s32 $0x10, s12;
	v5 =	vld [tilespmem:s13+$0xB070]  }
0xa5: {  	s15 =	sand.u32 $0x1FF0, s12;
	v4 =	vadd.f32 v7, v4;
	[tilespmem:s11+$0x16080] =	vst v3;
	s11 =	smov.u32 s13  }
0xa6: {  	v3 =	vld [tilespmem:s15+$0xC400]  }
0xa7: {  	v4 =	vadd.f32 v6, v4  }
0xa8: {  	v7 =	vld [tilespmem:s11+$0xD790]  }
.Ltmp5:
0xa9: {  	v4 =	vadd.f32 v5, v4;
	(pc) =	sbr.rel @p0 .LBB2_12-.Ltmp5, $4  }
0xaa: {  	v5 =	vld [tilespmem:s11+$0xEB20]  }
0xab: {  	v8 =	vadd.f32 v3, v4;
	v3 =	vld [tilespmem:s11+$0x11240]  }
0xac: {  	s13 =	sshra.s32 s14, $0x2;
	v6 =	vld [tilespmem:s11+$0xFEB0]  }
0xad: {  	s14 =	sadd.s32 $0x40, s14;
	v4 =	vld [tilespmem:s13+$0x2780];
	v7 =	vadd.f32 v7, v8  }
0xae: {  	v8 =	vld [tilespmem:s13+$0x3B10]  }
0xaf: {  	v50 =	vld [tilespmem:s11+$0x125D0];
	v5 =	vadd.f32 v5, v7  }
0xb0: {  	v9 =	vld [tilespmem:s13+$0x4EA0]  }
0xb1: {  	v51 =	vld [tilespmem:s11+$0x13960];
	v5 =	vadd.f32 v6, v5  }
0xb2: {  	v10 =	vld [tilespmem:s13+$0x6230]  }
0xb3: {  	v52 =	vld [tilespmem:s11+$0x14CF0];
	v4 =	vadd.f32 v8, v4;
	v3 =	vadd.f32 v3, v5  }
0xb4: {  	v53 =	vld [tilespmem:s13+$0x75C0]  }
0xb5: {  	v4 =	vadd.f32 v9, v4;
	v3 =	vadd.f32 v50, v3  }
0xb6: {  	v54 =	vld [tilespmem:s13+$0x8950]  }
0xb7: {  	v4 =	vadd.f32 v10, v4;
	v3 =	vadd.f32 v51, v3  }
0xb8: {  	v55 =	vld [tilespmem:s13+$0x9CE0]  }
0xb9: {  	v4 =	vadd.f32 v53, v4;
	v3 =	vadd.f32 v52, v3  }
0xba: {  	v56 =	vld [tilespmem:s13+$0xB070];
	s12 =	sadd.s32 $0x10, s12  }
0xbb: {  	s12 =	sand.u32 $0x1FF0, s12;
	v4 =	vadd.f32 v54, v4;
	[tilespmem:s11+$0x16080] =	vst v3  }
0xbc: {  	v3 =	vld [tilespmem:s12+$0xC400]  }
0xbd: {  	v4 =	vadd.f32 v55, v4  }
0xbe: {  	v57 =	vld [tilespmem:s13+$0xD790]  }
0xbf: {  	v4 =	vadd.f32 v56, v4  }
0xc0: {  	v58 =	vld [tilespmem:s13+$0xEB20]  }
0xc1: {  	v3 =	vadd.f32 v3, v4  }
0xc2: {  	v59 =	vld [tilespmem:s13+$0xFEB0]  }
0xc3: {  	v3 =	vadd.f32 v57, v3  }
0xc4: {  	v60 =	vld [tilespmem:s13+$0x11240]  }
0xc5: {  	v3 =	vadd.f32 v58, v3  }
0xc6: {  	v61 =	vld [tilespmem:s13+$0x125D0]  }
0xc7: {  	v3 =	vadd.f32 v59, v3  }
0xc8: {  	v62 =	vld [tilespmem:s13+$0x13960]  }
0xc9: {  	v3 =	vadd.f32 v60, v3  }
0xca: {  	v63 =	vld [tilespmem:s13+$0x14CF0]  }
0xcb: {  	v3 =	vadd.f32 v61, v3;
	_ =	sdelay $0x1  }
0xcc: {  	v3 =	vadd.f32 v62, v3;
	_ =	sdelay $0x1  }
0xcd: {  	s10 =	sadd.s32 $0x1, s10;
	v3 =	vadd.f32 v63, v3  }
0xce: {  	p0 =	sne.s32 s10, s6  }
.Ltmp6:
0xcf: {  	[tilespmem:s13+$0x16080] =	vst v3;
	(pc) =	sbr.rel @p0 .LBB2_1-.Ltmp6, $4  }
0xd0: {  	[hbm4b:s5+s2] =	stream.linear.scatter [tilespmem:s9], [sflag:$0x1], $0x1388, $0x38;
	[tilespmem:$0x17480] =	vst v63  }
0xd1: {  	_ =	swait.ge [sflag:s7], $0x1388  }
0xd2: {  	[sflag:s7] =	ssyncset.done $0x0  }
0xd3: {  	[sflag:s7] =	ssyncadd.s32 $0xFFFFEC78  }
0xd4: {  	_ =	sfence.sel $0x180000  }
0xd5: {  	[bflag:$0x0] =	sbarrier.arrive $0xFFFF  }
0xd6: {  	p0 =	sne.s32 s0, $0x0;
	_ =	strace $0x90000047  }
0xd7: {  	s0 =	sadd.s32 @!p0 $0x100000, s1;
	[bflag:$0x2] =	sbarrier.arrive $0xFFFF  }
0xd8: {  	[sflag:s0] =	ssyncadd.tile.s32 @!p0 $0x1;
	_ =	shalt  }
.Lfunc_end2:
_tile_overlayer_lowered:
.L_overlay_start_2:
0xd9: {  	(tag) =	ssettag $0x2  }
0xda: {  	s0 =	rddreg [dreg:$0x0];
	s2 =	stileid.u32  }
0xdb: {  	s1 =	rddreg [dreg:$0x1];
	p0 =	sne.s32 s2, $0x0  }
0xdc: {  	s3 =	rddreg [dreg:$0x2];
	[bflag:$0x3] =	sbarrier.arrive $0xFFFF;
	s2 =	simm.s32 @!p0 $0x1C01  }
0xdd: {  	[timem:s3], [sflag:s2] =	dma.local @!p0 [hbm:s0], s1  }
0xde: {  	s0 =	simm.s32 @!p0 $0x1  }
0xdf: {  	_ =	swait.ge @!p0 [sflag:s0], s1  }
0xe0: {  	s1 =	ssub.s32 @!p0 $0x0, s1;
	[sflag:s0] =	ssyncset.done @!p0 $0x0  }
0xe1: {  	[sflag:s0] =	ssyncadd.s32 @!p0 s1  }
0xe2: {  	[bflag:$0x3] =	sbarrier.arrive $0xFFFF  }
0xe3: {  	_ =	shalt  }

// kernel: kernel.9.cloned.1.call-start
scs
__scs_entry_jumppad:
0x0: {  	(pc) =	sbr.rel $0x88, $3  }
0x1: {  	(tag) =	ssettag $0x0;
	lr =	simm.s32 $0x1  }
0x2: {  	[smem:$0x3F94] =	sst lr;
	_ =	strace $0xD0000000  }
0x3: {  	_ = 	snop  }
0x4: {  	_ = 	snop  }
0x5: {  	_ = 	snop  }
0x6: {  	_ = 	snop  }
0x7: {  	_ = 	snop  }
__scs_overlays_trampoline_lowered:
0x8: {  	[smem:$0x3FA3] =	sst s0  }
0x9: {  	[smem:$0x3FA4] =	sst s1  }
0xa: {  	[smem:$0x3FA5] =	sst s2  }
0xb: {  	[smem:$0x3FA6] =	sst s3  }
0xc: {  	[smem:$0x3FA7] =	sst s4  }
0xd: {  	[smem:$0x3FA8] =	sst s5  }
0xe: {  	[smem:$0x3FA9] =	sst s6  }
0xf: {  	[smem:$0x3FAA] =	sst s7  }
0x10: {  	[smem:$0x3FAB] =	sst s8  }
0x11: {  	[smem:$0x3FAC] =	sst s9;
	s0 =	simm.s32 @!p0 $0x0  }
0x12: {  	s1 =	sld [smem:$0x3F92];
	s0 =	simm.s32 @p0 $0x1  }
0x13: {  	[smem:$0x3FAD] =	sst s0;
	s0 =	simm.s32 @!p1 $0x0  }
0x14: {  	s2 =	sld [smem:$0x3F91];
	s0 =	simm.s32 @p1 $0x1  }
0x15: {  	[smem:$0x3FAE] =	sst s0;
	s0 =	simm.s32 @!p2 $0x0  }
0x16: {  	s3 =	sld [smem:$0x3FDB];
	s0 =	simm.s32 @p2 $0x1  }
0x17: {  	s4 =	simm.s32 $0x1BF5;
	[smem:$0x3FB0] =	sst s0  }
0x18: {  	s0 =	sld [smem:$0x3F93];
	_ =	swait.ge [sflag:s4], $0x0  }
0x19: {  	s7 =	sld [smem:$0x3F94]  }
0x1a: {  	s8 =	sadd.s32 $0xFFFFE003, lr  }
0x1b: {  	s9 =	sadd.s32 $0xFFFFFEF7, lr;
	s5 =	simm.s32 $0xFFFFFFFF;
	p2 =	slt.u32 s8, $0xFFFFF086  }
0x1c: {  	p1 =	slt.u32 s9, $0xF7A;
	s5 =	simm.s32 @!p2 $0x0  }
0x1d: {  	s5 =	simm.s32 @p1 $0x1;
	p0 =	seq.s32 s7, s2  }
0x1e: {  	s7 =	smul.u32 @!p0 $0xF7A, s2;
	p2 =	seq.s32 @!p0 s5, $0x0  }
0x1f: {  	s9 =	smul.u32 $0xF7A, s1;
	s8 =	simm.s32 @!p0 $0x1BF5;
	p2 =	por !p2, p0  }
0x20: {  	[sflag:s8] =	ssyncset.s32 @!p0 $0xFFFFF086;
	s6 =	sadd.s32 @!p0 s3, s7;
	s7 =	simm.s32 @!p0 $0x108  }
0x21: {  	s3 =	sadd.s32 s3, s9;
	s6 =	sadd.s32 @!p0 $0x88, s6;
	s7 =	simm.s32 @p2 $0x1082  }
0x22: {  	[simem:s7], [sflag:s8] =	dma.local @!p0 [hbm:s6], $0xF7A  }
0x23: {  	s9 =	sor.u32 $0xD0000000, s2;
	s6 =	simm.s32 $0x108;
	_ =	swait.ge @!p0 [sflag:s8], $0x0  }
0x24: {  	s3 =	sadd.s32 $0x88, s3;
	s6 =	simm.s32 @!p1 $0x1082;
	[sflag:s4] =	ssyncset.s32 $0xFFFFF086  }
0x25: {  	[simem:s6], [sflag:s4] =	dma.local [hbm:s3], $0xF7A  }
0x26: {  	[smem:$0x3F94] =	sst s1;
	(tag) =	ssettag s2;
	_ =	strace s9  }
0x27: {  	s1 =	sld [smem:$0x3FA4]  }
0x28: {  	s2 =	sld [smem:$0x3FA5]  }
0x29: {  	s4 =	sld [smem:$0x3FA7]  }
0x2a: {  	p0 =	seq.s32 s5, $0x0;
	s5 =	sld [smem:$0x3FA8]  }
0x2b: {  	s6 =	sld [smem:$0x3FA9]  }
0x2c: {  	s7 =	sld [smem:$0x3FAA]  }
0x2d: {  	s3 =	simm.s32 $0x108;
	s8 =	sld [smem:$0x3FAB]  }
0x2e: {  	s3 =	simm.s32 @!p0 $0x1082;
	s9 =	sld [smem:$0x3FAC]  }
0x2f: {  	lr =	sadd.s32 s0, s3;
	s0 =	sld [smem:$0x3FA3]  }
0x30: {  	s3 =	sld [smem:$0x3FA6]  }
0x31: {  	[smem:$0x3FAF] =	sst s10  }
0x32: {  	s10 =	sld [smem:$0x3FAD];
	_ =	sdelay $0x3  }
0x33: {  	p0 =	seq.s32 s10, $0x1;
	s10 =	sld [smem:$0x3FAF];
	_ =	sdelay $0x3  }
0x34: {  	[smem:$0x3FAF] =	sst s10  }
0x35: {  	s10 =	sld [smem:$0x3FAE];
	_ =	sdelay $0x3  }
0x36: {  	p1 =	seq.s32 s10, $0x1;
	s10 =	sld [smem:$0x3FAF];
	_ =	sdelay $0x3  }
0x37: {  	[smem:$0x3FAF] =	sst s10  }
0x38: {  	s10 =	sld [smem:$0x3FB0]  }
0x39: {  	_ = 	snop;
	(pc) =	sbr.ind lr, $3  }
0x3a: {  	_ = 	snop  }
0x3b: {  	_ = 	snop  }
0x3c: {  	p2 =	seq.s32 s10, $0x1;
	s10 =	sld [smem:$0x3FAF]  }
0x3d: {  	_ =	shalt  }
0x3e: {  	_ =	shalt  }
0x3f: {  	_ =	shalt  }
0x40: {  	_ =	shalt  }
0x41: {  	_ =	shalt  }
0x42: {  	_ =	shalt  }
0x43: {  	_ =	shalt  }
0x44: {  	_ =	shalt  }
0x45: {  	_ =	shalt  }
0x46: {  	_ =	shalt  }
0x47: {  	_ =	shalt  }
0x48: {  	_ =	shalt  }
0x49: {  	_ =	shalt  }
0x4a: {  	_ =	shalt  }
0x4b: {  	_ =	shalt  }
0x4c: {  	_ =	shalt  }
0x4d: {  	_ =	shalt  }
0x4e: {  	_ =	shalt  }
0x4f: {  	_ =	shalt  }
0x50: {  	_ =	shalt  }
0x51: {  	_ =	shalt  }
0x52: {  	_ =	shalt  }
0x53: {  	_ =	shalt  }
0x54: {  	_ =	shalt  }
0x55: {  	_ =	shalt  }
0x56: {  	_ =	shalt  }
0x57: {  	_ =	shalt  }
0x58: {  	_ =	shalt  }
0x59: {  	_ =	shalt  }
0x5a: {  	_ =	shalt  }
0x5b: {  	_ =	shalt  }
0x5c: {  	_ =	shalt  }
0x5d: {  	_ =	shalt  }
0x5e: {  	_ =	shalt  }
0x5f: {  	_ =	shalt  }
0x60: {  	_ =	shalt  }
0x61: {  	_ =	shalt  }
0x62: {  	_ =	shalt  }
0x63: {  	_ =	shalt  }
0x64: {  	_ =	shalt  }
0x65: {  	_ =	shalt  }
0x66: {  	_ =	shalt  }
0x67: {  	_ =	shalt  }
0x68: {  	_ =	shalt  }
0x69: {  	_ =	shalt  }
0x6a: {  	_ =	shalt  }
0x6b: {  	_ =	shalt  }
0x6c: {  	_ =	shalt  }
0x6d: {  	_ =	shalt  }
0x6e: {  	_ =	shalt  }
0x6f: {  	_ =	shalt  }
0x70: {  	_ =	shalt  }
0x71: {  	_ =	shalt  }
0x72: {  	_ =	shalt  }
0x73: {  	_ =	shalt  }
0x74: {  	_ =	shalt  }
0x75: {  	_ =	shalt  }
0x76: {  	_ =	shalt  }
0x77: {  	_ =	shalt  }
0x78: {  	_ =	shalt  }
0x79: {  	_ =	shalt  }
0x7a: {  	_ =	shalt  }
0x7b: {  	_ =	shalt  }
0x7c: {  	_ =	shalt  }
0x7d: {  	_ =	shalt  }
0x7e: {  	_ =	shalt  }
0x7f: {  	_ =	shalt  }
0x80: {  	_ =	shalt  }
0x81: {  	_ =	shalt  }
0x82: {  	_ =	shalt  }
0x83: {  	_ =	shalt  }
0x84: {  	_ =	shalt  }
0x85: {  	_ =	shalt  }
0x86: {  	_ =	shalt  }
0x87: {  	_ =	shalt  }
.Lfunc_end0:
.L_simem_size_0:
called_computation.1_lowered:
.L_overlay_start_0:
0x88: {  	s2 =	sld [smem:$0x3FD9]  }
0x89: {  	s3 =	sld [smem:$0x3FFE];
	_ =	sdelay $0x1  }
0x8a: {  	s1 =	srdreg.scid  }
0x8b: {  	s0 =	sand.u32 $0x1, s1  }
0x8c: {  	s17 =	sshll.u32 s0, $0xA;
	s2 =	sadd.s32 s3, s2  }
0x8d: {  	s2 =	sadd.s32 s2, s17  }
0x8e: {  	[smem:$0x3FBB] =	sst s2  }
0x8f: {  	_ = 	snop  }
0x90: {  	s2 =	sld [smem:$0x3FD0];
	(tm) =	ssettm $0x1  }
0x91: {  	s18 =	sld [smem:$0x3FFB];
	_ =	sdelay $0x3  }
0x92: {  	_ =	strace s18  }
0x93: {  	s3 =	sld [smem:$0x3FFC];
	_ =	sdelay $0x3  }
0x94: {  	_ =	strace s3  }
0x95: {  	s3 =	sld [smem:$0x3FFD];
	_ =	sdelay $0x3  }
0x96: {  	_ =	strace s3  }
0x97: {  	_ =	strace $0x8FFFFFFF  }
0x98: {  	s19 =	sld [smem:$0x3FDB];
	_ =	sdelay $0x1  }
0x99: {  	s4 =	simm.s32 $_scs_section_size  }
0x9a: {  	s5 =	simm.s32 $_size__tile_overlayer_lowered;
	s6 =	simm.s32 $_tile_overlayer_lowered  }
0x9b: {  	s22 =	simm.s32 $0x1BFF;
	s21 =	sshll.u32 s6, $0x1;
	s3 =	sadd.s32 s4, s19  }
0x9c: {  	s7 =	simm.s32 $0x0;
	s20 =	sshll.u32 s5, $0x1;
	s5 =	sadd.s32 s21, s3  }
0x9d: {  	[timem:s7], [sflag:s22] =	dma.local [hbm:s5], s20  }
0x9e: {  	_ =	swait.ge [sflag:s22], s20  }
0x9f: {  	s4 =	ssub.s32 $0x0, s20;
	[sflag:s22] =	ssyncset.done $0x0  }
0xa0: {  	[sflag:s22] =	ssyncadd.s32 s4;
	_ =	sdelay $0x1  }
0xa1: {  	s23 =	simm.s32 $0x1B8B  }
0xa2: {  	_ =	swait.ge [sflag:s23], $0x1  }
0xa3: {  	[sflag:s23] =	ssyncset.done $0x0  }
0xa4: {  	s25 =	simm.s32 $0x1B8E;
	s24 =	sld [smem:$0x3FFE];
	[sflag:s23] =	ssyncadd.s32 $0xFFFFFFFF  }
0xa5: {  	s26 =	simm.s32 $execute0_lowered;
	[smem:$0x3FD2] =	sst s25  }
0xa6: {  	s5 =	sshll.u32 s26, $0x1;
	_ =	strace $0x80000049;
	[dreg:$0x1] =	wrdreg $0xFFFFFFFF  }
0xa7: {  	s28 =	simm.s32 $_size_execute0_lowered;
	s3 =	sadd.s32 s3, s5;
	[dreg:$0x0] =	wrdreg $0x0  }
0xa8: {  	s5 =	sshll.u32 s28, $0x1;
	[dreg:$0x2] =	wrdreg s3  }
0xa9: {  	[dreg:$0x3] =	wrdreg s5  }
0xaa: {  	[dreg:$0x4] =	wrdreg $0xC0  }
0xab: {  	_ =	task [dreg:s7], $0x5FFFF  }
0xac: {  	[dreg:$0x1] =	wrdreg $0xFFFFFFFF  }
0xad: {  	[dreg:$0x0] =	wrdreg $0x60  }
0xae: {  	[dreg:$0x2] =	wrdreg s24  }
0xaf: {  	[dreg:$0x3] =	wrdreg s2  }
0xb0: {  	[dreg:$0x4] =	wrdreg $0x94000  }
0xb1: {  	[dreg:$0x5] =	wrdreg $0x9  }
0xb2: {  	_ =	task.clear_ibuf [dreg:s7], $0x6FFFF;
	_ =	strace $0x90000049  }
0xb3: {  	s29 =	simm.s32 $0x9;
	_ =	strace $0x8000004B  }
0xb4: {  	_ =	swait.ge [sflag:s29], $0x1  }
0xb5: {  	[sflag:s29] =	ssyncadd.s32 $0xFFFFFFFF  }
0xb6: {  	_ =	strace $0x9000004B  }
0xb7: {  	_ =	sfence  }
0xb8: {  	s30 =	sld [smem:$0x0];
	_ =	sdelay $0x2  }
0xb9: {  	s31 =	sshll.u32 s1, $0xD;
	s1 =	sshrl.u32 s1, $0x2  }
0xba: {  	s3 =	sand.u32 $0x4000, s31;
	s1 =	sadd.s32 s1, s30  }
0xbb: {  	s0 =	sor.u32 s3, s0;
	s1 =	sshll.u32 s1, $0x11  }
0xbc: {  	s0 =	sor.u32 s1, s0  }
0xbd: {  	s0 =	sadd.s32 $0x8F2B, s0  }
0xbe: {  	[sflag:s0] =	ssyncadd.remote.s32 $0x1  }
0xbf: {  	_ =	sfence.sel $0xFFFF  }
0xc0: {  	[dreg:$0x0] =	wrdreg $0xFFFFFFFF;
	(pc) =	sbr.abs _section_cstart, $3  }
0xc1: {  	[dreg:$0x1] =	wrdreg $0xFFFFFFFF  }
0xc2: {  	_ =	task.clear_ibuf [dreg:s7], $0x2FFFF;
	_ =	strace $0x9FFFFFFF  }
0xc3: {  	(tm) =	ssettm $0x7FFFFFFF  }
tec
execute0_lowered:
.L_overlay_start_1:
0x0: {  	(tag) =	ssettag $0x1  }
0x1: {  	s0 =	rddreg [dreg:$0x0]  }
0x2: {  	s2 =	rddreg [dreg:$0x2];
	s12 =	simm.s32 $0x0  }
0x3: {  	s1 =	srdreg.scid;
	s6 =	stileid.u32;
	s14 =	simm.s32 $0x9  }
0x4: {  	s17 =	simm.s32 $0x40;
	s18 =	simm.s32 $0x1000;
	s19 =	simm.s32 $0x1400  }
0x5: {  	s20 =	simm.s32 $0x1080;
	s21 =	simm.s32 $0x3400;
	s22 =	simm.s32 $0x1100  }
0x6: {  	s28 =	simm.s32 $0x1200;
	s29 =	simm.s32 $0x2;
	s30 =	simm.s32 $0x1280  }
0x7: {  	s31 =	simm.s32 $0x3;
	s11 =	simm.s32 $0x1380;
	s8 =	simm.s32 $0x6  }
0x8: {  	s9 =	simm.s32 $0x7;
	[smem:$0x7FF] =	sst s12;
	s4 =	smul.u32 $0x4E000, s6  }
0x9: {  	s1 =	sand.u32 $0x1, s1;
	s5 =	sadd.s32 $0x3D800, s0;
	s25 =	smul.u32 $0x270, s6  }
0xa: {  	s7 =	sadd.s32 $0x2200, s0;
	s0 =	sadd.s32 $0x3E7000, s0;
	s10 =	smul.u32 $0x4E20, s6  }
0xb: {  	s26 =	sshll.u32 s6, $0x6;
	_ =	strace $0x8000004A;
	[dreg:$0x5] =	wrdreg s7  }
0xc: {  	p0 =	sne.s32 s6, $0xF;
	s3 =	ssub.s32 $0x2, s1;
	[dreg:$0x6] =	wrdreg s0  }
0xd: {  	s1 =	smul.u32 $0xC, s1;
	s13 =	sor.u32 $0x1C09, s26;
	s26 =	simm.s32 $0x1  }
0xe: {  	s7 =	simm.s32 $0x8;
	s23 =	sshrl.u32 s3, $0x1;
	[dreg:$0x8] =	wrdreg s25  }
0xf: {  	s24 =	sshrl.u32 s4, $0x2;
	s25 =	simm.s32 $0x7400;
	[dreg:$0xa] =	wrdreg s13  }
0x10: {  	s4 =	simm.s32 $0x5;
	s0 =	ssub.s32 s3, s23;
	[dreg:$0x7] =	wrdreg s1  }
0x11: {  	s1 =	sadd.s32 s24, s2;
	s3 =	sadd.s32 $0x138000, s2;
	s0 =	smax.u32 s0, $0x1  }
0x12: {  	s23 =	simm.s32 $0x5400;
	s15 =	sshrl.u32 s1, $0x3;
	[dreg:$0x9] =	wrdreg s0  }
0x13: {  	s24 =	simm.s32 $0x1180;
	s16 =	sshrl.u32 @!p0 s3, $0x3;
	[dreg:$0xb] =	wrdreg s15  }
0x14: {  	v0 =	vimm.s32 $0x0;
	v1 =	vimm.s32 $0x2710;
	s3 =	simm.s32 $0x4;
	s0 =	simm.s32 $0x1300;
	[dreg:$0xc] =	wrdreg s16  }
.LBB2_1:
0x15: {  	[tilespmem:$0x7D0] =	vst v0  }
0x16: {  	[tilespmem:$0xFD0] =	vst v1  }
0x17: {  	[tilespmem:$0x7E0] =	vst v0  }
0x18: {  	[tilespmem:$0xFE0] =	vst v1  }
0x19: {  	[tilespmem:$0x7F0] =	vst v0  }
0x1a: {  	[dreg:$0x4] =	wrdreg s12;
	[tilespmem:$0xFF0] =	vst v1;
	s6 =	simm.s32 $0x0  }
.LBB2_2:
0x1b: {  	s1 =	rddreg [dreg:$0x7]  }
0x1c: {  	s1 =	sadd.s32 s1, s6  }
0x1d: {  	[dreg:$0xd] =	wrdreg s6;
	s6 =	smul.u32 $0x2710, s1  }
0x1e: {  	s12 =	rddreg [dreg:$0x8]  }
0x1f: {  	s12 =	sadd.s32 s12, s6  }
0x20: {  	s12 =	sshll.u32 s12, $0x4  }
0x21: {  	s1 =	smul.u32 @!p0 $0x138800, s1;
	[dreg:$0xe] =	wrdreg s12;
	s12 =	sadd.s32 s5, s12  }
0x22: {  	[spmem:s15], [sflag:s13] =	dma.local [hbm:s12], $0x2700  }
0x23: {  	s1 =	sshrl.u32 @!p0 s1, $0x3;
	_ =	swait.ge [sflag:s14], $0x2700  }
0x24: {  	[dreg:$0xf] =	wrdreg s1;
	s1 =	sadd.s32 @!p0 s5, s1;
	[sflag:s14] =	ssyncset.done $0x0  }
0x25: {  	s1 =	sadd.s32 @!p0 $0x27000, s1;
	[sflag:s14] =	ssyncadd.s32 $0xFFFFD900  }
0x26: {  	[spmem:s16], [sflag:s13] =	dma.local @!p0 [hbm:s1], $0x100  }
0x27: {  	s1 =	simm.s32 @!p0 $0x9  }
0x28: {  	_ =	swait.ge @!p0 [sflag:s1], $0x100  }
0x29: {  	[sflag:s1] =	ssyncset.done @!p0 $0x0  }
0x2a: {  	[sflag:s1] =	ssyncadd.s32 @!p0 $0xFFFFFF00  }
0x2b: {  	v2 =	vmov s6;
	s15 =	simm.s32 $0x0;
	s12 =	simm.s32 $0x0;
	[bflag:$0x0] =	sbarrier.arrive $0xFFFF  }
.LBB2_3:
0x2c: {  	s1 =	smul.u32 $0x7D0, s12;
	_ =	sdelay $0x1  }
0x2d: {  	s1 =	sadd.s32 s10, s1  }
0x2e: {  	s6 =	rddreg [dreg:$0x1];
	s1 =	sshrl.u32 s1, $0x3  }
0x2f: {  	s6 =	sadd.s32 s6, s1  }
0x30: {  	[tilespmem:s15], [sflag:$0x9] =	stream.linear.gather [hbm4b:s6+s15], $0x7D0, $0x38;
	[tilespmem:$0x1CCC0] =	vst v63  }
0x31: {  	_ =	swait.ge [sflag:s14], $0x7D0  }
0x32: {  	[sflag:s14] =	ssyncset.done $0x0;
	s16 =	rddreg [dreg:$0x5]  }
0x33: {  	s13 =	simm.s32 $0x800;
	[sflag:s14] =	ssyncadd.s32 $0xFFFFF830;
	s1 =	sadd.s32 s16, s1  }
0x34: {  	[tilespmem:s13], [sflag:$0x9] =	stream.linear.gather [hbm4b:s1+s15], $0x7D0, $0x38;
	[tilespmem:$0x1CCC0] =	vst v63  }
0x35: {  	_ =	swait.ge [sflag:s14], $0x7D0  }
0x36: {  	[sflag:s14] =	ssyncset.done $0x0  }
0x37: {  	s16 =	simm.s32 $0x0;
	[sflag:s14] =	ssyncadd.s32 $0xFFFFF830  }
0x38: {  	v3 =	vld [tilespmem:s16+$0x0];
	_ =	sdelay $0x4  }
0x39: {  	v3 =	vadd.s32 v2, v3  }
0x3a: {  	[tilespmem:$0x1000] =	vst v3  }
0x3b: {  	v3 =	vld [tilespmem:s16+$0x800];
	_ =	sdelay $0x4  }
0x3c: {  	[tilespmem:$0x1200] =	vst v3  }
0x3d: {  	v3 =	vld [tilespmem:s16+$0x10];
	_ =	sdelay $0x4  }
0x3e: {  	v3 =	vadd.s32 v2, v3  }
0x3f: {  	[tilespmem:$0x1010] =	vst v3  }
0x40: {  	v3 =	vld [tilespmem:s16+$0x810];
	_ =	sdelay $0x4  }
0x41: {  	[tilespmem:$0x1210] =	vst v3  }
0x42: {  	v3 =	vld [tilespmem:s16+$0x20];
	_ =	sdelay $0x4  }
0x43: {  	v3 =	vadd.s32 v2, v3  }
0x44: {  	[tilespmem:$0x1020] =	vst v3  }
0x45: {  	v3 =	vld [tilespmem:s16+$0x820];
	_ =	sdelay $0x4  }
0x46: {  	[tilespmem:$0x1220] =	vst v3  }
0x47: {  	v3 =	vld [tilespmem:s16+$0x30];
	_ =	sdelay $0x4  }
0x48: {  	v3 =	vadd.s32 v2, v3  }
0x49: {  	[tilespmem:$0x1030] =	vst v3  }
0x4a: {  	v3 =	vld [tilespmem:s16+$0x830];
	_ =	sdelay $0x4  }
0x4b: {  	[tilespmem:$0x1230] =	vst v3  }
0x4c: {  	[tilespmem:s19], [sflag:$0x1] =	stream.indirect.gather [hbm4b:s5+s17], $0x80, s18, s17, $0xb8;
	[tilespmem:$0x1CCC0] =	vst v63  }
0x4d: {  	v3 =	vld [tilespmem:s16+$0x40];
	_ =	sdelay $0x4  }
0x4e: {  	v3 =	vadd.s32 v2, v3  }
0x4f: {  	[tilespmem:$0x1080] =	vst v3  }
0x50: {  	v3 =	vld [tilespmem:s16+$0x840];
	_ =	sdelay $0x4  }
0x51: {  	[tilespmem:$0x1280] =	vst v3  }
0x52: {  	v3 =	vld [tilespmem:s16+$0x50];
	_ =	sdelay $0x4  }
0x53: {  	v3 =	vadd.s32 v2, v3  }
0x54: {  	[tilespmem:$0x1090] =	vst v3  }
0x55: {  	v3 =	vld [tilespmem:s16+$0x850];
	_ =	sdelay $0x4  }
0x56: {  	[tilespmem:$0x1290] =	vst v3  }
0x57: {  	v3 =	vld [tilespmem:s16+$0x60];
	_ =	sdelay $0x4  }
0x58: {  	v3 =	vadd.s32 v2, v3  }
0x59: {  	[tilespmem:$0x10A0] =	vst v3  }
0x5a: {  	v3 =	vld [tilespmem:s16+$0x860];
	_ =	sdelay $0x4  }
0x5b: {  	[tilespmem:$0x12A0] =	vst v3  }
0x5c: {  	v3 =	vld [tilespmem:s16+$0x70];
	_ =	sdelay $0x4  }
0x5d: {  	v3 =	vadd.s32 v2, v3  }
0x5e: {  	[tilespmem:$0x10B0] =	vst v3  }
0x5f: {  	v3 =	vld [tilespmem:s16+$0x870];
	_ =	sdelay $0x4  }
0x60: {  	[tilespmem:$0x12B0] =	vst v3  }
0x61: {  	[tilespmem:s21], [sflag:$0x2] =	stream.indirect.gather [hbm4b:s5+s17], $0x80, s20, s17, $0xb8;
	[tilespmem:$0x1CCC0] =	vst v63  }
0x62: {  	v3 =	vld [tilespmem:s16+$0x80];
	_ =	sdelay $0x4  }
0x63: {  	v3 =	vadd.s32 v2, v3  }
0x64: {  	[tilespmem:$0x1100] =	vst v3  }
0x65: {  	v3 =	vld [tilespmem:s16+$0x880];
	_ =	sdelay $0x4  }
0x66: {  	[tilespmem:$0x1300] =	vst v3  }
0x67: {  	v3 =	vld [tilespmem:s16+$0x90];
	_ =	sdelay $0x4  }
0x68: {  	v3 =	vadd.s32 v2, v3  }
0x69: {  	[tilespmem:$0x1110] =	vst v3  }
0x6a: {  	v3 =	vld [tilespmem:s16+$0x890];
	_ =	sdelay $0x4  }
0x6b: {  	[tilespmem:$0x1310] =	vst v3  }
0x6c: {  	v3 =	vld [tilespmem:s16+$0xA0];
	_ =	sdelay $0x4  }
0x6d: {  	v3 =	vadd.s32 v2, v3  }
0x6e: {  	[tilespmem:$0x1120] =	vst v3  }
0x6f: {  	v3 =	vld [tilespmem:s16+$0x8A0];
	_ =	sdelay $0x4  }
0x70: {  	[tilespmem:$0x1320] =	vst v3  }
0x71: {  	v3 =	vld [tilespmem:s16+$0xB0];
	_ =	sdelay $0x4  }
0x72: {  	v3 =	vadd.s32 v2, v3  }
0x73: {  	[tilespmem:$0x1130] =	vst v3  }
0x74: {  	v3 =	vld [tilespmem:s16+$0x8B0];
	_ =	sdelay $0x4  }
0x75: {  	[tilespmem:$0x1330] =	vst v3  }
0x76: {  	[tilespmem:s23], [sflag:$0x3] =	stream.indirect.gather [hbm4b:s5+s17], $0x80, s22, s17, $0xb8;
	[tilespmem:$0x1CCC0] =	vst v63  }
0x77: {  	v3 =	vld [tilespmem:s16+$0xC0];
	_ =	sdelay $0x4  }
0x78: {  	v3 =	vadd.s32 v2, v3  }
0x79: {  	[tilespmem:$0x1180] =	vst v3  }
0x7a: {  	v3 =	vld [tilespmem:s16+$0x8C0];
	_ =	sdelay $0x4  }
0x7b: {  	[tilespmem:$0x1380] =	vst v3  }
0x7c: {  	v3 =	vld [tilespmem:s16+$0xD0];
	_ =	sdelay $0x4  }
0x7d: {  	v3 =	vadd.s32 v2, v3  }
0x7e: {  	[tilespmem:$0x1190] =	vst v3  }
0x7f: {  	v3 =	vld [tilespmem:s16+$0x8D0];
	_ =	sdelay $0x4  }
0x80: {  	[tilespmem:$0x1390] =	vst v3  }
0x81: {  	v3 =	vld [tilespmem:s16+$0xE0];
	_ =	sdelay $0x4  }
0x82: {  	v3 =	vadd.s32 v2, v3  }
0x83: {  	[tilespmem:$0x11A0] =	vst v3  }
0x84: {  	v3 =	vld [tilespmem:s16+$0x8E0];
	_ =	sdelay $0x4  }
0x85: {  	[tilespmem:$0x13A0] =	vst v3  }
0x86: {  	v3 =	vld [tilespmem:s16+$0xF0];
	_ =	sdelay $0x4  }
0x87: {  	v3 =	vadd.s32 v2, v3  }
0x88: {  	[tilespmem:$0x11B0] =	vst v3  }
0x89: {  	v3 =	vld [tilespmem:s16+$0x8F0];
	_ =	sdelay $0x4  }
0x8a: {  	[tilespmem:$0x13B0] =	vst v3  }
0x8b: {  	[tilespmem:s25], [sflag:$0x4] =	stream.indirect.gather [hbm4b:s5+s17], $0x80, s24, s17, $0xb8;
	[tilespmem:$0x1CCC0] =	vst v63  }
0x8c: {  	_ =	swait.ge [sflag:s26], $0x2000  }
0x8d: {  	[sflag:s26] =	ssyncset.done $0x0  }
0x8e: {  	[sflag:s26] =	ssyncadd.s32 $0xFFFFE000  }
0x8f: {  	[spmem:s2] =	stream.indirect.scatter.add.f32 [tilespmem:s19], [sflag:$0x5], $0x80, s28, s17, $0xb8;
	[tilespmem:$0x1CCC0] =	vst v63  }
0x90: {  	_ =	swait.ge [sflag:s29], $0x2000  }
0x91: {  	[sflag:s29] =	ssyncset.done $0x0  }
0x92: {  	[sflag:s29] =	ssyncadd.s32 $0xFFFFE000  }
0x93: {  	[spmem:s2] =	stream.indirect.scatter.add.f32 [tilespmem:s21], [sflag:$0x6], $0x80, s30, s17, $0xb8;
	[tilespmem:$0x1CCC0] =	vst v63  }
0x94: {  	_ =	swait.ge [sflag:s31], $0x2000  }
0x95: {  	[sflag:s31] =	ssyncset.done $0x0  }
0x96: {  	[sflag:s31] =	ssyncadd.s32 $0xFFFFE000  }
0x97: {  	[spmem:s2] =	stream.indirect.scatter.add.f32 [tilespmem:s23], [sflag:$0x7], $0x80, s0, s17, $0xb8;
	[tilespmem:$0x1CCC0] =	vst v63  }
0x98: {  	_ =	swait.ge [sflag:s3], $0x2000  }
0x99: {  	[sflag:s3] =	ssyncset.done $0x0  }
0x9a: {  	[sflag:s3] =	ssyncadd.s32 $0xFFFFE000  }
0x9b: {  	[spmem:s2] =	stream.indirect.scatter.add.f32 [tilespmem:s25], [sflag:$0x8], $0x80, s11, s17, $0xb8;
	[tilespmem:$0x1CCC0] =	vst v63  }
0x9c: {  	_ =	swait.ge [sflag:s4], $0x2000  }
0x9d: {  	[sflag:s4] =	ssyncset.done $0x0  }
0x9e: {  	[sflag:s4] =	ssyncadd.s32 $0xFFFFE000  }
0x9f: {  	_ =	swait.ge [sflag:s8], $0x2000  }
0xa0: {  	[sflag:s8] =	ssyncset.done $0x0  }
0xa1: {  	[sflag:s8] =	ssyncadd.s32 $0xFFFFE000  }
0xa2: {  	_ =	swait.ge [sflag:s9], $0x2000  }
0xa3: {  	[sflag:s9] =	ssyncset.done $0x0  }
0xa4: {  	[sflag:s9] =	ssyncadd.s32 $0xFFFFE000  }
0xa5: {  	_ =	swait.ge [sflag:s7], $0x2000  }
0xa6: {  	s13 =	simm.s32 $0x400;
	s1 =	simm.s32 $0x800;
	[sflag:s7] =	ssyncset.done $0x0  }
.LBB2_4:
0xa7: {  	s16 =	sshra.s32 s13, $0x2  }
0xa8: {  	[sflag:s7] =	ssyncadd.s32 $0xFFFFE000;
	s13 =	smov.u32 s1;
	s6 =	sadd.s32 $0x400, s1  }
0xa9: {  	p1 =	sne.s32 s1, $0x1C00;
	v3 =	vld [tilespmem:s16+$0x0];
	_ =	sdelay $0x4  }
0xaa: {  	v3 =	vadd.s32 v2, v3  }
0xab: {  	[tilespmem:$0x1000] =	vst v3  }
0xac: {  	v3 =	vld [tilespmem:s16+$0x800];
	_ =	sdelay $0x4  }
0xad: {  	[tilespmem:$0x1200] =	vst v3  }
0xae: {  	v3 =	vld [tilespmem:s16+$0x10];
	_ =	sdelay $0x4  }
0xaf: {  	v3 =	vadd.s32 v2, v3  }
0xb0: {  	[tilespmem:$0x1010] =	vst v3  }
0xb1: {  	v3 =	vld [tilespmem:s16+$0x810];
	_ =	sdelay $0x4  }
0xb2: {  	[tilespmem:$0x1210] =	vst v3  }
0xb3: {  	v3 =	vld [tilespmem:s16+$0x20];
	_ =	sdelay $0x4  }
0xb4: {  	v3 =	vadd.s32 v2, v3  }
0xb5: {  	[tilespmem:$0x1020] =	vst v3  }
0xb6: {  	v3 =	vld [tilespmem:s16+$0x820];
	_ =	sdelay $0x4  }
0xb7: {  	[tilespmem:$0x1220] =	vst v3  }
0xb8: {  	v3 =	vld [tilespmem:s16+$0x30];
	_ =	sdelay $0x4  }
0xb9: {  	v3 =	vadd.s32 v2, v3  }
0xba: {  	[tilespmem:$0x1030] =	vst v3  }
0xbb: {  	v3 =	vld [tilespmem:s16+$0x830];
	_ =	sdelay $0x4  }
0xbc: {  	[tilespmem:$0x1230] =	vst v3  }
0xbd: {  	[tilespmem:s19], [sflag:$0x1] =	stream.indirect.gather [hbm4b:s5+s17], $0x80, s18, s17, $0xb8;
	[tilespmem:$0x1CCC0] =	vst v63  }
0xbe: {  	v3 =	vld [tilespmem:s16+$0x40];
	_ =	sdelay $0x4  }
0xbf: {  	v3 =	vadd.s32 v2, v3  }
0xc0: {  	[tilespmem:$0x1080] =	vst v3  }
0xc1: {  	v3 =	vld [tilespmem:s16+$0x840];
	_ =	sdelay $0x4  }
0xc2: {  	[tilespmem:$0x1280] =	vst v3  }
0xc3: {  	v3 =	vld [tilespmem:s16+$0x50];
	_ =	sdelay $0x4  }
0xc4: {  	v3 =	vadd.s32 v2, v3  }
0xc5: {  	[tilespmem:$0x1090] =	vst v3  }
0xc6: {  	v3 =	vld [tilespmem:s16+$0x850];
	_ =	sdelay $0x4  }
0xc7: {  	[tilespmem:$0x1290] =	vst v3  }
0xc8: {  	v3 =	vld [tilespmem:s16+$0x60];
	_ =	sdelay $0x4  }
0xc9: {  	v3 =	vadd.s32 v2, v3  }
0xca: {  	[tilespmem:$0x10A0] =	vst v3  }
0xcb: {  	v3 =	vld [tilespmem:s16+$0x860];
	_ =	sdelay $0x4  }
0xcc: {  	[tilespmem:$0x12A0] =	vst v3  }
0xcd: {  	v3 =	vld [tilespmem:s16+$0x70];
	_ =	sdelay $0x4  }
0xce: {  	v3 =	vadd.s32 v2, v3  }
0xcf: {  	[tilespmem:$0x10B0] =	vst v3  }
0xd0: {  	v3 =	vld [tilespmem:s16+$0x870];
	_ =	sdelay $0x4  }
0xd1: {  	[tilespmem:$0x12B0] =	vst v3  }
0xd2: {  	[tilespmem:s21], [sflag:$0x2] =	stream.indirect.gather [hbm4b:s5+s17], $0x80, s20, s17, $0xb8;
	[tilespmem:$0x1CCC0] =	vst v63  }
0xd3: {  	v3 =	vld [tilespmem:s16+$0x80];
	_ =	sdelay $0x4  }
0xd4: {  	v3 =	vadd.s32 v2, v3  }
0xd5: {  	[tilespmem:$0x1100] =	vst v3  }
0xd6: {  	v3 =	vld [tilespmem:s16+$0x880];
	_ =	sdelay $0x4  }
0xd7: {  	[tilespmem:$0x1300] =	vst v3  }
0xd8: {  	v3 =	vld [tilespmem:s16+$0x90];
	_ =	sdelay $0x4  }
0xd9: {  	v3 =	vadd.s32 v2, v3  }
0xda: {  	[tilespmem:$0x1110] =	vst v3  }
0xdb: {  	v3 =	vld [tilespmem:s16+$0x890];
	_ =	sdelay $0x4  }
0xdc: {  	[tilespmem:$0x1310] =	vst v3  }
0xdd: {  	v3 =	vld [tilespmem:s16+$0xA0];
	_ =	sdelay $0x4  }
0xde: {  	v3 =	vadd.s32 v2, v3  }
0xdf: {  	[tilespmem:$0x1120] =	vst v3  }
0xe0: {  	v3 =	vld [tilespmem:s16+$0x8A0];
	_ =	sdelay $0x4  }
0xe1: {  	[tilespmem:$0x1320] =	vst v3  }
0xe2: {  	v3 =	vld [tilespmem:s16+$0xB0];
	_ =	sdelay $0x4  }
0xe3: {  	v3 =	vadd.s32 v2, v3  }
0xe4: {  	[tilespmem:$0x1130] =	vst v3  }
0xe5: {  	v3 =	vld [tilespmem:s16+$0x8B0];
	_ =	sdelay $0x4  }
0xe6: {  	[tilespmem:$0x1330] =	vst v3  }
0xe7: {  	[tilespmem:s23], [sflag:$0x3] =	stream.indirect.gather [hbm4b:s5+s17], $0x80, s22, s17, $0xb8;
	[tilespmem:$0x1CCC0] =	vst v63  }
0xe8: {  	v3 =	vld [tilespmem:s16+$0xC0];
	_ =	sdelay $0x4  }
0xe9: {  	v3 =	vadd.s32 v2, v3  }
0xea: {  	[tilespmem:$0x1180] =	vst v3  }
0xeb: {  	v3 =	vld [tilespmem:s16+$0x8C0];
	_ =	sdelay $0x4  }
0xec: {  	[tilespmem:$0x1380] =	vst v3  }
0xed: {  	v3 =	vld [tilespmem:s16+$0xD0];
	_ =	sdelay $0x4  }
0xee: {  	v3 =	vadd.s32 v2, v3  }
0xef: {  	[tilespmem:$0x1190] =	vst v3  }
0xf0: {  	v3 =	vld [tilespmem:s16+$0x8D0];
	_ =	sdelay $0x4  }
0xf1: {  	[tilespmem:$0x1390] =	vst v3  }
0xf2: {  	v3 =	vld [tilespmem:s16+$0xE0];
	_ =	sdelay $0x4  }
0xf3: {  	v3 =	vadd.s32 v2, v3  }
0xf4: {  	[tilespmem:$0x11A0] =	vst v3  }
0xf5: {  	v3 =	vld [tilespmem:s16+$0x8E0];
	_ =	sdelay $0x4  }
0xf6: {  	[tilespmem:$0x13A0] =	vst v3  }
0xf7: {  	v3 =	vld [tilespmem:s16+$0xF0];
	_ =	sdelay $0x4  }
0xf8: {  	v3 =	vadd.s32 v2, v3  }
0xf9: {  	[tilespmem:$0x11B0] =	vst v3  }
0xfa: {  	v3 =	vld [tilespmem:s16+$0x8F0];
	_ =	sdelay $0x4  }
0xfb: {  	[tilespmem:$0x13B0] =	vst v3  }
0xfc: {  	[tilespmem:s25], [sflag:$0x4] =	stream.indirect.gather [hbm4b:s5+s17], $0x80, s24, s17, $0xb8;
	[tilespmem:$0x1CCC0] =	vst v63  }
0xfd: {  	_ =	swait.ge [sflag:s26], $0x2000  }
0xfe: {  	[sflag:s26] =	ssyncset.done $0x0  }
0xff: {  	[sflag:s26] =	ssyncadd.s32 $0xFFFFE000  }
0x100: {  	[spmem:s2] =	stream.indirect.scatter.add.f32 [tilespmem:s19], [sflag:$0x5], $0x80, s28, s17, $0xb8;
	[tilespmem:$0x1CCC0] =	vst v63  }
0x101: {  	_ =	swait.ge [sflag:s29], $0x2000  }
0x102: {  	[sflag:s29] =	ssyncset.done $0x0  }
0x103: {  	[sflag:s29] =	ssyncadd.s32 $0xFFFFE000  }
0x104: {  	[spmem:s2] =	stream.indirect.scatter.add.f32 [tilespmem:s21], [sflag:$0x6], $0x80, s30, s17, $0xb8;
	[tilespmem:$0x1CCC0] =	vst v63  }
0x105: {  	_ =	swait.ge [sflag:s31], $0x2000  }
0x106: {  	[sflag:s31] =	ssyncset.done $0x0  }
0x107: {  	[sflag:s31] =	ssyncadd.s32 $0xFFFFE000  }
0x108: {  	[spmem:s2] =	stream.indirect.scatter.add.f32 [tilespmem:s23], [sflag:$0x7], $0x80, s0, s17, $0xb8;
	[tilespmem:$0x1CCC0] =	vst v63  }
0x109: {  	_ =	swait.ge [sflag:s3], $0x2000  }
0x10a: {  	[sflag:s3] =	ssyncset.done $0x0  }
0x10b: {  	[sflag:s3] =	ssyncadd.s32 $0xFFFFE000  }
0x10c: {  	[spmem:s2] =	stream.indirect.scatter.add.f32 [tilespmem:s25], [sflag:$0x8], $0x80, s11, s17, $0xb8;
	[tilespmem:$0x1CCC0] =	vst v63  }
0x10d: {  	_ =	swait.ge [sflag:s4], $0x2000  }
0x10e: {  	[sflag:s4] =	ssyncset.done $0x0  }
0x10f: {  	[sflag:s4] =	ssyncadd.s32 $0xFFFFE000  }
0x110: {  	_ =	swait.ge [sflag:s8], $0x2000  }
0x111: {  	[sflag:s8] =	ssyncset.done $0x0  }
0x112: {  	[sflag:s8] =	ssyncadd.s32 $0xFFFFE000  }
.Ltmp0:
0x113: {  	_ =	swait.ge [sflag:s9], $0x2000;
	(pc) =	sbr.rel @p1 .LBB2_4-.Ltmp0, $4  }
0x114: {  	[sflag:s9] =	ssyncset.done $0x0  }
0x115: {  	[sflag:s9] =	ssyncadd.s32 $0xFFFFE000  }
0x116: {  	_ =	swait.ge [sflag:s7], $0x2000  }
0x117: {  	s1 =	smov.u32 s6;
	[sflag:s7] =	ssyncset.done $0x0  }
0x118: {  	s1 =	sshra.s32 s13, $0x2;
	[sflag:s7] =	ssyncadd.s32 $0xFFFFE000  }
0x119: {  	v3 =	vld [tilespmem:s1+$0x0];
	_ =	sdelay $0x4  }
0x11a: {  	v3 =	vadd.s32 v2, v3  }
0x11b: {  	[tilespmem:$0x1000] =	vst v3  }
0x11c: {  	v3 =	vld [tilespmem:s1+$0x800];
	_ =	sdelay $0x4  }
0x11d: {  	[tilespmem:$0x1200] =	vst v3  }
0x11e: {  	v3 =	vld [tilespmem:s1+$0x10];
	_ =	sdelay $0x4  }
0x11f: {  	v3 =	vadd.s32 v2, v3  }
0x120: {  	[tilespmem:$0x1010] =	vst v3  }
0x121: {  	v3 =	vld [tilespmem:s1+$0x810];
	_ =	sdelay $0x4  }
0x122: {  	[tilespmem:$0x1210] =	vst v3  }
0x123: {  	v3 =	vld [tilespmem:s1+$0x20];
	_ =	sdelay $0x4  }
0x124: {  	v3 =	vadd.s32 v2, v3  }
0x125: {  	[tilespmem:$0x1020] =	vst v3  }
0x126: {  	v3 =	vld [tilespmem:s1+$0x820];
	_ =	sdelay $0x4  }
0x127: {  	[tilespmem:$0x1220] =	vst v3  }
0x128: {  	v3 =	vld [tilespmem:s1+$0x30];
	_ =	sdelay $0x4  }
0x129: {  	v3 =	vadd.s32 v2, v3  }
0x12a: {  	[tilespmem:$0x1030] =	vst v3  }
0x12b: {  	v3 =	vld [tilespmem:s1+$0x830];
	_ =	sdelay $0x4  }
0x12c: {  	[tilespmem:$0x1230] =	vst v3  }
0x12d: {  	[tilespmem:s19], [sflag:$0x1] =	stream.indirect.gather [hbm4b:s5+s17], $0x80, s18, s17, $0xb8;
	[tilespmem:$0x1CCC0] =	vst v63  }
0x12e: {  	v3 =	vld [tilespmem:s1+$0x40];
	_ =	sdelay $0x4  }
0x12f: {  	v3 =	vadd.s32 v2, v3  }
0x130: {  	[tilespmem:$0x1080] =	vst v3  }
0x131: {  	v3 =	vld [tilespmem:s1+$0x840];
	_ =	sdelay $0x4  }
0x132: {  	[tilespmem:$0x1280] =	vst v3  }
0x133: {  	v3 =	vld [tilespmem:s1+$0x50];
	_ =	sdelay $0x4  }
0x134: {  	v3 =	vadd.s32 v2, v3  }
0x135: {  	[tilespmem:$0x1090] =	vst v3  }
0x136: {  	v3 =	vld [tilespmem:s1+$0x850];
	_ =	sdelay $0x4  }
0x137: {  	[tilespmem:$0x1290] =	vst v3  }
0x138: {  	v3 =	vld [tilespmem:s1+$0x60];
	_ =	sdelay $0x4  }
0x139: {  	v3 =	vadd.s32 v2, v3  }
0x13a: {  	[tilespmem:$0x10A0] =	vst v3  }
0x13b: {  	v3 =	vld [tilespmem:s1+$0x860];
	_ =	sdelay $0x4  }
0x13c: {  	[tilespmem:$0x12A0] =	vst v3  }
0x13d: {  	v3 =	vld [tilespmem:s1+$0x70];
	_ =	sdelay $0x4  }
0x13e: {  	v3 =	vadd.s32 v2, v3  }
0x13f: {  	[tilespmem:$0x10B0] =	vst v3  }
0x140: {  	v3 =	vld [tilespmem:s1+$0x870];
	_ =	sdelay $0x4  }
0x141: {  	[tilespmem:$0x12B0] =	vst v3  }
0x142: {  	[tilespmem:s21], [sflag:$0x2] =	stream.indirect.gather [hbm4b:s5+s17], $0x80, s20, s17, $0xb8;
	[tilespmem:$0x1CCC0] =	vst v63  }
0x143: {  	v3 =	vld [tilespmem:s1+$0x80];
	_ =	sdelay $0x4  }
0x144: {  	v3 =	vadd.s32 v2, v3  }
0x145: {  	[tilespmem:$0x1100] =	vst v3  }
0x146: {  	v3 =	vld [tilespmem:s1+$0x880];
	_ =	sdelay $0x4  }
0x147: {  	[tilespmem:$0x1300] =	vst v3  }
0x148: {  	v3 =	vld [tilespmem:s1+$0x90];
	_ =	sdelay $0x4  }
0x149: {  	v3 =	vadd.s32 v2, v3  }
0x14a: {  	[tilespmem:$0x1110] =	vst v3  }
0x14b: {  	v3 =	vld [tilespmem:s1+$0x890];
	_ =	sdelay $0x4  }
0x14c: {  	[tilespmem:$0x1310] =	vst v3  }
0x14d: {  	v3 =	vld [tilespmem:s1+$0xA0];
	_ =	sdelay $0x4  }
0x14e: {  	v3 =	vadd.s32 v2, v3  }
0x14f: {  	[tilespmem:$0x1120] =	vst v3  }
0x150: {  	v3 =	vld [tilespmem:s1+$0x8A0];
	_ =	sdelay $0x4  }
0x151: {  	[tilespmem:$0x1320] =	vst v3  }
0x152: {  	v3 =	vld [tilespmem:s1+$0xB0];
	_ =	sdelay $0x4  }
0x153: {  	v3 =	vadd.s32 v2, v3  }
0x154: {  	[tilespmem:$0x1130] =	vst v3  }
0x155: {  	v3 =	vld [tilespmem:s1+$0x8B0];
	_ =	sdelay $0x4  }
0x156: {  	[tilespmem:$0x1330] =	vst v3  }
0x157: {  	[tilespmem:s23], [sflag:$0x3] =	stream.indirect.gather [hbm4b:s5+s17], $0x80, s22, s17, $0xb8;
	[tilespmem:$0x1CCC0] =	vst v63  }
0x158: {  	v3 =	vld [tilespmem:s1+$0xC0];
	_ =	sdelay $0x4  }
0x159: {  	v3 =	vadd.s32 v2, v3  }
0x15a: {  	[tilespmem:$0x1180] =	vst v3  }
0x15b: {  	v3 =	vld [tilespmem:s1+$0x8C0];
	_ =	sdelay $0x4  }
0x15c: {  	[tilespmem:$0x1380] =	vst v3  }
0x15d: {  	v3 =	vld [tilespmem:s1+$0xD0];
	_ =	sdelay $0x4  }
0x15e: {  	v3 =	vadd.s32 v2, v3  }
0x15f: {  	[tilespmem:$0x1190] =	vst v3  }
0x160: {  	v3 =	vld [tilespmem:s1+$0x8D0];
	_ =	sdelay $0x4  }
0x161: {  	[tilespmem:$0x1390] =	vst v3  }
0x162: {  	v3 =	vld [tilespmem:s1+$0xE0];
	_ =	sdelay $0x4  }
0x163: {  	v3 =	vadd.s32 v2, v3  }
0x164: {  	[tilespmem:$0x11A0] =	vst v3  }
0x165: {  	v3 =	vld [tilespmem:s1+$0x8E0];
	_ =	sdelay $0x4  }
0x166: {  	[tilespmem:$0x13A0] =	vst v3  }
0x167: {  	v3 =	vld [tilespmem:s1+$0xF0];
	_ =	sdelay $0x4  }
0x168: {  	v3 =	vadd.s32 v2, v3  }
0x169: {  	[tilespmem:$0x11B0] =	vst v3  }
0x16a: {  	v3 =	vld [tilespmem:s1+$0x8F0];
	_ =	sdelay $0x4  }
0x16b: {  	[tilespmem:$0x13B0] =	vst v3  }
0x16c: {  	[tilespmem:s25], [sflag:$0x4] =	stream.indirect.gather [hbm4b:s5+s17], $0x80, s24, s17, $0xb8;
	[tilespmem:$0x1CCC0] =	vst v63  }
0x16d: {  	_ =	swait.ge [sflag:s26], $0x2000  }
0x16e: {  	[sflag:s26] =	ssyncset.done $0x0  }
0x16f: {  	[sflag:s26] =	ssyncadd.s32 $0xFFFFE000  }
0x170: {  	[spmem:s2] =	stream.indirect.scatter.add.f32 [tilespmem:s19], [sflag:$0x5], $0x80, s28, s17, $0xb8;
	[tilespmem:$0x1CCC0] =	vst v63  }
0x171: {  	_ =	swait.ge [sflag:s29], $0x2000  }
0x172: {  	[sflag:s29] =	ssyncset.done $0x0  }
0x173: {  	[sflag:s29] =	ssyncadd.s32 $0xFFFFE000  }
0x174: {  	[spmem:s2] =	stream.indirect.scatter.add.f32 [tilespmem:s21], [sflag:$0x6], $0x80, s30, s17, $0xb8;
	[tilespmem:$0x1CCC0] =	vst v63  }
0x175: {  	_ =	swait.ge [sflag:s31], $0x2000  }
0x176: {  	[sflag:s31] =	ssyncset.done $0x0  }
0x177: {  	[sflag:s31] =	ssyncadd.s32 $0xFFFFE000  }
0x178: {  	[spmem:s2] =	stream.indirect.scatter.add.f32 [tilespmem:s23], [sflag:$0x7], $0x80, s0, s17, $0xb8;
	[tilespmem:$0x1CCC0] =	vst v63  }
0x179: {  	_ =	swait.ge [sflag:s3], $0x2000  }
0x17a: {  	[sflag:s3] =	ssyncset.done $0x0  }
0x17b: {  	[sflag:s3] =	ssyncadd.s32 $0xFFFFE000  }
0x17c: {  	[spmem:s2] =	stream.indirect.scatter.add.f32 [tilespmem:s25], [sflag:$0x8], $0x80, s11, s17, $0xb8;
	[tilespmem:$0x1CCC0] =	vst v63  }
0x17d: {  	_ =	swait.ge [sflag:s4], $0x2000  }
0x17e: {  	[sflag:s4] =	ssyncset.done $0x0  }
0x17f: {  	[sflag:s4] =	ssyncadd.s32 $0xFFFFE000  }
0x180: {  	_ =	swait.ge [sflag:s8], $0x2000  }
0x181: {  	[sflag:s8] =	ssyncset.done $0x0  }
0x182: {  	s12 =	sadd.s32 $0x1, s12;
	[sflag:s8] =	ssyncadd.s32 $0xFFFFE000  }
0x183: {  	p1 =	sne.s32 s12, $0xA;
	_ =	swait.ge [sflag:s9], $0x2000  }
.Ltmp1:
0x184: {  	[sflag:s9] =	ssyncset.done $0x0;
	(pc) =	sbr.rel @p1 .LBB2_3-.Ltmp1, $4  }
0x185: {  	[sflag:s9] =	ssyncadd.s32 $0xFFFFE000  }
0x186: {  	_ =	swait.ge [sflag:s7], $0x2000  }
0x187: {  	[sflag:s7] =	ssyncset.done $0x0  }
0x188: {  	[sflag:s7] =	ssyncadd.s32 $0xFFFFE000  }
0x189: {  	[bflag:$0x0] =	sbarrier.arrive $0xFFFF  }
0x18a: {  	s6 =	rddreg [dreg:$0x6]  }
0x18b: {  	s1 =	rddreg [dreg:$0xe]  }
0x18c: {  	s13 =	rddreg [dreg:$0xa]  }
0x18d: {  	s15 =	rddreg [dreg:$0xb];
	s1 =	sadd.s32 s6, s1  }
0x18e: {  	[hbm:s1], [sflag:s13] =	dma.local [spmem:s15], $0x2700  }
0x18f: {  	_ =	swait.ge [sflag:s14], $0x2700  }
0x190: {  	s1 =	rddreg [dreg:$0xf]  }
0x191: {  	[sflag:s14] =	ssyncset.done $0x0;
	s1 =	sadd.s32 @!p0 s6, s1  }
0x192: {  	s16 =	rddreg [dreg:$0xc];
	[sflag:s14] =	ssyncadd.s32 $0xFFFFD900;
	s1 =	sadd.s32 @!p0 $0x27000, s1  }
0x193: {  	[hbm:s1], [sflag:s13] =	dma.local @!p0 [spmem:s16], $0x100  }
0x194: {  	s1 =	simm.s32 @!p0 $0x9  }
0x195: {  	_ =	swait.ge @!p0 [sflag:s1], $0x100  }
0x196: {  	s12 =	rddreg [dreg:$0xd]  }
0x197: {  	s6 =	sadd.s32 $0x1, s12  }
0x198: {  	p1 =	sne.s32 s6, $0xC  }
.Ltmp2:
0x199: {  	_ = 	snop;
	(pc) =	sbr.rel @p1 .LBB2_2-.Ltmp2, $3  }
0x19a: {  	[sflag:s1] =	ssyncset.done @!p0 $0x0  }
0x19b: {  	[sflag:s1] =	ssyncadd.s32 @!p0 $0xFFFFFF00  }
0x19c: {  	[bflag:$0x0] =	sbarrier.arrive $0xFFFF;
	_ =	sdelay $0x1  }
0x19d: {  	s12 =	rddreg [dreg:$0x4]  }
0x19e: {  	s1 =	rddreg [dreg:$0x9];
	s12 =	sadd.s32 $0x1, s12  }
0x19f: {  	p1 =	sne.s32 s12, s1  }
.Ltmp3:
0x1a0: {  	_ = 	snop;
	(pc) =	sbr.rel @p1 .LBB2_1-.Ltmp3, $1  }
0x1a1: {  	_ =	sdelay $0x3  }
0x1a2: {  	_ =	sfence.sel $0x180000  }
0x1a3: {  	[bflag:$0x0] =	sbarrier.arrive $0xFFFF  }
0x1a4: {  	_ =	strace $0x9000004A  }
0x1a5: {  	s0 =	stileid.u32;
	[bflag:$0x2] =	sbarrier.arrive $0xFFFF  }
0x1a6: {  	p0 =	sne.s32 s0, $0x0;
	s0 =	rddreg [dreg:$0x3]  }
0x1a7: {  	s0 =	sadd.s32 @!p0 $0x100000, s0  }
0x1a8: {  	[sflag:s0] =	ssyncadd.tile.s32 @!p0 $0x1;
	_ =	shalt  }
.Lfunc_end2:
_tile_overlayer_lowered:
.L_overlay_start_2:
0x1a9: {  	(tag) =	ssettag $0x2  }
0x1aa: {  	s0 =	rddreg [dreg:$0x0];
	s2 =	stileid.u32  }
0x1ab: {  	s1 =	rddreg [dreg:$0x1];
	p0 =	sne.s32 s2, $0x0  }
0x1ac: {  	s3 =	rddreg [dreg:$0x2];
	[bflag:$0x3] =	sbarrier.arrive $0xFFFF;
	s2 =	simm.s32 @!p0 $0x1C09  }
0x1ad: {  	[timem:s3], [sflag:s2] =	dma.local @!p0 [hbm:s0], s1  }
0x1ae: {  	s0 =	simm.s32 @!p0 $0x9  }
0x1af: {  	_ =	swait.ge @!p0 [sflag:s0], s1  }
0x1b0: {  	s1 =	ssub.s32 @!p0 $0x0, s1;
	[sflag:s0] =	ssyncset.done @!p0 $0x0  }
0x1b1: {  	[sflag:s0] =	ssyncadd.s32 @!p0 s1  }
0x1b2: {  	[bflag:$0x3] =	sbarrier.arrive $0xFFFF  }
0x1b3: {  	_ =	shalt  }

</sc_bundles>
